<compile_context>
chip_gen: v7x
topology: tpu7x:2x2x1
jax: 0.10.2.dev20260603
libtpu: 0.0.44.dev20260713+nightly
codegen_flags: <defaults>
</compile_context>

<pallas_src>
import functools

import jax
import jax.numpy as jnp
from jax import lax
from jax.experimental import pallas as pl
from jax.experimental.pallas import tpu as pltpu
from jax.experimental.pallas import tpu_sc as plsc

D = 64
NW = 32
CHUNK = 512
L = 16
TPAD = 17040


@functools.partial(jax.jit, static_argnums=(2,))
def _sc_lookup(table_pad, idx_flat, n):
    bpw = n // NW
    nchunk = bpw // CHUNK
    mesh = plsc.VectorSubcoreMesh(core_axis_name="c", subcore_axis_name="s")

    @functools.partial(
        pl.kernel,
        out_type=jax.ShapeDtypeStruct((n // 2, 2 * D), jnp.float32),
        mesh=mesh,
        scratch_types=[
            pltpu.VMEM((TPAD,), jnp.float32),
            pltpu.VMEM((bpw,), jnp.int32),
            pltpu.VMEM((2, CHUNK // 2, 2 * D), jnp.float32),
            pltpu.SemaphoreType.DMA,
        ],
        compiler_params=pltpu.CompilerParams(
            use_tc_tiling_on_sc=False, needs_layout_passes=False
        ),
    )
    def k(table_hbm, idx_hbm, out_hbm, table_v, idx_v, buf_v, wsem):
        wid = lax.axis_index("s") * 2 + lax.axis_index("c")
        base = wid * bpw
        pltpu.sync_copy(table_hbm, table_v)
        pltpu.sync_copy(idx_hbm.at[pl.ds(base, bpw)], idx_v)

        lanes = lax.iota(jnp.int32, L)
        lane_row2 = lax.shift_right_logical(lanes, 1)
        lane_colb = (lanes & 1) * D

        def write(c, b, start):
            cp = pltpu.make_async_copy(
                buf_v.at[b],
                out_hbm.at[pl.ds((base + c * CHUNK) // 2, CHUNK // 2)],
                wsem,
            )
            cp.start() if start else cp.wait()

        def compute(c, b):
            bufb = buf_v.at[b]

            def group(g, carry):
                idx16 = idx_v[pl.ds(c * CHUNK + g * L, L)]
                src0 = idx16 * 65
                row2 = g * (L // 2) + lane_row2
                for k0 in range(0, D, 16):
                    diags = [(lanes + (k0 + j)) & 63 for j in range(16)]
                    vals = [
                        plsc.load_gather(table_v, [src0 + dg]) for dg in diags
                    ]
                    for dg, v in zip(diags, vals):
                        plsc.store_scatter(bufb, [row2, lane_colb + dg], v)
                return carry

            lax.fori_loop(0, CHUNK // L, group, 0)

        def body(o, carry):
            for b in range(2):
                c = o * 2 + b
                compute(c, b)
                pl.when(c >= 1)(lambda: write(c - 1, (b + 1) % 2, False))
                write(c, b, True)
            return carry

        lax.fori_loop(0, nchunk // 2, body, 0)
        write(nchunk - 1, (nchunk - 1) % 2, False)

    return k(table_pad, idx_flat)


def kernel(char_idx, table):
    b, s, t = char_idx.shape
    n = b * s * t
    idx_flat = char_idx.reshape(-1).astype(jnp.int32)
    table_pad = jnp.pad(table, ((0, 0), (0, 1))).reshape(-1)
    table_pad = jnp.pad(table_pad, (0, TPAD - table_pad.shape[0]))
    out = _sc_lookup(table_pad, idx_flat, n)
    return out.reshape(b, s, t, D)

# --- scband reference (transcript-rebuilt; emitter-appended) ---
"""Pipeline reference for scband-char-embeddings-45990509805651 (READ-ONLY COPY).

The authoritative reference and input builder live on the scoring server;
editing this copy changes nothing except your own understanding.
"""

import jax, jax.numpy as jnp
import numpy as np

NUM_CHAR = 262
CHAR_EMB_SIZE = 64


def setup_inputs(seed: int = 0) -> dict:
    key = jax.random.key(seed)
    k_idx, k_emb = jax.random.split(key)
    char_idx = jax.random.randint(k_idx, (64, 512, 16), 0, NUM_CHAR, dtype=jnp.int64)
    # Embedding table: row 0 is zeros (padding), rest uniform in [-0.1, 0.1]
    rest = jax.random.uniform(k_emb, (NUM_CHAR - 1, CHAR_EMB_SIZE), minval=-0.1, maxval=0.1, dtype=jnp.float32)
    table = jnp.concatenate([jnp.zeros((1, CHAR_EMB_SIZE), dtype=jnp.float32), rest], axis=0)
    return {"char_idx": char_idx, "table": table}


def reference(char_idx, table):
    batch_l, seq_l, token_l = char_idx.shape
    char_emb_size = table.shape[1]
    flat_idx = char_idx.reshape(-1)
    char_emb = jnp.take(table, flat_idx, axis=0)
    char_emb = char_emb.reshape(batch_l, seq_l, token_l, char_emb_size)
    return char_emb

if __name__ == "__main__":
    import jax
    _d = setup_inputs()
    print(jax.jit(kernel)(*tuple(_d.values())))

</pallas_src>

<mosaic_0001>
#map = affine_map<(d0, d1) -> (0)>
#map1 = affine_map<(d0, d1) -> (0, 0)>
module attributes {stable_mosaic.version = 14 : i64} {
  func.func @k(%arg0: i32, %arg1: i32, %arg2: memref<17040xf32, #tpu.memory_space<hbm>>, %arg3: memref<524288xi32, #tpu.memory_space<hbm>>, %arg4: memref<262144x128xf32, #tpu.memory_space<hbm>>, %arg5: memref<17040xf32, #tpu.memory_space<vmem>>, %arg6: memref<16384xi32, #tpu.memory_space<vmem>>, %arg7: memref<2x256x128xf32, #tpu.memory_space<vmem>>, %arg8: memref<!tpu.dma_semaphore, #tpu.memory_space<semaphore_mem>>) attributes {dimension_semantics = [#tpu.dimension_semantics<core_parallel>, #tpu.dimension_semantics<subcore_parallel>], iteration_bounds = array<i64: 2, 16>, scalar_prefetch = 0 : i64, scratch_operands = 4 : i64, tpu.core_type = #tpu.core_type<sc_vector_subcore>, window_params = [{transform_indices = #map}, {transform_indices = #map}, {transform_indices = #map1}]} {
    %mul3A = arith.constant 2 : i32
    %mul3A_0 = arith.muli %arg1, %mul3A : i32
    %add3A = arith.addi %mul3A_0, %arg0 : i32
    %mul3A_1 = arith.constant 16384 : i32
    %mul3A_2 = arith.muli %add3A, %mul3A_1 : i32
    "tpu.region"() ({
      %run_scoped3A = tpu.sem_alloc : memref<!tpu.dma_semaphore, #tpu.memory_space<semaphore_mem>>
      tpu.enqueue_dma source(%arg2 : memref<17040xf32, #tpu.memory_space<hbm>>) target(%arg5 : memref<17040xf32, #tpu.memory_space<vmem>>) target_semaphore(%run_scoped3A : memref<!tpu.dma_semaphore, #tpu.memory_space<semaphore_mem>>)
      tpu.wait_dma2 semaphore(%run_scoped3A : memref<!tpu.dma_semaphore, #tpu.memory_space<semaphore_mem>>) src(%arg2 : memref<17040xf32, #tpu.memory_space<hbm>>) dst(%arg5 : memref<17040xf32, #tpu.memory_space<vmem>>)
      tpu.yield
    }) : () -> ()
    "tpu.region"() ({
      %run_scoped3A = tpu.sem_alloc : memref<!tpu.dma_semaphore, #tpu.memory_space<semaphore_mem>>
      %dma_start3A = tpu.memref_slice %arg3[%mul3A_2] : memref<524288xi32, #tpu.memory_space<hbm>> -> memref<16384xi32, #tpu.memory_space<hbm>>
      %dma_start3A_46 = tpu.memref_slice %arg3[%mul3A_2] : memref<524288xi32, #tpu.memory_space<hbm>> -> memref<16384xi32, #tpu.memory_space<hbm>>
      tpu.enqueue_dma source(%dma_start3A_46 : memref<16384xi32, #tpu.memory_space<hbm>>) target(%arg6 : memref<16384xi32, #tpu.memory_space<vmem>>) target_semaphore(%run_scoped3A : memref<!tpu.dma_semaphore, #tpu.memory_space<semaphore_mem>>)
      %dma_wait3A_47 = tpu.memref_slice %arg3[%mul3A_2] : memref<524288xi32, #tpu.memory_space<hbm>> -> memref<16384xi32, #tpu.memory_space<hbm>>
      %dma_wait3A_48 = tpu.memref_slice %arg3[%mul3A_2] : memref<524288xi32, #tpu.memory_space<hbm>> -> memref<16384xi32, #tpu.memory_space<hbm>>
      tpu.wait_dma2 semaphore(%run_scoped3A : memref<!tpu.dma_semaphore, #tpu.memory_space<semaphore_mem>>) src(%dma_wait3A_48 : memref<16384xi32, #tpu.memory_space<hbm>>) dst(%arg6 : memref<16384xi32, #tpu.memory_space<vmem>>)
      tpu.yield
    }) : () -> ()
    %iota3A = tpu.iota {dimensions = array<i32: 0>} : vector<16xi32>
    %shift_right_logical3A = arith.constant 1 : i32
    %shift_right_logical3A_3 = vector.broadcast %shift_right_logical3A : i32 to vector<16xi32>
    %shift_right_logical3A_4 = arith.shrui %iota3A, %shift_right_logical3A_3 : vector<16xi32>
    %and3A = arith.constant 1 : i32
    %and3A_5 = vector.broadcast %and3A : i32 to vector<16xi32>
    %and3A_6 = arith.andi %iota3A, %and3A_5 : vector<16xi32>
    %mul3A_7 = arith.constant 64 : i32
    %mul3A_8 = vector.broadcast %mul3A_7 : i32 to vector<16xi32>
    %mul3A_9 = arith.muli %and3A_6, %mul3A_8 : vector<16xi32>
    %scan3A = arith.constant 0 : i32
    %scan3A_10 = arith.constant 0 : i32
    %scan3A_11 = arith.constant 16 : i32
    %scan3A_12 = arith.addi %scan3A_10, %scan3A_11 : i32
    %scan3A_13 = arith.constant 1 : i32
    scf.for %scan3A_46 = %scan3A_10 to %scan3A_12 step %scan3A_13  : i32 {
      %mul3A_47 = arith.constant 2 : i32
      %mul3A_48 = arith.muli %scan3A_46, %mul3A_47 : i32
      %add3A_49 = arith.constant 0 : i32
      %add3A_50 = arith.addi %mul3A_48, %add3A_49 : i32
      %scan3A_51 = arith.constant 0 : i32
      %scan3A_52 = arith.constant 0 : i32
      %scan3A_53 = arith.constant 0 : i32
      %scan3A_54 = arith.constant 32 : i32
      %scan3A_55 = arith.addi %scan3A_53, %scan3A_54 : i32
      %scan3A_56 = arith.constant 1 : i32
      scf.for %scan3A_155 = %scan3A_53 to %scan3A_55 step %scan3A_56  : i32 {
        %mul3A_156 = arith.constant 512 : i32
        %mul3A_157 = arith.muli %add3A_50, %mul3A_156 : i32
        %mul3A_158 = arith.constant 16 : i32
        %mul3A_159 = arith.muli %scan3A_155, %mul3A_158 : i32
        %add3A_160 = arith.addi %mul3A_157, %mul3A_159 : i32
        %get3A = arith.index_cast %add3A_160 : i32 to index
        %get3A_161 = tpu.vector_load %arg6[%get3A] {strides = array<i32>} : memref<16384xi32, #tpu.memory_space<vmem>>, vector<16xi32>,
        %mul3A_162 = arith.constant 65 : i32
        %mul3A_163 = vector.broadcast %mul3A_162 : i32 to vector<16xi32>
        %mul3A_164 = arith.muli %get3A_161, %mul3A_163 : vector<16xi32>
        %mul3A_165 = arith.constant 8 : i32
        %mul3A_166 = arith.muli %scan3A_155, %mul3A_165 : i32
        %add3A_167 = vector.broadcast %mul3A_166 : i32 to vector<16xi32>
        %add3A_168 = arith.addi %add3A_167, %shift_right_logical3A_4 : vector<16xi32>
        %add3A_169 = arith.constant 0 : i32
        %add3A_170 = vector.broadcast %add3A_169 : i32 to vector<16xi32>
        %add3A_171 = arith.addi %iota3A, %add3A_170 : vector<16xi32>
        %and3A_172 = arith.constant 63 : i32
        %and3A_173 = vector.broadcast %and3A_172 : i32 to vector<16xi32>
        %and3A_174 = arith.andi %add3A_171, %and3A_173 : vector<16xi32>
        %add3A_175 = arith.constant 1 : i32
        %add3A_176 = vector.broadcast %add3A_175 : i32 to vector<16xi32>
        %add3A_177 = arith.addi %iota3A, %add3A_176 : vector<16xi32>
        %and3A_178 = arith.constant 63 : i32
        %and3A_179 = vector.broadcast %and3A_178 : i32 to vector<16xi32>
        %and3A_180 = arith.andi %add3A_177, %and3A_179 : vector<16xi32>
        %add3A_181 = arith.constant 2 : i32
        %add3A_182 = vector.broadcast %add3A_181 : i32 to vector<16xi32>
        %add3A_183 = arith.addi %iota3A, %add3A_182 : vector<16xi32>
        %and3A_184 = arith.constant 63 : i32
        %and3A_185 = vector.broadcast %and3A_184 : i32 to vector<16xi32>
        %and3A_186 = arith.andi %add3A_183, %and3A_185 : vector<16xi32>
        %add3A_187 = arith.constant 3 : i32
        %add3A_188 = vector.broadcast %add3A_187 : i32 to vector<16xi32>
        %add3A_189 = arith.addi %iota3A, %add3A_188 : vector<16xi32>
        %and3A_190 = arith.constant 63 : i32
        %and3A_191 = vector.broadcast %and3A_190 : i32 to vector<16xi32>
        %and3A_192 = arith.andi %add3A_189, %and3A_191 : vector<16xi32>
        %add3A_193 = arith.constant 4 : i32
        %add3A_194 = vector.broadcast %add3A_193 : i32 to vector<16xi32>
        %add3A_195 = arith.addi %iota3A, %add3A_194 : vector<16xi32>
        %and3A_196 = arith.constant 63 : i32
        %and3A_197 = vector.broadcast %and3A_196 : i32 to vector<16xi32>
        %and3A_198 = arith.andi %add3A_195, %and3A_197 : vector<16xi32>
        %add3A_199 = arith.constant 5 : i32
        %add3A_200 = vector.broadcast %add3A_199 : i32 to vector<16xi32>
        %add3A_201 = arith.addi %iota3A, %add3A_200 : vector<16xi32>
        %and3A_202 = arith.constant 63 : i32
        %and3A_203 = vector.broadcast %and3A_202 : i32 to vector<16xi32>
        %and3A_204 = arith.andi %add3A_201, %and3A_203 : vector<16xi32>
        %add3A_205 = arith.constant 6 : i32
        %add3A_206 = vector.broadcast %add3A_205 : i32 to vector<16xi32>
        %add3A_207 = arith.addi %iota3A, %add3A_206 : vector<16xi32>
        %and3A_208 = arith.constant 63 : i32
        %and3A_209 = vector.broadcast %and3A_208 : i32 to vector<16xi32>
        %and3A_210 = arith.andi %add3A_207, %and3A_209 : vector<16xi32>
        %add3A_211 = arith.constant 7 : i32
        %add3A_212 = vector.broadcast %add3A_211 : i32 to vector<16xi32>
        %add3A_213 = arith.addi %iota3A, %add3A_212 : vector<16xi32>
        %and3A_214 = arith.constant 63 : i32
        %and3A_215 = vector.broadcast %and3A_214 : i32 to vector<16xi32>
        %and3A_216 = arith.andi %add3A_213, %and3A_215 : vector<16xi32>
        %add3A_217 = arith.constant 8 : i32
        %add3A_218 = vector.broadcast %add3A_217 : i32 to vector<16xi32>
        %add3A_219 = arith.addi %iota3A, %add3A_218 : vector<16xi32>
        %and3A_220 = arith.constant 63 : i32
        %and3A_221 = vector.broadcast %and3A_220 : i32 to vector<16xi32>
        %and3A_222 = arith.andi %add3A_219, %and3A_221 : vector<16xi32>
        %add3A_223 = arith.constant 9 : i32
        %add3A_224 = vector.broadcast %add3A_223 : i32 to vector<16xi32>
        %add3A_225 = arith.addi %iota3A, %add3A_224 : vector<16xi32>
        %and3A_226 = arith.constant 63 : i32
        %and3A_227 = vector.broadcast %and3A_226 : i32 to vector<16xi32>
        %and3A_228 = arith.andi %add3A_225, %and3A_227 : vector<16xi32>
        %add3A_229 = arith.constant 10 : i32
        %add3A_230 = vector.broadcast %add3A_229 : i32 to vector<16xi32>
        %add3A_231 = arith.addi %iota3A, %add3A_230 : vector<16xi32>
        %and3A_232 = arith.constant 63 : i32
        %and3A_233 = vector.broadcast %and3A_232 : i32 to vector<16xi32>
        %and3A_234 = arith.andi %add3A_231, %and3A_233 : vector<16xi32>
        %add3A_235 = arith.constant 11 : i32
        %add3A_236 = vector.broadcast %add3A_235 : i32 to vector<16xi32>
        %add3A_237 = arith.addi %iota3A, %add3A_236 : vector<16xi32>
        %and3A_238 = arith.constant 63 : i32
        %and3A_239 = vector.broadcast %and3A_238 : i32 to vector<16xi32>
        %and3A_240 = arith.andi %add3A_237, %and3A_239 : vector<16xi32>
        %add3A_241 = arith.constant 12 : i32
        %add3A_242 = vector.broadcast %add3A_241 : i32 to vector<16xi32>
        %add3A_243 = arith.addi %iota3A, %add3A_242 : vector<16xi32>
        %and3A_244 = arith.constant 63 : i32
        %and3A_245 = vector.broadcast %and3A_244 : i32 to vector<16xi32>
        %and3A_246 = arith.andi %add3A_243, %and3A_245 : vector<16xi32>
        %add3A_247 = arith.constant 13 : i32
        %add3A_248 = vector.broadcast %add3A_247 : i32 to vector<16xi32>
        %add3A_249 = arith.addi %iota3A, %add3A_248 : vector<16xi32>
        %and3A_250 = arith.constant 63 : i32
        %and3A_251 = vector.broadcast %and3A_250 : i32 to vector<16xi32>
        %and3A_252 = arith.andi %add3A_249, %and3A_251 : vector<16xi32>
        %add3A_253 = arith.constant 14 : i32
        %add3A_254 = vector.broadcast %add3A_253 : i32 to vector<16xi32>
        %add3A_255 = arith.addi %iota3A, %add3A_254 : vector<16xi32>
        %and3A_256 = arith.constant 63 : i32
        %and3A_257 = vector.broadcast %and3A_256 : i32 to vector<16xi32>
        %and3A_258 = arith.andi %add3A_255, %and3A_257 : vector<16xi32>
        %add3A_259 = arith.constant 15 : i32
        %add3A_260 = vector.broadcast %add3A_259 : i32 to vector<16xi32>
        %add3A_261 = arith.addi %iota3A, %add3A_260 : vector<16xi32>
        %and3A_262 = arith.constant 63 : i32
        %and3A_263 = vector.broadcast %and3A_262 : i32 to vector<16xi32>
        %and3A_264 = arith.andi %add3A_261, %and3A_263 : vector<16xi32>
        %add3A_265 = arith.addi %mul3A_164, %and3A_174 : vector<16xi32>
        %gather3A = tpu.vector_load_idx %arg5[%add3A_265] : memref<17040xf32, #tpu.memory_space<vmem>>[vector<16xi32>], vector<16xf32>,
        %add3A_266 = arith.addi %mul3A_164, %and3A_180 : vector<16xi32>
        %gather3A_267 = tpu.vector_load_idx %arg5[%add3A_266] : memref<17040xf32, #tpu.memory_space<vmem>>[vector<16xi32>], vector<16xf32>,
        %add3A_268 = arith.addi %mul3A_164, %and3A_186 : vector<16xi32>
        %gather3A_269 = tpu.vector_load_idx %arg5[%add3A_268] : memref<17040xf32, #tpu.memory_space<vmem>>[vector<16xi32>], vector<16xf32>,
        %add3A_270 = arith.addi %mul3A_164, %and3A_192 : vector<16xi32>
        %gather3A_271 = tpu.vector_load_idx %arg5[%add3A_270] : memref<17040xf32, #tpu.memory_space<vmem>>[vector<16xi32>], vector<16xf32>,
        %add3A_272 = arith.addi %mul3A_164, %and3A_198 : vector<16xi32>
        %gather3A_273 = tpu.vector_load_idx %arg5[%add3A_272] : memref<17040xf32, #tpu.memory_space<vmem>>[vector<16xi32>], vector<16xf32>,
        %add3A_274 = arith.addi %mul3A_164, %and3A_204 : vector<16xi32>
        %gather3A_275 = tpu.vector_load_idx %arg5[%add3A_274] : memref<17040xf32, #tpu.memory_space<vmem>>[vector<16xi32>], vector<16xf32>,
        %add3A_276 = arith.addi %mul3A_164, %and3A_210 : vector<16xi32>
        %gather3A_277 = tpu.vector_load_idx %arg5[%add3A_276] : memref<17040xf32, #tpu.memory_space<vmem>>[vector<16xi32>], vector<16xf32>,
        %add3A_278 = arith.addi %mul3A_164, %and3A_216 : vector<16xi32>
        %gather3A_279 = tpu.vector_load_idx %arg5[%add3A_278] : memref<17040xf32, #tpu.memory_space<vmem>>[vector<16xi32>], vector<16xf32>,
        %add3A_280 = arith.addi %mul3A_164, %and3A_222 : vector<16xi32>
        %gather3A_281 = tpu.vector_load_idx %arg5[%add3A_280] : memref<17040xf32, #tpu.memory_space<vmem>>[vector<16xi32>], vector<16xf32>,
        %add3A_282 = arith.addi %mul3A_164, %and3A_228 : vector<16xi32>
        %gather3A_283 = tpu.vector_load_idx %arg5[%add3A_282] : memref<17040xf32, #tpu.memory_space<vmem>>[vector<16xi32>], vector<16xf32>,
        %add3A_284 = arith.addi %mul3A_164, %and3A_234 : vector<16xi32>
        %gather3A_285 = tpu.vector_load_idx %arg5[%add3A_284] : memref<17040xf32, #tpu.memory_space<vmem>>[vector<16xi32>], vector<16xf32>,
        %add3A_286 = arith.addi %mul3A_164, %and3A_240 : vector<16xi32>
        %gather3A_287 = tpu.vector_load_idx %arg5[%add3A_286] : memref<17040xf32, #tpu.memory_space<vmem>>[vector<16xi32>], vector<16xf32>,
        %add3A_288 = arith.addi %mul3A_164, %and3A_246 : vector<16xi32>
        %gather3A_289 = tpu.vector_load_idx %arg5[%add3A_288] : memref<17040xf32, #tpu.memory_space<vmem>>[vector<16xi32>], vector<16xf32>,
        %add3A_290 = arith.addi %mul3A_164, %and3A_252 : vector<16xi32>
        %gather3A_291 = tpu.vector_load_idx %arg5[%add3A_290] : memref<17040xf32, #tpu.memory_space<vmem>>[vector<16xi32>], vector<16xf32>,
        %add3A_292 = arith.addi %mul3A_164, %and3A_258 : vector<16xi32>
        %gather3A_293 = tpu.vector_load_idx %arg5[%add3A_292] : memref<17040xf32, #tpu.memory_space<vmem>>[vector<16xi32>], vector<16xf32>,
        %add3A_294 = arith.addi %mul3A_164, %and3A_264 : vector<16xi32>
        %gather3A_295 = tpu.vector_load_idx %arg5[%add3A_294] : memref<17040xf32, #tpu.memory_space<vmem>>[vector<16xi32>], vector<16xf32>,
        %add3A_296 = arith.addi %mul3A_9, %and3A_174 : vector<16xi32>
        %scatter3A = arith.constant 0 : i32
        %scatter3A_297 = arith.constant 0 : i32
        %scatter3A_298 = tpu.memref_slice %arg7[%scan3A_52, %scatter3A, %scatter3A_297] : memref<2x256x128xf32, #tpu.memory_space<vmem>> -> memref<1x256x128xf32, #tpu.memory_space<vmem>>
        %scatter3A_299 = tpu.memref_squeeze %scatter3A_298 : memref<1x256x128xf32, #tpu.memory_space<vmem>> -> memref<256x128xf32, #tpu.memory_space<vmem>>
        tpu.vector_store_idx %scatter3A_299[%add3A_168, %add3A_296], %gather3A : memref<256x128xf32, #tpu.memory_space<vmem>>[vector<16xi32>, vector<16xi32>], vector<16xf32>,
        %add3A_300 = arith.addi %mul3A_9, %and3A_180 : vector<16xi32>
        %scatter3A_301 = arith.constant 0 : i32
        %scatter3A_302 = arith.constant 0 : i32
        %scatter3A_303 = tpu.memref_slice %arg7[%scan3A_52, %scatter3A_301, %scatter3A_302] : memref<2x256x128xf32, #tpu.memory_space<vmem>> -> memref<1x256x128xf32, #tpu.memory_space<vmem>>
        %scatter3A_304 = tpu.memref_squeeze %scatter3A_303 : memref<1x256x128xf32, #tpu.memory_space<vmem>> -> memref<256x128xf32, #tpu.memory_space<vmem>>
        tpu.vector_store_idx %scatter3A_304[%add3A_168, %add3A_300], %gather3A_267 : memref<256x128xf32, #tpu.memory_space<vmem>>[vector<16xi32>, vector<16xi32>], vector<16xf32>,
        %add3A_305 = arith.addi %mul3A_9, %and3A_186 : vector<16xi32>
        %scatter3A_306 = arith.constant 0 : i32
        %scatter3A_307 = arith.constant 0 : i32
        %scatter3A_308 = tpu.memref_slice %arg7[%scan3A_52, %scatter3A_306, %scatter3A_307] : memref<2x256x128xf32, #tpu.memory_space<vmem>> -> memref<1x256x128xf32, #tpu.memory_space<vmem>>
        %scatter3A_309 = tpu.memref_squeeze %scatter3A_308 : memref<1x256x128xf32, #tpu.memory_space<vmem>> -> memref<256x128xf32, #tpu.memory_space<vmem>>
        tpu.vector_store_idx %scatter3A_309[%add3A_168, %add3A_305], %gather3A_269 : memref<256x128xf32, #tpu.memory_space<vmem>>[vector<16xi32>, vector<16xi32>], vector<16xf32>,
        %add3A_310 = arith.addi %mul3A_9, %and3A_192 : vector<16xi32>
        %scatter3A_311 = arith.constant 0 : i32
        %scatter3A_312 = arith.constant 0 : i32
        %scatter3A_313 = tpu.memref_slice %arg7[%scan3A_52, %scatter3A_311, %scatter3A_312] : memref<2x256x128xf32, #tpu.memory_space<vmem>> -> memref<1x256x128xf32, #tpu.memory_space<vmem>>
        %scatter3A_314 = tpu.memref_squeeze %scatter3A_313 : memref<1x256x128xf32, #tpu.memory_space<vmem>> -> memref<256x128xf32, #tpu.memory_space<vmem>>
        tpu.vector_store_idx %scatter3A_314[%add3A_168, %add3A_310], %gather3A_271 : memref<256x128xf32, #tpu.memory_space<vmem>>[vector<16xi32>, vector<16xi32>], vector<16xf32>,
        %add3A_315 = arith.addi %mul3A_9, %and3A_198 : vector<16xi32>
        %scatter3A_316 = arith.constant 0 : i32
        %scatter3A_317 = arith.constant 0 : i32
        %scatter3A_318 = tpu.memref_slice %arg7[%scan3A_52, %scatter3A_316, %scatter3A_317] : memref<2x256x128xf32, #tpu.memory_space<vmem>> -> memref<1x256x128xf32, #tpu.memory_space<vmem>>
        %scatter3A_319 = tpu.memref_squeeze %scatter3A_318 : memref<1x256x128xf32, #tpu.memory_space<vmem>> -> memref<256x128xf32, #tpu.memory_space<vmem>>
        tpu.vector_store_idx %scatter3A_319[%add3A_168, %add3A_315], %gather3A_273 : memref<256x128xf32, #tpu.memory_space<vmem>>[vector<16xi32>, vector<16xi32>], vector<16xf32>,
        %add3A_320 = arith.addi %mul3A_9, %and3A_204 : vector<16xi32>
        %scatter3A_321 = arith.constant 0 : i32
        %scatter3A_322 = arith.constant 0 : i32
        %scatter3A_323 = tpu.memref_slice %arg7[%scan3A_52, %scatter3A_321, %scatter3A_322] : memref<2x256x128xf32, #tpu.memory_space<vmem>> -> memref<1x256x128xf32, #tpu.memory_space<vmem>>
        %scatter3A_324 = tpu.memref_squeeze %scatter3A_323 : memref<1x256x128xf32, #tpu.memory_space<vmem>> -> memref<256x128xf32, #tpu.memory_space<vmem>>
        tpu.vector_store_idx %scatter3A_324[%add3A_168, %add3A_320], %gather3A_275 : memref<256x128xf32, #tpu.memory_space<vmem>>[vector<16xi32>, vector<16xi32>], vector<16xf32>,
        %add3A_325 = arith.addi %mul3A_9, %and3A_210 : vector<16xi32>
        %scatter3A_326 = arith.constant 0 : i32
        %scatter3A_327 = arith.constant 0 : i32
        %scatter3A_328 = tpu.memref_slice %arg7[%scan3A_52, %scatter3A_326, %scatter3A_327] : memref<2x256x128xf32, #tpu.memory_space<vmem>> -> memref<1x256x128xf32, #tpu.memory_space<vmem>>
        %scatter3A_329 = tpu.memref_squeeze %scatter3A_328 : memref<1x256x128xf32, #tpu.memory_space<vmem>> -> memref<256x128xf32, #tpu.memory_space<vmem>>
        tpu.vector_store_idx %scatter3A_329[%add3A_168, %add3A_325], %gather3A_277 : memref<256x128xf32, #tpu.memory_space<vmem>>[vector<16xi32>, vector<16xi32>], vector<16xf32>,
        %add3A_330 = arith.addi %mul3A_9, %and3A_216 : vector<16xi32>
        %scatter3A_331 = arith.constant 0 : i32
        %scatter3A_332 = arith.constant 0 : i32
        %scatter3A_333 = tpu.memref_slice %arg7[%scan3A_52, %scatter3A_331, %scatter3A_332] : memref<2x256x128xf32, #tpu.memory_space<vmem>> -> memref<1x256x128xf32, #tpu.memory_space<vmem>>
        %scatter3A_334 = tpu.memref_squeeze %scatter3A_333 : memref<1x256x128xf32, #tpu.memory_space<vmem>> -> memref<256x128xf32, #tpu.memory_space<vmem>>
        tpu.vector_store_idx %scatter3A_334[%add3A_168, %add3A_330], %gather3A_279 : memref<256x128xf32, #tpu.memory_space<vmem>>[vector<16xi32>, vector<16xi32>], vector<16xf32>,
        %add3A_335 = arith.addi %mul3A_9, %and3A_222 : vector<16xi32>
        %scatter3A_336 = arith.constant 0 : i32
        %scatter3A_337 = arith.constant 0 : i32
        %scatter3A_338 = tpu.memref_slice %arg7[%scan3A_52, %scatter3A_336, %scatter3A_337] : memref<2x256x128xf32, #tpu.memory_space<vmem>> -> memref<1x256x128xf32, #tpu.memory_space<vmem>>
        %scatter3A_339 = tpu.memref_squeeze %scatter3A_338 : memref<1x256x128xf32, #tpu.memory_space<vmem>> -> memref<256x128xf32, #tpu.memory_space<vmem>>
        tpu.vector_store_idx %scatter3A_339[%add3A_168, %add3A_335], %gather3A_281 : memref<256x128xf32, #tpu.memory_space<vmem>>[vector<16xi32>, vector<16xi32>], vector<16xf32>,
        %add3A_340 = arith.addi %mul3A_9, %and3A_228 : vector<16xi32>
        %scatter3A_341 = arith.constant 0 : i32
        %scatter3A_342 = arith.constant 0 : i32
        %scatter3A_343 = tpu.memref_slice %arg7[%scan3A_52, %scatter3A_341, %scatter3A_342] : memref<2x256x128xf32, #tpu.memory_space<vmem>> -> memref<1x256x128xf32, #tpu.memory_space<vmem>>
        %scatter3A_344 = tpu.memref_squeeze %scatter3A_343 : memref<1x256x128xf32, #tpu.memory_space<vmem>> -> memref<256x128xf32, #tpu.memory_space<vmem>>
        tpu.vector_store_idx %scatter3A_344[%add3A_168, %add3A_340], %gather3A_283 : memref<256x128xf32, #tpu.memory_space<vmem>>[vector<16xi32>, vector<16xi32>], vector<16xf32>,
        %add3A_345 = arith.addi %mul3A_9, %and3A_234 : vector<16xi32>
        %scatter3A_346 = arith.constant 0 : i32
        %scatter3A_347 = arith.constant 0 : i32
        %scatter3A_348 = tpu.memref_slice %arg7[%scan3A_52, %scatter3A_346, %scatter3A_347] : memref<2x256x128xf32, #tpu.memory_space<vmem>> -> memref<1x256x128xf32, #tpu.memory_space<vmem>>
        %scatter3A_349 = tpu.memref_squeeze %scatter3A_348 : memref<1x256x128xf32, #tpu.memory_space<vmem>> -> memref<256x128xf32, #tpu.memory_space<vmem>>
        tpu.vector_store_idx %scatter3A_349[%add3A_168, %add3A_345], %gather3A_285 : memref<256x128xf32, #tpu.memory_space<vmem>>[vector<16xi32>, vector<16xi32>], vector<16xf32>,
        %add3A_350 = arith.addi %mul3A_9, %and3A_240 : vector<16xi32>
        %scatter3A_351 = arith.constant 0 : i32
        %scatter3A_352 = arith.constant 0 : i32
        %scatter3A_353 = tpu.memref_slice %arg7[%scan3A_52, %scatter3A_351, %scatter3A_352] : memref<2x256x128xf32, #tpu.memory_space<vmem>> -> memref<1x256x128xf32, #tpu.memory_space<vmem>>
        %scatter3A_354 = tpu.memref_squeeze %scatter3A_353 : memref<1x256x128xf32, #tpu.memory_space<vmem>> -> memref<256x128xf32, #tpu.memory_space<vmem>>
        tpu.vector_store_idx %scatter3A_354[%add3A_168, %add3A_350], %gather3A_287 : memref<256x128xf32, #tpu.memory_space<vmem>>[vector<16xi32>, vector<16xi32>], vector<16xf32>,
        %add3A_355 = arith.addi %mul3A_9, %and3A_246 : vector<16xi32>
        %scatter3A_356 = arith.constant 0 : i32
        %scatter3A_357 = arith.constant 0 : i32
        %scatter3A_358 = tpu.memref_slice %arg7[%scan3A_52, %scatter3A_356, %scatter3A_357] : memref<2x256x128xf32, #tpu.memory_space<vmem>> -> memref<1x256x128xf32, #tpu.memory_space<vmem>>
        %scatter3A_359 = tpu.memref_squeeze %scatter3A_358 : memref<1x256x128xf32, #tpu.memory_space<vmem>> -> memref<256x128xf32, #tpu.memory_space<vmem>>
        tpu.vector_store_idx %scatter3A_359[%add3A_168, %add3A_355], %gather3A_289 : memref<256x128xf32, #tpu.memory_space<vmem>>[vector<16xi32>, vector<16xi32>], vector<16xf32>,
        %add3A_360 = arith.addi %mul3A_9, %and3A_252 : vector<16xi32>
        %scatter3A_361 = arith.constant 0 : i32
        %scatter3A_362 = arith.constant 0 : i32
        %scatter3A_363 = tpu.memref_slice %arg7[%scan3A_52, %scatter3A_361, %scatter3A_362] : memref<2x256x128xf32, #tpu.memory_space<vmem>> -> memref<1x256x128xf32, #tpu.memory_space<vmem>>
        %scatter3A_364 = tpu.memref_squeeze %scatter3A_363 : memref<1x256x128xf32, #tpu.memory_space<vmem>> -> memref<256x128xf32, #tpu.memory_space<vmem>>
        tpu.vector_store_idx %scatter3A_364[%add3A_168, %add3A_360], %gather3A_291 : memref<256x128xf32, #tpu.memory_space<vmem>>[vector<16xi32>, vector<16xi32>], vector<16xf32>,
        %add3A_365 = arith.addi %mul3A_9, %and3A_258 : vector<16xi32>
        %scatter3A_366 = arith.constant 0 : i32
        %scatter3A_367 = arith.constant 0 : i32
        %scatter3A_368 = tpu.memref_slice %arg7[%scan3A_52, %scatter3A_366, %scatter3A_367] : memref<2x256x128xf32, #tpu.memory_space<vmem>> -> memref<1x256x128xf32, #tpu.memory_space<vmem>>
        %scatter3A_369 = tpu.memref_squeeze %scatter3A_368 : memref<1x256x128xf32, #tpu.memory_space<vmem>> -> memref<256x128xf32, #tpu.memory_space<vmem>>
        tpu.vector_store_idx %scatter3A_369[%add3A_168, %add3A_365], %gather3A_293 : memref<256x128xf32, #tpu.memory_space<vmem>>[vector<16xi32>, vector<16xi32>], vector<16xf32>,
        %add3A_370 = arith.addi %mul3A_9, %and3A_264 : vector<16xi32>
        %scatter3A_371 = arith.constant 0 : i32
        %scatter3A_372 = arith.constant 0 : i32
        %scatter3A_373 = tpu.memref_slice %arg7[%scan3A_52, %scatter3A_371, %scatter3A_372] : memref<2x256x128xf32, #tpu.memory_space<vmem>> -> memref<1x256x128xf32, #tpu.memory_space<vmem>>
        %scatter3A_374 = tpu.memref_squeeze %scatter3A_373 : memref<1x256x128xf32, #tpu.memory_space<vmem>> -> memref<256x128xf32, #tpu.memory_space<vmem>>
        tpu.vector_store_idx %scatter3A_374[%add3A_168, %add3A_370], %gather3A_295 : memref<256x128xf32, #tpu.memory_space<vmem>>[vector<16xi32>, vector<16xi32>], vector<16xf32>,
        %add3A_375 = arith.constant 16 : i32
        %add3A_376 = vector.broadcast %add3A_375 : i32 to vector<16xi32>
        %add3A_377 = arith.addi %iota3A, %add3A_376 : vector<16xi32>
        %and3A_378 = arith.constant 63 : i32
        %and3A_379 = vector.broadcast %and3A_378 : i32 to vector<16xi32>
        %and3A_380 = arith.andi %add3A_377, %and3A_379 : vector<16xi32>
        %add3A_381 = arith.constant 17 : i32
        %add3A_382 = vector.broadcast %add3A_381 : i32 to vector<16xi32>
        %add3A_383 = arith.addi %iota3A, %add3A_382 : vector<16xi32>
        %and3A_384 = arith.constant 63 : i32
        %and3A_385 = vector.broadcast %and3A_384 : i32 to vector<16xi32>
        %and3A_386 = arith.andi %add3A_383, %and3A_385 : vector<16xi32>
        %add3A_387 = arith.constant 18 : i32
        %add3A_388 = vector.broadcast %add3A_387 : i32 to vector<16xi32>
        %add3A_389 = arith.addi %iota3A, %add3A_388 : vector<16xi32>
        %and3A_390 = arith.constant 63 : i32
        %and3A_391 = vector.broadcast %and3A_390 : i32 to vector<16xi32>
        %and3A_392 = arith.andi %add3A_389, %and3A_391 : vector<16xi32>
        %add3A_393 = arith.constant 19 : i32
        %add3A_394 = vector.broadcast %add3A_393 : i32 to vector<16xi32>
        %add3A_395 = arith.addi %iota3A, %add3A_394 : vector<16xi32>
        %and3A_396 = arith.constant 63 : i32
        %and3A_397 = vector.broadcast %and3A_396 : i32 to vector<16xi32>
        %and3A_398 = arith.andi %add3A_395, %and3A_397 : vector<16xi32>
        %add3A_399 = arith.constant 20 : i32
        %add3A_400 = vector.broadcast %add3A_399 : i32 to vector<16xi32>
        %add3A_401 = arith.addi %iota3A, %add3A_400 : vector<16xi32>
        %and3A_402 = arith.constant 63 : i32
        %and3A_403 = vector.broadcast %and3A_402 : i32 to vector<16xi32>
        %and3A_404 = arith.andi %add3A_401, %and3A_403 : vector<16xi32>
        %add3A_405 = arith.constant 21 : i32
        %add3A_406 = vector.broadcast %add3A_405 : i32 to vector<16xi32>
        %add3A_407 = arith.addi %iota3A, %add3A_406 : vector<16xi32>
        %and3A_408 = arith.constant 63 : i32
        %and3A_409 = vector.broadcast %and3A_408 : i32 to vector<16xi32>
        %and3A_410 = arith.andi %add3A_407, %and3A_409 : vector<16xi32>
        %add3A_411 = arith.constant 22 : i32
        %add3A_412 = vector.broadcast %add3A_411 : i32 to vector<16xi32>
        %add3A_413 = arith.addi %iota3A, %add3A_412 : vector<16xi32>
        %and3A_414 = arith.constant 63 : i32
        %and3A_415 = vector.broadcast %and3A_414 : i32 to vector<16xi32>
        %and3A_416 = arith.andi %add3A_413, %and3A_415 : vector<16xi32>
        %add3A_417 = arith.constant 23 : i32
        %add3A_418 = vector.broadcast %add3A_417 : i32 to vector<16xi32>
        %add3A_419 = arith.addi %iota3A, %add3A_418 : vector<16xi32>
        %and3A_420 = arith.constant 63 : i32
        %and3A_421 = vector.broadcast %and3A_420 : i32 to vector<16xi32>
        %and3A_422 = arith.andi %add3A_419, %and3A_421 : vector<16xi32>
        %add3A_423 = arith.constant 24 : i32
        %add3A_424 = vector.broadcast %add3A_423 : i32 to vector<16xi32>
        %add3A_425 = arith.addi %iota3A, %add3A_424 : vector<16xi32>
        %and3A_426 = arith.constant 63 : i32
        %and3A_427 = vector.broadcast %and3A_426 : i32 to vector<16xi32>
        %and3A_428 = arith.andi %add3A_425, %and3A_427 : vector<16xi32>
        %add3A_429 = arith.constant 25 : i32
        %add3A_430 = vector.broadcast %add3A_429 : i32 to vector<16xi32>
        %add3A_431 = arith.addi %iota3A, %add3A_430 : vector<16xi32>
        %and3A_432 = arith.constant 63 : i32
        %and3A_433 = vector.broadcast %and3A_432 : i32 to vector<16xi32>
        %and3A_434 = arith.andi %add3A_431, %and3A_433 : vector<16xi32>
        %add3A_435 = arith.constant 26 : i32
        %add3A_436 = vector.broadcast %add3A_435 : i32 to vector<16xi32>
        %add3A_437 = arith.addi %iota3A, %add3A_436 : vector<16xi32>
        %and3A_438 = arith.constant 63 : i32
        %and3A_439 = vector.broadcast %and3A_438 : i32 to vector<16xi32>
        %and3A_440 = arith.andi %add3A_437, %and3A_439 : vector<16xi32>
        %add3A_441 = arith.constant 27 : i32
        %add3A_442 = vector.broadcast %add3A_441 : i32 to vector<16xi32>
        %add3A_443 = arith.addi %iota3A, %add3A_442 : vector<16xi32>
        %and3A_444 = arith.constant 63 : i32
        %and3A_445 = vector.broadcast %and3A_444 : i32 to vector<16xi32>
        %and3A_446 = arith.andi %add3A_443, %and3A_445 : vector<16xi32>
        %add3A_447 = arith.constant 28 : i32
        %add3A_448 = vector.broadcast %add3A_447 : i32 to vector<16xi32>
        %add3A_449 = arith.addi %iota3A, %add3A_448 : vector<16xi32>
        %and3A_450 = arith.constant 63 : i32
        %and3A_451 = vector.broadcast %and3A_450 : i32 to vector<16xi32>
        %and3A_452 = arith.andi %add3A_449, %and3A_451 : vector<16xi32>
        %add3A_453 = arith.constant 29 : i32
        %add3A_454 = vector.broadcast %add3A_453 : i32 to vector<16xi32>
        %add3A_455 = arith.addi %iota3A, %add3A_454 : vector<16xi32>
        %and3A_456 = arith.constant 63 : i32
        %and3A_457 = vector.broadcast %and3A_456 : i32 to vector<16xi32>
        %and3A_458 = arith.andi %add3A_455, %and3A_457 : vector<16xi32>
        %add3A_459 = arith.constant 30 : i32
        %add3A_460 = vector.broadcast %add3A_459 : i32 to vector<16xi32>
        %add3A_461 = arith.addi %iota3A, %add3A_460 : vector<16xi32>
        %and3A_462 = arith.constant 63 : i32
        %and3A_463 = vector.broadcast %and3A_462 : i32 to vector<16xi32>
        %and3A_464 = arith.andi %add3A_461, %and3A_463 : vector<16xi32>
        %add3A_465 = arith.constant 31 : i32
        %add3A_466 = vector.broadcast %add3A_465 : i32 to vector<16xi32>
        %add3A_467 = arith.addi %iota3A, %add3A_466 : vector<16xi32>
        %and3A_468 = arith.constant 63 : i32
        %and3A_469 = vector.broadcast %and3A_468 : i32 to vector<16xi32>
        %and3A_470 = arith.andi %add3A_467, %and3A_469 : vector<16xi32>
        %add3A_471 = arith.addi %mul3A_164, %and3A_380 : vector<16xi32>
        %gather3A_472 = tpu.vector_load_idx %arg5[%add3A_471] : memref<17040xf32, #tpu.memory_space<vmem>>[vector<16xi32>], vector<16xf32>,
        %add3A_473 = arith.addi %mul3A_164, %and3A_386 : vector<16xi32>
        %gather3A_474 = tpu.vector_load_idx %arg5[%add3A_473] : memref<17040xf32, #tpu.memory_space<vmem>>[vector<16xi32>], vector<16xf32>,
        %add3A_475 = arith.addi %mul3A_164, %and3A_392 : vector<16xi32>
        %gather3A_476 = tpu.vector_load_idx %arg5[%add3A_475] : memref<17040xf32, #tpu.memory_space<vmem>>[vector<16xi32>], vector<16xf32>,
        %add3A_477 = arith.addi %mul3A_164, %and3A_398 : vector<16xi32>
        %gather3A_478 = tpu.vector_load_idx %arg5[%add3A_477] : memref<17040xf32, #tpu.memory_space<vmem>>[vector<16xi32>], vector<16xf32>,
        %add3A_479 = arith.addi %mul3A_164, %and3A_404 : vector<16xi32>
        %gather3A_480 = tpu.vector_load_idx %arg5[%add3A_479] : memref<17040xf32, #tpu.memory_space<vmem>>[vector<16xi32>], vector<16xf32>,
        %add3A_481 = arith.addi %mul3A_164, %and3A_410 : vector<16xi32>
        %gather3A_482 = tpu.vector_load_idx %arg5[%add3A_481] : memref<17040xf32, #tpu.memory_space<vmem>>[vector<16xi32>], vector<16xf32>,
        %add3A_483 = arith.addi %mul3A_164, %and3A_416 : vector<16xi32>
        %gather3A_484 = tpu.vector_load_idx %arg5[%add3A_483] : memref<17040xf32, #tpu.memory_space<vmem>>[vector<16xi32>], vector<16xf32>,
        %add3A_485 = arith.addi %mul3A_164, %and3A_422 : vector<16xi32>
        %gather3A_486 = tpu.vector_load_idx %arg5[%add3A_485] : memref<17040xf32, #tpu.memory_space<vmem>>[vector<16xi32>], vector<16xf32>,
        %add3A_487 = arith.addi %mul3A_164, %and3A_428 : vector<16xi32>
        %gather3A_488 = tpu.vector_load_idx %arg5[%add3A_487] : memref<17040xf32, #tpu.memory_space<vmem>>[vector<16xi32>], vector<16xf32>,
        %add3A_489 = arith.addi %mul3A_164, %and3A_434 : vector<16xi32>
        %gather3A_490 = tpu.vector_load_idx %arg5[%add3A_489] : memref<17040xf32, #tpu.memory_space<vmem>>[vector<16xi32>], vector<16xf32>,
        %add3A_491 = arith.addi %mul3A_164, %and3A_440 : vector<16xi32>
        %gather3A_492 = tpu.vector_load_idx %arg5[%add3A_491] : memref<17040xf32, #tpu.memory_space<vmem>>[vector<16xi32>], vector<16xf32>,
        %add3A_493 = arith.addi %mul3A_164, %and3A_446 : vector<16xi32>
        %gather3A_494 = tpu.vector_load_idx %arg5[%add3A_493] : memref<17040xf32, #tpu.memory_space<vmem>>[vector<16xi32>], vector<16xf32>,
        %add3A_495 = arith.addi %mul3A_164, %and3A_452 : vector<16xi32>
        %gather3A_496 = tpu.vector_load_idx %arg5[%add3A_495] : memref<17040xf32, #tpu.memory_space<vmem>>[vector<16xi32>], vector<16xf32>,
        %add3A_497 = arith.addi %mul3A_164, %and3A_458 : vector<16xi32>
        %gather3A_498 = tpu.vector_load_idx %arg5[%add3A_497] : memref<17040xf32, #tpu.memory_space<vmem>>[vector<16xi32>], vector<16xf32>,
        %add3A_499 = arith.addi %mul3A_164, %and3A_464 : vector<16xi32>
        %gather3A_500 = tpu.vector_load_idx %arg5[%add3A_499] : memref<17040xf32, #tpu.memory_space<vmem>>[vector<16xi32>], vector<16xf32>,
        %add3A_501 = arith.addi %mul3A_164, %and3A_470 : vector<16xi32>
        %gather3A_502 = tpu.vector_load_idx %arg5[%add3A_501] : memref<17040xf32, #tpu.memory_space<vmem>>[vector<16xi32>], vector<16xf32>,
        %add3A_503 = arith.addi %mul3A_9, %and3A_380 : vector<16xi32>
        %scatter3A_504 = arith.constant 0 : i32
        %scatter3A_505 = arith.constant 0 : i32
        %scatter3A_506 = tpu.memref_slice %arg7[%scan3A_52, %scatter3A_504, %scatter3A_505] : memref<2x256x128xf32, #tpu.memory_space<vmem>> -> memref<1x256x128xf32, #tpu.memory_space<vmem>>
        %scatter3A_507 = tpu.memref_squeeze %scatter3A_506 : memref<1x256x128xf32, #tpu.memory_space<vmem>> -> memref<256x128xf32, #tpu.memory_space<vmem>>
        tpu.vector_store_idx %scatter3A_507[%add3A_168, %add3A_503], %gather3A_472 : memref<256x128xf32, #tpu.memory_space<vmem>>[vector<16xi32>, vector<16xi32>], vector<16xf32>,
        %add3A_508 = arith.addi %mul3A_9, %and3A_386 : vector<16xi32>
        %scatter3A_509 = arith.constant 0 : i32
        %scatter3A_510 = arith.constant 0 : i32
        %scatter3A_511 = tpu.memref_slice %arg7[%scan3A_52, %scatter3A_509, %scatter3A_510] : memref<2x256x128xf32, #tpu.memory_space<vmem>> -> memref<1x256x128xf32, #tpu.memory_space<vmem>>
        %scatter3A_512 = tpu.memref_squeeze %scatter3A_511 : memref<1x256x128xf32, #tpu.memory_space<vmem>> -> memref<256x128xf32, #tpu.memory_space<vmem>>
        tpu.vector_store_idx %scatter3A_512[%add3A_168, %add3A_508], %gather3A_474 : memref<256x128xf32, #tpu.memory_space<vmem>>[vector<16xi32>, vector<16xi32>], vector<16xf32>,
        %add3A_513 = arith.addi %mul3A_9, %and3A_392 : vector<16xi32>
        %scatter3A_514 = arith.constant 0 : i32
        %scatter3A_515 = arith.constant 0 : i32
        %scatter3A_516 = tpu.memref_slice %arg7[%scan3A_52, %scatter3A_514, %scatter3A_515] : memref<2x256x128xf32, #tpu.memory_space<vmem>> -> memref<1x256x128xf32, #tpu.memory_space<vmem>>
        %scatter3A_517 = tpu.memref_squeeze %scatter3A_516 : memref<1x256x128xf32, #tpu.memory_space<vmem>> -> memref<256x128xf32, #tpu.memory_space<vmem>>
        tpu.vector_store_idx %scatter3A_517[%add3A_168, %add3A_513], %gather3A_476 : memref<256x128xf32, #tpu.memory_space<vmem>>[vector<16xi32>, vector<16xi32>], vector<16xf32>,
        %add3A_518 = arith.addi %mul3A_9, %and3A_398 : vector<16xi32>
        %scatter3A_519 = arith.constant 0 : i32
        %scatter3A_520 = arith.constant 0 : i32
        %scatter3A_521 = tpu.memref_slice %arg7[%scan3A_52, %scatter3A_519, %scatter3A_520] : memref<2x256x128xf32, #tpu.memory_space<vmem>> -> memref<1x256x128xf32, #tpu.memory_space<vmem>>
        %scatter3A_522 = tpu.memref_squeeze %scatter3A_521 : memref<1x256x128xf32, #tpu.memory_space<vmem>> -> memref<256x128xf32, #tpu.memory_space<vmem>>
        tpu.vector_store_idx %scatter3A_522[%add3A_168, %add3A_518], %gather3A_478 : memref<256x128xf32, #tpu.memory_space<vmem>>[vector<16xi32>, vector<16xi32>], vector<16xf32>,
        %add3A_523 = arith.addi %mul3A_9, %and3A_404 : vector<16xi32>
        %scatter3A_524 = arith.constant 0 : i32
        %scatter3A_525 = arith.constant 0 : i32
        %scatter3A_526 = tpu.memref_slice %arg7[%scan3A_52, %scatter3A_524, %scatter3A_525] : memref<2x256x128xf32, #tpu.memory_space<vmem>> -> memref<1x256x128xf32, #tpu.memory_space<vmem>>
        %scatter3A_527 = tpu.memref_squeeze %scatter3A_526 : memref<1x256x128xf32, #tpu.memory_space<vmem>> -> memref<256x128xf32, #tpu.memory_space<vmem>>
        tpu.vector_store_idx %scatter3A_527[%add3A_168, %add3A_523], %gather3A_480 : memref<256x128xf32, #tpu.memory_space<vmem>>[vector<16xi32>, vector<16xi32>], vector<16xf32>,
        %add3A_528 = arith.addi %mul3A_9, %and3A_410 : vector<16xi32>
        %scatter3A_529 = arith.constant 0 : i32
        %scatter3A_530 = arith.constant 0 : i32
        %scatter3A_531 = tpu.memref_slice %arg7[%scan3A_52, %scatter3A_529, %scatter3A_530] : memref<2x256x128xf32, #tpu.memory_space<vmem>> -> memref<1x256x128xf32, #tpu.memory_space<vmem>>
        %scatter3A_532 = tpu.memref_squeeze %scatter3A_531 : memref<1x256x128xf32, #tpu.memory_space<vmem>> -> memref<256x128xf32, #tpu.memory_space<vmem>>
        tpu.vector_store_idx %scatter3A_532[%add3A_168, %add3A_528], %gather3A_482 : memref<256x128xf32, #tpu.memory_space<vmem>>[vector<16xi32>, vector<16xi32>], vector<16xf32>,
        %add3A_533 = arith.addi %mul3A_9, %and3A_416 : vector<16xi32>
        %scatter3A_534 = arith.constant 0 : i32
        %scatter3A_535 = arith.constant 0 : i32
        %scatter3A_536 = tpu.memref_slice %arg7[%scan3A_52, %scatter3A_534, %scatter3A_535] : memref<2x256x128xf32, #tpu.memory_space<vmem>> -> memref<1x256x128xf32, #tpu.memory_space<vmem>>
        %scatter3A_537 = tpu.memref_squeeze %scatter3A_536 : memref<1x256x128xf32, #tpu.memory_space<vmem>> -> memref<256x128xf32, #tpu.memory_space<vmem>>
        tpu.vector_store_idx %scatter3A_537[%add3A_168, %add3A_533], %gather3A_484 : memref<256x128xf32, #tpu.memory_space<vmem>>[vector<16xi32>, vector<16xi32>], vector<16xf32>,
        %add3A_538 = arith.addi %mul3A_9, %and3A_422 : vector<16xi32>
        %scatter3A_539 = arith.constant 0 : i32
        %scatter3A_540 = arith.constant 0 : i32
        %scatter3A_541 = tpu.memref_slice %arg7[%scan3A_52, %scatter3A_539, %scatter3A_540] : memref<2x256x128xf32, #tpu.memory_space<vmem>> -> memref<1x256x128xf32, #tpu.memory_space<vmem>>
        %scatter3A_542 = tpu.memref_squeeze %scatter3A_541 : memref<1x256x128xf32, #tpu.memory_space<vmem>> -> memref<256x128xf32, #tpu.memory_space<vmem>>
        tpu.vector_store_idx %scatter3A_542[%add3A_168, %add3A_538], %gather3A_486 : memref<256x128xf32, #tpu.memory_space<vmem>>[vector<16xi32>, vector<16xi32>], vector<16xf32>,
        %add3A_543 = arith.addi %mul3A_9, %and3A_428 : vector<16xi32>
        %scatter3A_544 = arith.constant 0 : i32
        %scatter3A_545 = arith.constant 0 : i32
        %scatter3A_546 = tpu.memref_slice %arg7[%scan3A_52, %scatter3A_544, %scatter3A_545] : memref<2x256x128xf32, #tpu.memory_space<vmem>> -> memref<1x256x128xf32, #tpu.memory_space<vmem>>
        %scatter3A_547 = tpu.memref_squeeze %scatter3A_546 : memref<1x256x128xf32, #tpu.memory_space<vmem>> -> memref<256x128xf32, #tpu.memory_space<vmem>>
        tpu.vector_store_idx %scatter3A_547[%add3A_168, %add3A_543], %gather3A_488 : memref<256x128xf32, #tpu.memory_space<vmem>>[vector<16xi32>, vector<16xi32>], vector<16xf32>,
        %add3A_548 = arith.addi %mul3A_9, %and3A_434 : vector<16xi32>
        %scatter3A_549 = arith.constant 0 : i32
        %scatter3A_550 = arith.constant 0 : i32
        %scatter3A_551 = tpu.memref_slice %arg7[%scan3A_52, %scatter3A_549, %scatter3A_550] : memref<2x256x128xf32, #tpu.memory_space<vmem>> -> memref<1x256x128xf32, #tpu.memory_space<vmem>>
        %scatter3A_552 = tpu.memref_squeeze %scatter3A_551 : memref<1x256x128xf32, #tpu.memory_space<vmem>> -> memref<256x128xf32, #tpu.memory_space<vmem>>
        tpu.vector_store_idx %scatter3A_552[%add3A_168, %add3A_548], %gather3A_490 : memref<256x128xf32, #tpu.memory_space<vmem>>[vector<16xi32>, vector<16xi32>], vector<16xf32>,
        %add3A_553 = arith.addi %mul3A_9, %and3A_440 : vector<16xi32>
        %scatter3A_554 = arith.constant 0 : i32
        %scatter3A_555 = arith.constant 0 : i32
        %scatter3A_556 = tpu.memref_slice %arg7[%scan3A_52, %scatter3A_554, %scatter3A_555] : memref<2x256x128xf32, #tpu.memory_space<vmem>> -> memref<1x256x128xf32, #tpu.memory_space<vmem>>
        %scatter3A_557 = tpu.memref_squeeze %scatter3A_556 : memref<1x256x128xf32, #tpu.memory_space<vmem>> -> memref<256x128xf32, #tpu.memory_space<vmem>>
        tpu.vector_store_idx %scatter3A_557[%add3A_168, %add3A_553], %gather3A_492 : memref<256x128xf32, #tpu.memory_space<vmem>>[vector<16xi32>, vector<16xi32>], vector<16xf32>,
        %add3A_558 = arith.addi %mul3A_9, %and3A_446 : vector<16xi32>
        %scatter3A_559 = arith.constant 0 : i32
        %scatter3A_560 = arith.constant 0 : i32
        %scatter3A_561 = tpu.memref_slice %arg7[%scan3A_52, %scatter3A_559, %scatter3A_560] : memref<2x256x128xf32, #tpu.memory_space<vmem>> -> memref<1x256x128xf32, #tpu.memory_space<vmem>>
        %scatter3A_562 = tpu.memref_squeeze %scatter3A_561 : memref<1x256x128xf32, #tpu.memory_space<vmem>> -> memref<256x128xf32, #tpu.memory_space<vmem>>
        tpu.vector_store_idx %scatter3A_562[%add3A_168, %add3A_558], %gather3A_494 : memref<256x128xf32, #tpu.memory_space<vmem>>[vector<16xi32>, vector<16xi32>], vector<16xf32>,
        %add3A_563 = arith.addi %mul3A_9, %and3A_452 : vector<16xi32>
        %scatter3A_564 = arith.constant 0 : i32
        %scatter3A_565 = arith.constant 0 : i32
        %scatter3A_566 = tpu.memref_slice %arg7[%scan3A_52, %scatter3A_564, %scatter3A_565] : memref<2x256x128xf32, #tpu.memory_space<vmem>> -> memref<1x256x128xf32, #tpu.memory_space<vmem>>
        %scatter3A_567 = tpu.memref_squeeze %scatter3A_566 : memref<1x256x128xf32, #tpu.memory_space<vmem>> -> memref<256x128xf32, #tpu.memory_space<vmem>>
        tpu.vector_store_idx %scatter3A_567[%add3A_168, %add3A_563], %gather3A_496 : memref<256x128xf32, #tpu.memory_space<vmem>>[vector<16xi32>, vector<16xi32>], vector<16xf32>,
        %add3A_568 = arith.addi %mul3A_9, %and3A_458 : vector<16xi32>
        %scatter3A_569 = arith.constant 0 : i32
        %scatter3A_570 = arith.constant 0 : i32
        %scatter3A_571 = tpu.memref_slice %arg7[%scan3A_52, %scatter3A_569, %scatter3A_570] : memref<2x256x128xf32, #tpu.memory_space<vmem>> -> memref<1x256x128xf32, #tpu.memory_space<vmem>>
        %scatter3A_572 = tpu.memref_squeeze %scatter3A_571 : memref<1x256x128xf32, #tpu.memory_space<vmem>> -> memref<256x128xf32, #tpu.memory_space<vmem>>
        tpu.vector_store_idx %scatter3A_572[%add3A_168, %add3A_568], %gather3A_498 : memref<256x128xf32, #tpu.memory_space<vmem>>[vector<16xi32>, vector<16xi32>], vector<16xf32>,
        %add3A_573 = arith.addi %mul3A_9, %and3A_464 : vector<16xi32>
        %scatter3A_574 = arith.constant 0 : i32
        %scatter3A_575 = arith.constant 0 : i32
        %scatter3A_576 = tpu.memref_slice %arg7[%scan3A_52, %scatter3A_574, %scatter3A_575] : memref<2x256x128xf32, #tpu.memory_space<vmem>> -> memref<1x256x128xf32, #tpu.memory_space<vmem>>
        %scatter3A_577 = tpu.memref_squeeze %scatter3A_576 : memref<1x256x128xf32, #tpu.memory_space<vmem>> -> memref<256x128xf32, #tpu.memory_space<vmem>>
        tpu.vector_store_idx %scatter3A_577[%add3A_168, %add3A_573], %gather3A_500 : memref<256x128xf32, #tpu.memory_space<vmem>>[vector<16xi32>, vector<16xi32>], vector<16xf32>,
        %add3A_578 = arith.addi %mul3A_9, %and3A_470 : vector<16xi32>
        %scatter3A_579 = arith.constant 0 : i32
        %scatter3A_580 = arith.constant 0 : i32
        %scatter3A_581 = tpu.memref_slice %arg7[%scan3A_52, %scatter3A_579, %scatter3A_580] : memref<2x256x128xf32, #tpu.memory_space<vmem>> -> memref<1x256x128xf32, #tpu.memory_space<vmem>>
        %scatter3A_582 = tpu.memref_squeeze %scatter3A_581 : memref<1x256x128xf32, #tpu.memory_space<vmem>> -> memref<256x128xf32, #tpu.memory_space<vmem>>
        tpu.vector_store_idx %scatter3A_582[%add3A_168, %add3A_578], %gather3A_502 : memref<256x128xf32, #tpu.memory_space<vmem>>[vector<16xi32>, vector<16xi32>], vector<16xf32>,
        %add3A_583 = arith.constant 32 : i32
        %add3A_584 = vector.broadcast %add3A_583 : i32 to vector<16xi32>
        %add3A_585 = arith.addi %iota3A, %add3A_584 : vector<16xi32>
        %and3A_586 = arith.constant 63 : i32
        %and3A_587 = vector.broadcast %and3A_586 : i32 to vector<16xi32>
        %and3A_588 = arith.andi %add3A_585, %and3A_587 : vector<16xi32>
        %add3A_589 = arith.constant 33 : i32
        %add3A_590 = vector.broadcast %add3A_589 : i32 to vector<16xi32>
        %add3A_591 = arith.addi %iota3A, %add3A_590 : vector<16xi32>
        %and3A_592 = arith.constant 63 : i32
        %and3A_593 = vector.broadcast %and3A_592 : i32 to vector<16xi32>
        %and3A_594 = arith.andi %add3A_591, %and3A_593 : vector<16xi32>
        %add3A_595 = arith.constant 34 : i32
        %add3A_596 = vector.broadcast %add3A_595 : i32 to vector<16xi32>
        %add3A_597 = arith.addi %iota3A, %add3A_596 : vector<16xi32>
        %and3A_598 = arith.constant 63 : i32
        %and3A_599 = vector.broadcast %and3A_598 : i32 to vector<16xi32>
        %and3A_600 = arith.andi %add3A_597, %and3A_599 : vector<16xi32>
        %add3A_601 = arith.constant 35 : i32
        %add3A_602 = vector.broadcast %add3A_601 : i32 to vector<16xi32>
        %add3A_603 = arith.addi %iota3A, %add3A_602 : vector<16xi32>
        %and3A_604 = arith.constant 63 : i32
        %and3A_605 = vector.broadcast %and3A_604 : i32 to vector<16xi32>
        %and3A_606 = arith.andi %add3A_603, %and3A_605 : vector<16xi32>
        %add3A_607 = arith.constant 36 : i32
        %add3A_608 = vector.broadcast %add3A_607 : i32 to vector<16xi32>
        %add3A_609 = arith.addi %iota3A, %add3A_608 : vector<16xi32>
        %and3A_610 = arith.constant 63 : i32
        %and3A_611 = vector.broadcast %and3A_610 : i32 to vector<16xi32>
        %and3A_612 = arith.andi %add3A_609, %and3A_611 : vector<16xi32>
        %add3A_613 = arith.constant 37 : i32
        %add3A_614 = vector.broadcast %add3A_613 : i32 to vector<16xi32>
        %add3A_615 = arith.addi %iota3A, %add3A_614 : vector<16xi32>
        %and3A_616 = arith.constant 63 : i32
        %and3A_617 = vector.broadcast %and3A_616 : i32 to vector<16xi32>
        %and3A_618 = arith.andi %add3A_615, %and3A_617 : vector<16xi32>
        %add3A_619 = arith.constant 38 : i32
        %add3A_620 = vector.broadcast %add3A_619 : i32 to vector<16xi32>
        %add3A_621 = arith.addi %iota3A, %add3A_620 : vector<16xi32>
        %and3A_622 = arith.constant 63 : i32
        %and3A_623 = vector.broadcast %and3A_622 : i32 to vector<16xi32>
        %and3A_624 = arith.andi %add3A_621, %and3A_623 : vector<16xi32>
        %add3A_625 = arith.constant 39 : i32
        %add3A_626 = vector.broadcast %add3A_625 : i32 to vector<16xi32>
        %add3A_627 = arith.addi %iota3A, %add3A_626 : vector<16xi32>
        %and3A_628 = arith.constant 63 : i32
        %and3A_629 = vector.broadcast %and3A_628 : i32 to vector<16xi32>
        %and3A_630 = arith.andi %add3A_627, %and3A_629 : vector<16xi32>
        %add3A_631 = arith.constant 40 : i32
        %add3A_632 = vector.broadcast %add3A_631 : i32 to vector<16xi32>
        %add3A_633 = arith.addi %iota3A, %add3A_632 : vector<16xi32>
        %and3A_634 = arith.constant 63 : i32
        %and3A_635 = vector.broadcast %and3A_634 : i32 to vector<16xi32>
        %and3A_636 = arith.andi %add3A_633, %and3A_635 : vector<16xi32>
        %add3A_637 = arith.constant 41 : i32
        %add3A_638 = vector.broadcast %add3A_637 : i32 to vector<16xi32>
        %add3A_639 = arith.addi %iota3A, %add3A_638 : vector<16xi32>
        %and3A_640 = arith.constant 63 : i32
        %and3A_641 = vector.broadcast %and3A_640 : i32 to vector<16xi32>
        %and3A_642 = arith.andi %add3A_639, %and3A_641 : vector<16xi32>
        %add3A_643 = arith.constant 42 : i32
        %add3A_644 = vector.broadcast %add3A_643 : i32 to vector<16xi32>
        %add3A_645 = arith.addi %iota3A, %add3A_644 : vector<16xi32>
        %and3A_646 = arith.constant 63 : i32
        %and3A_647 = vector.broadcast %and3A_646 : i32 to vector<16xi32>
        %and3A_648 = arith.andi %add3A_645, %and3A_647 : vector<16xi32>
        %add3A_649 = arith.constant 43 : i32
        %add3A_650 = vector.broadcast %add3A_649 : i32 to vector<16xi32>
        %add3A_651 = arith.addi %iota3A, %add3A_650 : vector<16xi32>
        %and3A_652 = arith.constant 63 : i32
        %and3A_653 = vector.broadcast %and3A_652 : i32 to vector<16xi32>
        %and3A_654 = arith.andi %add3A_651, %and3A_653 : vector<16xi32>
        %add3A_655 = arith.constant 44 : i32
        %add3A_656 = vector.broadcast %add3A_655 : i32 to vector<16xi32>
        %add3A_657 = arith.addi %iota3A, %add3A_656 : vector<16xi32>
        %and3A_658 = arith.constant 63 : i32
        %and3A_659 = vector.broadcast %and3A_658 : i32 to vector<16xi32>
        %and3A_660 = arith.andi %add3A_657, %and3A_659 : vector<16xi32>
        %add3A_661 = arith.constant 45 : i32
        %add3A_662 = vector.broadcast %add3A_661 : i32 to vector<16xi32>
        %add3A_663 = arith.addi %iota3A, %add3A_662 : vector<16xi32>
        %and3A_664 = arith.constant 63 : i32
        %and3A_665 = vector.broadcast %and3A_664 : i32 to vector<16xi32>
        %and3A_666 = arith.andi %add3A_663, %and3A_665 : vector<16xi32>
        %add3A_667 = arith.constant 46 : i32
        %add3A_668 = vector.broadcast %add3A_667 : i32 to vector<16xi32>
        %add3A_669 = arith.addi %iota3A, %add3A_668 : vector<16xi32>
        %and3A_670 = arith.constant 63 : i32
        %and3A_671 = vector.broadcast %and3A_670 : i32 to vector<16xi32>
        %and3A_672 = arith.andi %add3A_669, %and3A_671 : vector<16xi32>
        %add3A_673 = arith.constant 47 : i32
        %add3A_674 = vector.broadcast %add3A_673 : i32 to vector<16xi32>
        %add3A_675 = arith.addi %iota3A, %add3A_674 : vector<16xi32>
        %and3A_676 = arith.constant 63 : i32
        %and3A_677 = vector.broadcast %and3A_676 : i32 to vector<16xi32>
        %and3A_678 = arith.andi %add3A_675, %and3A_677 : vector<16xi32>
        %add3A_679 = arith.addi %mul3A_164, %and3A_588 : vector<16xi32>
        %gather3A_680 = tpu.vector_load_idx %arg5[%add3A_679] : memref<17040xf32, #tpu.memory_space<vmem>>[vector<16xi32>], vector<16xf32>,
        %add3A_681 = arith.addi %mul3A_164, %and3A_594 : vector<16xi32>
        %gather3A_682 = tpu.vector_load_idx %arg5[%add3A_681] : memref<17040xf32, #tpu.memory_space<vmem>>[vector<16xi32>], vector<16xf32>,
        %add3A_683 = arith.addi %mul3A_164, %and3A_600 : vector<16xi32>
        %gather3A_684 = tpu.vector_load_idx %arg5[%add3A_683] : memref<17040xf32, #tpu.memory_space<vmem>>[vector<16xi32>], vector<16xf32>,
        %add3A_685 = arith.addi %mul3A_164, %and3A_606 : vector<16xi32>
        %gather3A_686 = tpu.vector_load_idx %arg5[%add3A_685] : memref<17040xf32, #tpu.memory_space<vmem>>[vector<16xi32>], vector<16xf32>,
        %add3A_687 = arith.addi %mul3A_164, %and3A_612 : vector<16xi32>
        %gather3A_688 = tpu.vector_load_idx %arg5[%add3A_687] : memref<17040xf32, #tpu.memory_space<vmem>>[vector<16xi32>], vector<16xf32>,
        %add3A_689 = arith.addi %mul3A_164, %and3A_618 : vector<16xi32>
        %gather3A_690 = tpu.vector_load_idx %arg5[%add3A_689] : memref<17040xf32, #tpu.memory_space<vmem>>[vector<16xi32>], vector<16xf32>,
        %add3A_691 = arith.addi %mul3A_164, %and3A_624 : vector<16xi32>
        %gather3A_692 = tpu.vector_load_idx %arg5[%add3A_691] : memref<17040xf32, #tpu.memory_space<vmem>>[vector<16xi32>], vector<16xf32>,
        %add3A_693 = arith.addi %mul3A_164, %and3A_630 : vector<16xi32>
        %gather3A_694 = tpu.vector_load_idx %arg5[%add3A_693] : memref<17040xf32, #tpu.memory_space<vmem>>[vector<16xi32>], vector<16xf32>,
        %add3A_695 = arith.addi %mul3A_164, %and3A_636 : vector<16xi32>
        %gather3A_696 = tpu.vector_load_idx %arg5[%add3A_695] : memref<17040xf32, #tpu.memory_space<vmem>>[vector<16xi32>], vector<16xf32>,
        %add3A_697 = arith.addi %mul3A_164, %and3A_642 : vector<16xi32>
        %gather3A_698 = tpu.vector_load_idx %arg5[%add3A_697] : memref<17040xf32, #tpu.memory_space<vmem>>[vector<16xi32>], vector<16xf32>,
        %add3A_699 = arith.addi %mul3A_164, %and3A_648 : vector<16xi32>
        %gather3A_700 = tpu.vector_load_idx %arg5[%add3A_699] : memref<17040xf32, #tpu.memory_space<vmem>>[vector<16xi32>], vector<16xf32>,
        %add3A_701 = arith.addi %mul3A_164, %and3A_654 : vector<16xi32>
        %gather3A_702 = tpu.vector_load_idx %arg5[%add3A_701] : memref<17040xf32, #tpu.memory_space<vmem>>[vector<16xi32>], vector<16xf32>,
        %add3A_703 = arith.addi %mul3A_164, %and3A_660 : vector<16xi32>
        %gather3A_704 = tpu.vector_load_idx %arg5[%add3A_703] : memref<17040xf32, #tpu.memory_space<vmem>>[vector<16xi32>], vector<16xf32>,
        %add3A_705 = arith.addi %mul3A_164, %and3A_666 : vector<16xi32>
        %gather3A_706 = tpu.vector_load_idx %arg5[%add3A_705] : memref<17040xf32, #tpu.memory_space<vmem>>[vector<16xi32>], vector<16xf32>,
        %add3A_707 = arith.addi %mul3A_164, %and3A_672 : vector<16xi32>
        %gather3A_708 = tpu.vector_load_idx %arg5[%add3A_707] : memref<17040xf32, #tpu.memory_space<vmem>>[vector<16xi32>], vector<16xf32>,
        %add3A_709 = arith.addi %mul3A_164, %and3A_678 : vector<16xi32>
        %gather3A_710 = tpu.vector_load_idx %arg5[%add3A_709] : memref<17040xf32, #tpu.memory_space<vmem>>[vector<16xi32>], vector<16xf32>,
        %add3A_711 = arith.addi %mul3A_9, %and3A_588 : vector<16xi32>
        %scatter3A_712 = arith.constant 0 : i32
        %scatter3A_713 = arith.constant 0 : i32
        %scatter3A_714 = tpu.memref_slice %arg7[%scan3A_52, %scatter3A_712, %scatter3A_713] : memref<2x256x128xf32, #tpu.memory_space<vmem>> -> memref<1x256x128xf32, #tpu.memory_space<vmem>>
        %scatter3A_715 = tpu.memref_squeeze %scatter3A_714 : memref<1x256x128xf32, #tpu.memory_space<vmem>> -> memref<256x128xf32, #tpu.memory_space<vmem>>
        tpu.vector_store_idx %scatter3A_715[%add3A_168, %add3A_711], %gather3A_680 : memref<256x128xf32, #tpu.memory_space<vmem>>[vector<16xi32>, vector<16xi32>], vector<16xf32>,
        %add3A_716 = arith.addi %mul3A_9, %and3A_594 : vector<16xi32>
        %scatter3A_717 = arith.constant 0 : i32
        %scatter3A_718 = arith.constant 0 : i32
        %scatter3A_719 = tpu.memref_slice %arg7[%scan3A_52, %scatter3A_717, %scatter3A_718] : memref<2x256x128xf32, #tpu.memory_space<vmem>> -> memref<1x256x128xf32, #tpu.memory_space<vmem>>
        %scatter3A_720 = tpu.memref_squeeze %scatter3A_719 : memref<1x256x128xf32, #tpu.memory_space<vmem>> -> memref<256x128xf32, #tpu.memory_space<vmem>>
        tpu.vector_store_idx %scatter3A_720[%add3A_168, %add3A_716], %gather3A_682 : memref<256x128xf32, #tpu.memory_space<vmem>>[vector<16xi32>, vector<16xi32>], vector<16xf32>,
        %add3A_721 = arith.addi %mul3A_9, %and3A_600 : vector<16xi32>
        %scatter3A_722 = arith.constant 0 : i32
        %scatter3A_723 = arith.constant 0 : i32
        %scatter3A_724 = tpu.memref_slice %arg7[%scan3A_52, %scatter3A_722, %scatter3A_723] : memref<2x256x128xf32, #tpu.memory_space<vmem>> -> memref<1x256x128xf32, #tpu.memory_space<vmem>>
        %scatter3A_725 = tpu.memref_squeeze %scatter3A_724 : memref<1x256x128xf32, #tpu.memory_space<vmem>> -> memref<256x128xf32, #tpu.memory_space<vmem>>
        tpu.vector_store_idx %scatter3A_725[%add3A_168, %add3A_721], %gather3A_684 : memref<256x128xf32, #tpu.memory_space<vmem>>[vector<16xi32>, vector<16xi32>], vector<16xf32>,
        %add3A_726 = arith.addi %mul3A_9, %and3A_606 : vector<16xi32>
        %scatter3A_727 = arith.constant 0 : i32
        %scatter3A_728 = arith.constant 0 : i32
        %scatter3A_729 = tpu.memref_slice %arg7[%scan3A_52, %scatter3A_727, %scatter3A_728] : memref<2x256x128xf32, #tpu.memory_space<vmem>> -> memref<1x256x128xf32, #tpu.memory_space<vmem>>
        %scatter3A_730 = tpu.memref_squeeze %scatter3A_729 : memref<1x256x128xf32, #tpu.memory_space<vmem>> -> memref<256x128xf32, #tpu.memory_space<vmem>>
        tpu.vector_store_idx %scatter3A_730[%add3A_168, %add3A_726], %gather3A_686 : memref<256x128xf32, #tpu.memory_space<vmem>>[vector<16xi32>, vector<16xi32>], vector<16xf32>,
        %add3A_731 = arith.addi %mul3A_9, %and3A_612 : vector<16xi32>
        %scatter3A_732 = arith.constant 0 : i32
        %scatter3A_733 = arith.constant 0 : i32
        %scatter3A_734 = tpu.memref_slice %arg7[%scan3A_52, %scatter3A_732, %scatter3A_733] : memref<2x256x128xf32, #tpu.memory_space<vmem>> -> memref<1x256x128xf32, #tpu.memory_space<vmem>>
        %scatter3A_735 = tpu.memref_squeeze %scatter3A_734 : memref<1x256x128xf32, #tpu.memory_space<vmem>> -> memref<256x128xf32, #tpu.memory_space<vmem>>
        tpu.vector_store_idx %scatter3A_735[%add3A_168, %add3A_731], %gather3A_688 : memref<256x128xf32, #tpu.memory_space<vmem>>[vector<16xi32>, vector<16xi32>], vector<16xf32>,
        %add3A_736 = arith.addi %mul3A_9, %and3A_618 : vector<16xi32>
        %scatter3A_737 = arith.constant 0 : i32
        %scatter3A_738 = arith.constant 0 : i32
        %scatter3A_739 = tpu.memref_slice %arg7[%scan3A_52, %scatter3A_737, %scatter3A_738] : memref<2x256x128xf32, #tpu.memory_space<vmem>> -> memref<1x256x128xf32, #tpu.memory_space<vmem>>
        %scatter3A_740 = tpu.memref_squeeze %scatter3A_739 : memref<1x256x128xf32, #tpu.memory_space<vmem>> -> memref<256x128xf32, #tpu.memory_space<vmem>>
        tpu.vector_store_idx %scatter3A_740[%add3A_168, %add3A_736], %gather3A_690 : memref<256x128xf32, #tpu.memory_space<vmem>>[vector<16xi32>, vector<16xi32>], vector<16xf32>,
        %add3A_741 = arith.addi %mul3A_9, %and3A_624 : vector<16xi32>
        %scatter3A_742 = arith.constant 0 : i32
        %scatter3A_743 = arith.constant 0 : i32
        %scatter3A_744 = tpu.memref_slice %arg7[%scan3A_52, %scatter3A_742, %scatter3A_743] : memref<2x256x128xf32, #tpu.memory_space<vmem>> -> memref<1x256x128xf32, #tpu.memory_space<vmem>>
        %scatter3A_745 = tpu.memref_squeeze %scatter3A_744 : memref<1x256x128xf32, #tpu.memory_space<vmem>> -> memref<256x128xf32, #tpu.memory_space<vmem>>
        tpu.vector_store_idx %scatter3A_745[%add3A_168, %add3A_741], %gather3A_692 : memref<256x128xf32, #tpu.memory_space<vmem>>[vector<16xi32>, vector<16xi32>], vector<16xf32>,
        %add3A_746 = arith.addi %mul3A_9, %and3A_630 : vector<16xi32>
        %scatter3A_747 = arith.constant 0 : i32
        %scatter3A_748 = arith.constant 0 : i32
        %scatter3A_749 = tpu.memref_slice %arg7[%scan3A_52, %scatter3A_747, %scatter3A_748] : memref<2x256x128xf32, #tpu.memory_space<vmem>> -> memref<1x256x128xf32, #tpu.memory_space<vmem>>
        %scatter3A_750 = tpu.memref_squeeze %scatter3A_749 : memref<1x256x128xf32, #tpu.memory_space<vmem>> -> memref<256x128xf32, #tpu.memory_space<vmem>>
        tpu.vector_store_idx %scatter3A_750[%add3A_168, %add3A_746], %gather3A_694 : memref<256x128xf32, #tpu.memory_space<vmem>>[vector<16xi32>, vector<16xi32>], vector<16xf32>,
        %add3A_751 = arith.addi %mul3A_9, %and3A_636 : vector<16xi32>
        %scatter3A_752 = arith.constant 0 : i32
        %scatter3A_753 = arith.constant 0 : i32
        %scatter3A_754 = tpu.memref_slice %arg7[%scan3A_52, %scatter3A_752, %scatter3A_753] : memref<2x256x128xf32, #tpu.memory_space<vmem>> -> memref<1x256x128xf32, #tpu.memory_space<vmem>>
        %scatter3A_755 = tpu.memref_squeeze %scatter3A_754 : memref<1x256x128xf32, #tpu.memory_space<vmem>> -> memref<256x128xf32, #tpu.memory_space<vmem>>
        tpu.vector_store_idx %scatter3A_755[%add3A_168, %add3A_751], %gather3A_696 : memref<256x128xf32, #tpu.memory_space<vmem>>[vector<16xi32>, vector<16xi32>], vector<16xf32>,
        %add3A_756 = arith.addi %mul3A_9, %and3A_642 : vector<16xi32>
        %scatter3A_757 = arith.constant 0 : i32
        %scatter3A_758 = arith.constant 0 : i32
        %scatter3A_759 = tpu.memref_slice %arg7[%scan3A_52, %scatter3A_757, %scatter3A_758] : memref<2x256x128xf32, #tpu.memory_space<vmem>> -> memref<1x256x128xf32, #tpu.memory_space<vmem>>
        %scatter3A_760 = tpu.memref_squeeze %scatter3A_759 : memref<1x256x128xf32, #tpu.memory_space<vmem>> -> memref<256x128xf32, #tpu.memory_space<vmem>>
        tpu.vector_store_idx %scatter3A_760[%add3A_168, %add3A_756], %gather3A_698 : memref<256x128xf32, #tpu.memory_space<vmem>>[vector<16xi32>, vector<16xi32>], vector<16xf32>,
        %add3A_761 = arith.addi %mul3A_9, %and3A_648 : vector<16xi32>
        %scatter3A_762 = arith.constant 0 : i32
        %scatter3A_763 = arith.constant 0 : i32
        %scatter3A_764 = tpu.memref_slice %arg7[%scan3A_52, %scatter3A_762, %scatter3A_763] : memref<2x256x128xf32, #tpu.memory_space<vmem>> -> memref<1x256x128xf32, #tpu.memory_space<vmem>>
        %scatter3A_765 = tpu.memref_squeeze %scatter3A_764 : memref<1x256x128xf32, #tpu.memory_space<vmem>> -> memref<256x128xf32, #tpu.memory_space<vmem>>
        tpu.vector_store_idx %scatter3A_765[%add3A_168, %add3A_761], %gather3A_700 : memref<256x128xf32, #tpu.memory_space<vmem>>[vector<16xi32>, vector<16xi32>], vector<16xf32>,
        %add3A_766 = arith.addi %mul3A_9, %and3A_654 : vector<16xi32>
        %scatter3A_767 = arith.constant 0 : i32
        %scatter3A_768 = arith.constant 0 : i32
        %scatter3A_769 = tpu.memref_slice %arg7[%scan3A_52, %scatter3A_767, %scatter3A_768] : memref<2x256x128xf32, #tpu.memory_space<vmem>> -> memref<1x256x128xf32, #tpu.memory_space<vmem>>
        %scatter3A_770 = tpu.memref_squeeze %scatter3A_769 : memref<1x256x128xf32, #tpu.memory_space<vmem>> -> memref<256x128xf32, #tpu.memory_space<vmem>>
        tpu.vector_store_idx %scatter3A_770[%add3A_168, %add3A_766], %gather3A_702 : memref<256x128xf32, #tpu.memory_space<vmem>>[vector<16xi32>, vector<16xi32>], vector<16xf32>,
        %add3A_771 = arith.addi %mul3A_9, %and3A_660 : vector<16xi32>
        %scatter3A_772 = arith.constant 0 : i32
        %scatter3A_773 = arith.constant 0 : i32
        %scatter3A_774 = tpu.memref_slice %arg7[%scan3A_52, %scatter3A_772, %scatter3A_773] : memref<2x256x128xf32, #tpu.memory_space<vmem>> -> memref<1x256x128xf32, #tpu.memory_space<vmem>>
        %scatter3A_775 = tpu.memref_squeeze %scatter3A_774 : memref<1x256x128xf32, #tpu.memory_space<vmem>> -> memref<256x128xf32, #tpu.memory_space<vmem>>
        tpu.vector_store_idx %scatter3A_775[%add3A_168, %add3A_771], %gather3A_704 : memref<256x128xf32, #tpu.memory_space<vmem>>[vector<16xi32>, vector<16xi32>], vector<16xf32>,
        %add3A_776 = arith.addi %mul3A_9, %and3A_666 : vector<16xi32>
        %scatter3A_777 = arith.constant 0 : i32
        %scatter3A_778 = arith.constant 0 : i32
        %scatter3A_779 = tpu.memref_slice %arg7[%scan3A_52, %scatter3A_777, %scatter3A_778] : memref<2x256x128xf32, #tpu.memory_space<vmem>> -> memref<1x256x128xf32, #tpu.memory_space<vmem>>
        %scatter3A_780 = tpu.memref_squeeze %scatter3A_779 : memref<1x256x128xf32, #tpu.memory_space<vmem>> -> memref<256x128xf32, #tpu.memory_space<vmem>>
        tpu.vector_store_idx %scatter3A_780[%add3A_168, %add3A_776], %gather3A_706 : memref<256x128xf32, #tpu.memory_space<vmem>>[vector<16xi32>, vector<16xi32>], vector<16xf32>,
        %add3A_781 = arith.addi %mul3A_9, %and3A_672 : vector<16xi32>
        %scatter3A_782 = arith.constant 0 : i32
        %scatter3A_783 = arith.constant 0 : i32
        %scatter3A_784 = tpu.memref_slice %arg7[%scan3A_52, %scatter3A_782, %scatter3A_783] : memref<2x256x128xf32, #tpu.memory_space<vmem>> -> memref<1x256x128xf32, #tpu.memory_space<vmem>>
        %scatter3A_785 = tpu.memref_squeeze %scatter3A_784 : memref<1x256x128xf32, #tpu.memory_space<vmem>> -> memref<256x128xf32, #tpu.memory_space<vmem>>
        tpu.vector_store_idx %scatter3A_785[%add3A_168, %add3A_781], %gather3A_708 : memref<256x128xf32, #tpu.memory_space<vmem>>[vector<16xi32>, vector<16xi32>], vector<16xf32>,
        %add3A_786 = arith.addi %mul3A_9, %and3A_678 : vector<16xi32>
        %scatter3A_787 = arith.constant 0 : i32
        %scatter3A_788 = arith.constant 0 : i32
        %scatter3A_789 = tpu.memref_slice %arg7[%scan3A_52, %scatter3A_787, %scatter3A_788] : memref<2x256x128xf32, #tpu.memory_space<vmem>> -> memref<1x256x128xf32, #tpu.memory_space<vmem>>
        %scatter3A_790 = tpu.memref_squeeze %scatter3A_789 : memref<1x256x128xf32, #tpu.memory_space<vmem>> -> memref<256x128xf32, #tpu.memory_space<vmem>>
        tpu.vector_store_idx %scatter3A_790[%add3A_168, %add3A_786], %gather3A_710 : memref<256x128xf32, #tpu.memory_space<vmem>>[vector<16xi32>, vector<16xi32>], vector<16xf32>,
        %add3A_791 = arith.constant 48 : i32
        %add3A_792 = vector.broadcast %add3A_791 : i32 to vector<16xi32>
        %add3A_793 = arith.addi %iota3A, %add3A_792 : vector<16xi32>
        %and3A_794 = arith.constant 63 : i32
        %and3A_795 = vector.broadcast %and3A_794 : i32 to vector<16xi32>
        %and3A_796 = arith.andi %add3A_793, %and3A_795 : vector<16xi32>
        %add3A_797 = arith.constant 49 : i32
        %add3A_798 = vector.broadcast %add3A_797 : i32 to vector<16xi32>
        %add3A_799 = arith.addi %iota3A, %add3A_798 : vector<16xi32>
        %and3A_800 = arith.constant 63 : i32
        %and3A_801 = vector.broadcast %and3A_800 : i32 to vector<16xi32>
        %and3A_802 = arith.andi %add3A_799, %and3A_801 : vector<16xi32>
        %add3A_803 = arith.constant 50 : i32
        %add3A_804 = vector.broadcast %add3A_803 : i32 to vector<16xi32>
        %add3A_805 = arith.addi %iota3A, %add3A_804 : vector<16xi32>
        %and3A_806 = arith.constant 63 : i32
        %and3A_807 = vector.broadcast %and3A_806 : i32 to vector<16xi32>
        %and3A_808 = arith.andi %add3A_805, %and3A_807 : vector<16xi32>
        %add3A_809 = arith.constant 51 : i32
        %add3A_810 = vector.broadcast %add3A_809 : i32 to vector<16xi32>
        %add3A_811 = arith.addi %iota3A, %add3A_810 : vector<16xi32>
        %and3A_812 = arith.constant 63 : i32
        %and3A_813 = vector.broadcast %and3A_812 : i32 to vector<16xi32>
        %and3A_814 = arith.andi %add3A_811, %and3A_813 : vector<16xi32>
        %add3A_815 = arith.constant 52 : i32
        %add3A_816 = vector.broadcast %add3A_815 : i32 to vector<16xi32>
        %add3A_817 = arith.addi %iota3A, %add3A_816 : vector<16xi32>
        %and3A_818 = arith.constant 63 : i32
        %and3A_819 = vector.broadcast %and3A_818 : i32 to vector<16xi32>
        %and3A_820 = arith.andi %add3A_817, %and3A_819 : vector<16xi32>
        %add3A_821 = arith.constant 53 : i32
        %add3A_822 = vector.broadcast %add3A_821 : i32 to vector<16xi32>
        %add3A_823 = arith.addi %iota3A, %add3A_822 : vector<16xi32>
        %and3A_824 = arith.constant 63 : i32
        %and3A_825 = vector.broadcast %and3A_824 : i32 to vector<16xi32>
        %and3A_826 = arith.andi %add3A_823, %and3A_825 : vector<16xi32>
        %add3A_827 = arith.constant 54 : i32
        %add3A_828 = vector.broadcast %add3A_827 : i32 to vector<16xi32>
        %add3A_829 = arith.addi %iota3A, %add3A_828 : vector<16xi32>
        %and3A_830 = arith.constant 63 : i32
        %and3A_831 = vector.broadcast %and3A_830 : i32 to vector<16xi32>
        %and3A_832 = arith.andi %add3A_829, %and3A_831 : vector<16xi32>
        %add3A_833 = arith.constant 55 : i32
        %add3A_834 = vector.broadcast %add3A_833 : i32 to vector<16xi32>
        %add3A_835 = arith.addi %iota3A, %add3A_834 : vector<16xi32>
        %and3A_836 = arith.constant 63 : i32
        %and3A_837 = vector.broadcast %and3A_836 : i32 to vector<16xi32>
        %and3A_838 = arith.andi %add3A_835, %and3A_837 : vector<16xi32>
        %add3A_839 = arith.constant 56 : i32
        %add3A_840 = vector.broadcast %add3A_839 : i32 to vector<16xi32>
        %add3A_841 = arith.addi %iota3A, %add3A_840 : vector<16xi32>
        %and3A_842 = arith.constant 63 : i32
        %and3A_843 = vector.broadcast %and3A_842 : i32 to vector<16xi32>
        %and3A_844 = arith.andi %add3A_841, %and3A_843 : vector<16xi32>
        %add3A_845 = arith.constant 57 : i32
        %add3A_846 = vector.broadcast %add3A_845 : i32 to vector<16xi32>
        %add3A_847 = arith.addi %iota3A, %add3A_846 : vector<16xi32>
        %and3A_848 = arith.constant 63 : i32
        %and3A_849 = vector.broadcast %and3A_848 : i32 to vector<16xi32>
        %and3A_850 = arith.andi %add3A_847, %and3A_849 : vector<16xi32>
        %add3A_851 = arith.constant 58 : i32
        %add3A_852 = vector.broadcast %add3A_851 : i32 to vector<16xi32>
        %add3A_853 = arith.addi %iota3A, %add3A_852 : vector<16xi32>
        %and3A_854 = arith.constant 63 : i32
        %and3A_855 = vector.broadcast %and3A_854 : i32 to vector<16xi32>
        %and3A_856 = arith.andi %add3A_853, %and3A_855 : vector<16xi32>
        %add3A_857 = arith.constant 59 : i32
        %add3A_858 = vector.broadcast %add3A_857 : i32 to vector<16xi32>
        %add3A_859 = arith.addi %iota3A, %add3A_858 : vector<16xi32>
        %and3A_860 = arith.constant 63 : i32
        %and3A_861 = vector.broadcast %and3A_860 : i32 to vector<16xi32>
        %and3A_862 = arith.andi %add3A_859, %and3A_861 : vector<16xi32>
        %add3A_863 = arith.constant 60 : i32
        %add3A_864 = vector.broadcast %add3A_863 : i32 to vector<16xi32>
        %add3A_865 = arith.addi %iota3A, %add3A_864 : vector<16xi32>
        %and3A_866 = arith.constant 63 : i32
        %and3A_867 = vector.broadcast %and3A_866 : i32 to vector<16xi32>
        %and3A_868 = arith.andi %add3A_865, %and3A_867 : vector<16xi32>
        %add3A_869 = arith.constant 61 : i32
        %add3A_870 = vector.broadcast %add3A_869 : i32 to vector<16xi32>
        %add3A_871 = arith.addi %iota3A, %add3A_870 : vector<16xi32>
        %and3A_872 = arith.constant 63 : i32
        %and3A_873 = vector.broadcast %and3A_872 : i32 to vector<16xi32>
        %and3A_874 = arith.andi %add3A_871, %and3A_873 : vector<16xi32>
        %add3A_875 = arith.constant 62 : i32
        %add3A_876 = vector.broadcast %add3A_875 : i32 to vector<16xi32>
        %add3A_877 = arith.addi %iota3A, %add3A_876 : vector<16xi32>
        %and3A_878 = arith.constant 63 : i32
        %and3A_879 = vector.broadcast %and3A_878 : i32 to vector<16xi32>
        %and3A_880 = arith.andi %add3A_877, %and3A_879 : vector<16xi32>
        %add3A_881 = arith.constant 63 : i32
        %add3A_882 = vector.broadcast %add3A_881 : i32 to vector<16xi32>
        %add3A_883 = arith.addi %iota3A, %add3A_882 : vector<16xi32>
        %and3A_884 = arith.constant 63 : i32
        %and3A_885 = vector.broadcast %and3A_884 : i32 to vector<16xi32>
        %and3A_886 = arith.andi %add3A_883, %and3A_885 : vector<16xi32>
        %add3A_887 = arith.addi %mul3A_164, %and3A_796 : vector<16xi32>
        %gather3A_888 = tpu.vector_load_idx %arg5[%add3A_887] : memref<17040xf32, #tpu.memory_space<vmem>>[vector<16xi32>], vector<16xf32>,
        %add3A_889 = arith.addi %mul3A_164, %and3A_802 : vector<16xi32>
        %gather3A_890 = tpu.vector_load_idx %arg5[%add3A_889] : memref<17040xf32, #tpu.memory_space<vmem>>[vector<16xi32>], vector<16xf32>,
        %add3A_891 = arith.addi %mul3A_164, %and3A_808 : vector<16xi32>
        %gather3A_892 = tpu.vector_load_idx %arg5[%add3A_891] : memref<17040xf32, #tpu.memory_space<vmem>>[vector<16xi32>], vector<16xf32>,
        %add3A_893 = arith.addi %mul3A_164, %and3A_814 : vector<16xi32>
        %gather3A_894 = tpu.vector_load_idx %arg5[%add3A_893] : memref<17040xf32, #tpu.memory_space<vmem>>[vector<16xi32>], vector<16xf32>,
        %add3A_895 = arith.addi %mul3A_164, %and3A_820 : vector<16xi32>
        %gather3A_896 = tpu.vector_load_idx %arg5[%add3A_895] : memref<17040xf32, #tpu.memory_space<vmem>>[vector<16xi32>], vector<16xf32>,
        %add3A_897 = arith.addi %mul3A_164, %and3A_826 : vector<16xi32>
        %gather3A_898 = tpu.vector_load_idx %arg5[%add3A_897] : memref<17040xf32, #tpu.memory_space<vmem>>[vector<16xi32>], vector<16xf32>,
        %add3A_899 = arith.addi %mul3A_164, %and3A_832 : vector<16xi32>
        %gather3A_900 = tpu.vector_load_idx %arg5[%add3A_899] : memref<17040xf32, #tpu.memory_space<vmem>>[vector<16xi32>], vector<16xf32>,
        %add3A_901 = arith.addi %mul3A_164, %and3A_838 : vector<16xi32>
        %gather3A_902 = tpu.vector_load_idx %arg5[%add3A_901] : memref<17040xf32, #tpu.memory_space<vmem>>[vector<16xi32>], vector<16xf32>,
        %add3A_903 = arith.addi %mul3A_164, %and3A_844 : vector<16xi32>
        %gather3A_904 = tpu.vector_load_idx %arg5[%add3A_903] : memref<17040xf32, #tpu.memory_space<vmem>>[vector<16xi32>], vector<16xf32>,
        %add3A_905 = arith.addi %mul3A_164, %and3A_850 : vector<16xi32>
        %gather3A_906 = tpu.vector_load_idx %arg5[%add3A_905] : memref<17040xf32, #tpu.memory_space<vmem>>[vector<16xi32>], vector<16xf32>,
        %add3A_907 = arith.addi %mul3A_164, %and3A_856 : vector<16xi32>
        %gather3A_908 = tpu.vector_load_idx %arg5[%add3A_907] : memref<17040xf32, #tpu.memory_space<vmem>>[vector<16xi32>], vector<16xf32>,
        %add3A_909 = arith.addi %mul3A_164, %and3A_862 : vector<16xi32>
        %gather3A_910 = tpu.vector_load_idx %arg5[%add3A_909] : memref<17040xf32, #tpu.memory_space<vmem>>[vector<16xi32>], vector<16xf32>,
        %add3A_911 = arith.addi %mul3A_164, %and3A_868 : vector<16xi32>
        %gather3A_912 = tpu.vector_load_idx %arg5[%add3A_911] : memref<17040xf32, #tpu.memory_space<vmem>>[vector<16xi32>], vector<16xf32>,
        %add3A_913 = arith.addi %mul3A_164, %and3A_874 : vector<16xi32>
        %gather3A_914 = tpu.vector_load_idx %arg5[%add3A_913] : memref<17040xf32, #tpu.memory_space<vmem>>[vector<16xi32>], vector<16xf32>,
        %add3A_915 = arith.addi %mul3A_164, %and3A_880 : vector<16xi32>
        %gather3A_916 = tpu.vector_load_idx %arg5[%add3A_915] : memref<17040xf32, #tpu.memory_space<vmem>>[vector<16xi32>], vector<16xf32>,
        %add3A_917 = arith.addi %mul3A_164, %and3A_886 : vector<16xi32>
        %gather3A_918 = tpu.vector_load_idx %arg5[%add3A_917] : memref<17040xf32, #tpu.memory_space<vmem>>[vector<16xi32>], vector<16xf32>,
        %add3A_919 = arith.addi %mul3A_9, %and3A_796 : vector<16xi32>
        %scatter3A_920 = arith.constant 0 : i32
        %scatter3A_921 = arith.constant 0 : i32
        %scatter3A_922 = tpu.memref_slice %arg7[%scan3A_52, %scatter3A_920, %scatter3A_921] : memref<2x256x128xf32, #tpu.memory_space<vmem>> -> memref<1x256x128xf32, #tpu.memory_space<vmem>>
        %scatter3A_923 = tpu.memref_squeeze %scatter3A_922 : memref<1x256x128xf32, #tpu.memory_space<vmem>> -> memref<256x128xf32, #tpu.memory_space<vmem>>
        tpu.vector_store_idx %scatter3A_923[%add3A_168, %add3A_919], %gather3A_888 : memref<256x128xf32, #tpu.memory_space<vmem>>[vector<16xi32>, vector<16xi32>], vector<16xf32>,
        %add3A_924 = arith.addi %mul3A_9, %and3A_802 : vector<16xi32>
        %scatter3A_925 = arith.constant 0 : i32
        %scatter3A_926 = arith.constant 0 : i32
        %scatter3A_927 = tpu.memref_slice %arg7[%scan3A_52, %scatter3A_925, %scatter3A_926] : memref<2x256x128xf32, #tpu.memory_space<vmem>> -> memref<1x256x128xf32, #tpu.memory_space<vmem>>
        %scatter3A_928 = tpu.memref_squeeze %scatter3A_927 : memref<1x256x128xf32, #tpu.memory_space<vmem>> -> memref<256x128xf32, #tpu.memory_space<vmem>>
        tpu.vector_store_idx %scatter3A_928[%add3A_168, %add3A_924], %gather3A_890 : memref<256x128xf32, #tpu.memory_space<vmem>>[vector<16xi32>, vector<16xi32>], vector<16xf32>,
        %add3A_929 = arith.addi %mul3A_9, %and3A_808 : vector<16xi32>
        %scatter3A_930 = arith.constant 0 : i32
        %scatter3A_931 = arith.constant 0 : i32
        %scatter3A_932 = tpu.memref_slice %arg7[%scan3A_52, %scatter3A_930, %scatter3A_931] : memref<2x256x128xf32, #tpu.memory_space<vmem>> -> memref<1x256x128xf32, #tpu.memory_space<vmem>>
        %scatter3A_933 = tpu.memref_squeeze %scatter3A_932 : memref<1x256x128xf32, #tpu.memory_space<vmem>> -> memref<256x128xf32, #tpu.memory_space<vmem>>
        tpu.vector_store_idx %scatter3A_933[%add3A_168, %add3A_929], %gather3A_892 : memref<256x128xf32, #tpu.memory_space<vmem>>[vector<16xi32>, vector<16xi32>], vector<16xf32>,
        %add3A_934 = arith.addi %mul3A_9, %and3A_814 : vector<16xi32>
        %scatter3A_935 = arith.constant 0 : i32
        %scatter3A_936 = arith.constant 0 : i32
        %scatter3A_937 = tpu.memref_slice %arg7[%scan3A_52, %scatter3A_935, %scatter3A_936] : memref<2x256x128xf32, #tpu.memory_space<vmem>> -> memref<1x256x128xf32, #tpu.memory_space<vmem>>
        %scatter3A_938 = tpu.memref_squeeze %scatter3A_937 : memref<1x256x128xf32, #tpu.memory_space<vmem>> -> memref<256x128xf32, #tpu.memory_space<vmem>>
        tpu.vector_store_idx %scatter3A_938[%add3A_168, %add3A_934], %gather3A_894 : memref<256x128xf32, #tpu.memory_space<vmem>>[vector<16xi32>, vector<16xi32>], vector<16xf32>,
        %add3A_939 = arith.addi %mul3A_9, %and3A_820 : vector<16xi32>
        %scatter3A_940 = arith.constant 0 : i32
        %scatter3A_941 = arith.constant 0 : i32
        %scatter3A_942 = tpu.memref_slice %arg7[%scan3A_52, %scatter3A_940, %scatter3A_941] : memref<2x256x128xf32, #tpu.memory_space<vmem>> -> memref<1x256x128xf32, #tpu.memory_space<vmem>>
        %scatter3A_943 = tpu.memref_squeeze %scatter3A_942 : memref<1x256x128xf32, #tpu.memory_space<vmem>> -> memref<256x128xf32, #tpu.memory_space<vmem>>
        tpu.vector_store_idx %scatter3A_943[%add3A_168, %add3A_939], %gather3A_896 : memref<256x128xf32, #tpu.memory_space<vmem>>[vector<16xi32>, vector<16xi32>], vector<16xf32>,
        %add3A_944 = arith.addi %mul3A_9, %and3A_826 : vector<16xi32>
        %scatter3A_945 = arith.constant 0 : i32
        %scatter3A_946 = arith.constant 0 : i32
        %scatter3A_947 = tpu.memref_slice %arg7[%scan3A_52, %scatter3A_945, %scatter3A_946] : memref<2x256x128xf32, #tpu.memory_space<vmem>> -> memref<1x256x128xf32, #tpu.memory_space<vmem>>
        %scatter3A_948 = tpu.memref_squeeze %scatter3A_947 : memref<1x256x128xf32, #tpu.memory_space<vmem>> -> memref<256x128xf32, #tpu.memory_space<vmem>>
        tpu.vector_store_idx %scatter3A_948[%add3A_168, %add3A_944], %gather3A_898 : memref<256x128xf32, #tpu.memory_space<vmem>>[vector<16xi32>, vector<16xi32>], vector<16xf32>,
        %add3A_949 = arith.addi %mul3A_9, %and3A_832 : vector<16xi32>
        %scatter3A_950 = arith.constant 0 : i32
        %scatter3A_951 = arith.constant 0 : i32
        %scatter3A_952 = tpu.memref_slice %arg7[%scan3A_52, %scatter3A_950, %scatter3A_951] : memref<2x256x128xf32, #tpu.memory_space<vmem>> -> memref<1x256x128xf32, #tpu.memory_space<vmem>>
        %scatter3A_953 = tpu.memref_squeeze %scatter3A_952 : memref<1x256x128xf32, #tpu.memory_space<vmem>> -> memref<256x128xf32, #tpu.memory_space<vmem>>
        tpu.vector_store_idx %scatter3A_953[%add3A_168, %add3A_949], %gather3A_900 : memref<256x128xf32, #tpu.memory_space<vmem>>[vector<16xi32>, vector<16xi32>], vector<16xf32>,
        %add3A_954 = arith.addi %mul3A_9, %and3A_838 : vector<16xi32>
        %scatter3A_955 = arith.constant 0 : i32
        %scatter3A_956 = arith.constant 0 : i32
        %scatter3A_957 = tpu.memref_slice %arg7[%scan3A_52, %scatter3A_955, %scatter3A_956] : memref<2x256x128xf32, #tpu.memory_space<vmem>> -> memref<1x256x128xf32, #tpu.memory_space<vmem>>
        %scatter3A_958 = tpu.memref_squeeze %scatter3A_957 : memref<1x256x128xf32, #tpu.memory_space<vmem>> -> memref<256x128xf32, #tpu.memory_space<vmem>>
        tpu.vector_store_idx %scatter3A_958[%add3A_168, %add3A_954], %gather3A_902 : memref<256x128xf32, #tpu.memory_space<vmem>>[vector<16xi32>, vector<16xi32>], vector<16xf32>,
        %add3A_959 = arith.addi %mul3A_9, %and3A_844 : vector<16xi32>
        %scatter3A_960 = arith.constant 0 : i32
        %scatter3A_961 = arith.constant 0 : i32
        %scatter3A_962 = tpu.memref_slice %arg7[%scan3A_52, %scatter3A_960, %scatter3A_961] : memref<2x256x128xf32, #tpu.memory_space<vmem>> -> memref<1x256x128xf32, #tpu.memory_space<vmem>>
        %scatter3A_963 = tpu.memref_squeeze %scatter3A_962 : memref<1x256x128xf32, #tpu.memory_space<vmem>> -> memref<256x128xf32, #tpu.memory_space<vmem>>
        tpu.vector_store_idx %scatter3A_963[%add3A_168, %add3A_959], %gather3A_904 : memref<256x128xf32, #tpu.memory_space<vmem>>[vector<16xi32>, vector<16xi32>], vector<16xf32>,
        %add3A_964 = arith.addi %mul3A_9, %and3A_850 : vector<16xi32>
        %scatter3A_965 = arith.constant 0 : i32
        %scatter3A_966 = arith.constant 0 : i32
        %scatter3A_967 = tpu.memref_slice %arg7[%scan3A_52, %scatter3A_965, %scatter3A_966] : memref<2x256x128xf32, #tpu.memory_space<vmem>> -> memref<1x256x128xf32, #tpu.memory_space<vmem>>
        %scatter3A_968 = tpu.memref_squeeze %scatter3A_967 : memref<1x256x128xf32, #tpu.memory_space<vmem>> -> memref<256x128xf32, #tpu.memory_space<vmem>>
        tpu.vector_store_idx %scatter3A_968[%add3A_168, %add3A_964], %gather3A_906 : memref<256x128xf32, #tpu.memory_space<vmem>>[vector<16xi32>, vector<16xi32>], vector<16xf32>,
        %add3A_969 = arith.addi %mul3A_9, %and3A_856 : vector<16xi32>
        %scatter3A_970 = arith.constant 0 : i32
        %scatter3A_971 = arith.constant 0 : i32
        %scatter3A_972 = tpu.memref_slice %arg7[%scan3A_52, %scatter3A_970, %scatter3A_971] : memref<2x256x128xf32, #tpu.memory_space<vmem>> -> memref<1x256x128xf32, #tpu.memory_space<vmem>>
        %scatter3A_973 = tpu.memref_squeeze %scatter3A_972 : memref<1x256x128xf32, #tpu.memory_space<vmem>> -> memref<256x128xf32, #tpu.memory_space<vmem>>
        tpu.vector_store_idx %scatter3A_973[%add3A_168, %add3A_969], %gather3A_908 : memref<256x128xf32, #tpu.memory_space<vmem>>[vector<16xi32>, vector<16xi32>], vector<16xf32>,
        %add3A_974 = arith.addi %mul3A_9, %and3A_862 : vector<16xi32>
        %scatter3A_975 = arith.constant 0 : i32
        %scatter3A_976 = arith.constant 0 : i32
        %scatter3A_977 = tpu.memref_slice %arg7[%scan3A_52, %scatter3A_975, %scatter3A_976] : memref<2x256x128xf32, #tpu.memory_space<vmem>> -> memref<1x256x128xf32, #tpu.memory_space<vmem>>
        %scatter3A_978 = tpu.memref_squeeze %scatter3A_977 : memref<1x256x128xf32, #tpu.memory_space<vmem>> -> memref<256x128xf32, #tpu.memory_space<vmem>>
        tpu.vector_store_idx %scatter3A_978[%add3A_168, %add3A_974], %gather3A_910 : memref<256x128xf32, #tpu.memory_space<vmem>>[vector<16xi32>, vector<16xi32>], vector<16xf32>,
        %add3A_979 = arith.addi %mul3A_9, %and3A_868 : vector<16xi32>
        %scatter3A_980 = arith.constant 0 : i32
        %scatter3A_981 = arith.constant 0 : i32
        %scatter3A_982 = tpu.memref_slice %arg7[%scan3A_52, %scatter3A_980, %scatter3A_981] : memref<2x256x128xf32, #tpu.memory_space<vmem>> -> memref<1x256x128xf32, #tpu.memory_space<vmem>>
        %scatter3A_983 = tpu.memref_squeeze %scatter3A_982 : memref<1x256x128xf32, #tpu.memory_space<vmem>> -> memref<256x128xf32, #tpu.memory_space<vmem>>
        tpu.vector_store_idx %scatter3A_983[%add3A_168, %add3A_979], %gather3A_912 : memref<256x128xf32, #tpu.memory_space<vmem>>[vector<16xi32>, vector<16xi32>], vector<16xf32>,
        %add3A_984 = arith.addi %mul3A_9, %and3A_874 : vector<16xi32>
        %scatter3A_985 = arith.constant 0 : i32
        %scatter3A_986 = arith.constant 0 : i32
        %scatter3A_987 = tpu.memref_slice %arg7[%scan3A_52, %scatter3A_985, %scatter3A_986] : memref<2x256x128xf32, #tpu.memory_space<vmem>> -> memref<1x256x128xf32, #tpu.memory_space<vmem>>
        %scatter3A_988 = tpu.memref_squeeze %scatter3A_987 : memref<1x256x128xf32, #tpu.memory_space<vmem>> -> memref<256x128xf32, #tpu.memory_space<vmem>>
        tpu.vector_store_idx %scatter3A_988[%add3A_168, %add3A_984], %gather3A_914 : memref<256x128xf32, #tpu.memory_space<vmem>>[vector<16xi32>, vector<16xi32>], vector<16xf32>,
        %add3A_989 = arith.addi %mul3A_9, %and3A_880 : vector<16xi32>
        %scatter3A_990 = arith.constant 0 : i32
        %scatter3A_991 = arith.constant 0 : i32
        %scatter3A_992 = tpu.memref_slice %arg7[%scan3A_52, %scatter3A_990, %scatter3A_991] : memref<2x256x128xf32, #tpu.memory_space<vmem>> -> memref<1x256x128xf32, #tpu.memory_space<vmem>>
        %scatter3A_993 = tpu.memref_squeeze %scatter3A_992 : memref<1x256x128xf32, #tpu.memory_space<vmem>> -> memref<256x128xf32, #tpu.memory_space<vmem>>
        tpu.vector_store_idx %scatter3A_993[%add3A_168, %add3A_989], %gather3A_916 : memref<256x128xf32, #tpu.memory_space<vmem>>[vector<16xi32>, vector<16xi32>], vector<16xf32>,
        %add3A_994 = arith.addi %mul3A_9, %and3A_886 : vector<16xi32>
        %scatter3A_995 = arith.constant 0 : i32
        %scatter3A_996 = arith.constant 0 : i32
        %scatter3A_997 = tpu.memref_slice %arg7[%scan3A_52, %scatter3A_995, %scatter3A_996] : memref<2x256x128xf32, #tpu.memory_space<vmem>> -> memref<1x256x128xf32, #tpu.memory_space<vmem>>
        %scatter3A_998 = tpu.memref_squeeze %scatter3A_997 : memref<1x256x128xf32, #tpu.memory_space<vmem>> -> memref<256x128xf32, #tpu.memory_space<vmem>>
        tpu.vector_store_idx %scatter3A_998[%add3A_168, %add3A_994], %gather3A_918 : memref<256x128xf32, #tpu.memory_space<vmem>>[vector<16xi32>, vector<16xi32>], vector<16xf32>,
      }
      %scan3A_57 = arith.constant 32 : i32
      %ge3A = arith.constant 1 : i32
      %ge3A_58 = arith.cmpi sge, %add3A_50, %ge3A : i32
      %convert_element_type3A = arith.extui %ge3A_58 : i1 to i32
      %cond3A = arith.constant 0 : i32
      %cond3A_59 = arith.cmpi ne, %convert_element_type3A, %cond3A : i32
      scf.if %cond3A_59 {
        %sub3A_155 = arith.constant 1 : i32
        %sub3A_156 = arith.subi %add3A_50, %sub3A_155 : i32
        %mul3A_157 = arith.constant 512 : i32
        %mul3A_158 = arith.muli %sub3A_156, %mul3A_157 : i32
        %add3A_159 = arith.addi %mul3A_2, %mul3A_158 : i32
        %jit3A_160 = arith.constant 2 : i32
        %div3A_161 = arith.divsi %add3A_159, %jit3A_160 : i32
        %sign3A_162 = arith.constant 0 : i32
        %sign3A_163 = arith.cmpi sgt, %add3A_159, %sign3A_162 : i32
        %sign3A_164 = arith.extui %sign3A_163 : i1 to i32
        %sign3A_165 = arith.constant 0 : i32
        %sign3A_166 = arith.cmpi slt, %add3A_159, %sign3A_165 : i32
        %sign3A_167 = arith.extui %sign3A_166 : i1 to i32
        %sign3A_168 = arith.subi %sign3A_164, %sign3A_167 : i32
        %sign3A_169 = arith.constant 0 : i32
        %sign3A_170 = arith.cmpi sgt, %jit3A_160, %sign3A_169 : i32
        %sign3A_171 = arith.extui %sign3A_170 : i1 to i32
        %sign3A_172 = arith.constant 0 : i32
        %sign3A_173 = arith.cmpi slt, %jit3A_160, %sign3A_172 : i32
        %sign3A_174 = arith.extui %sign3A_173 : i1 to i32
        %sign3A_175 = arith.subi %sign3A_171, %sign3A_174 : i32
        %ne3A_176 = arith.cmpi ne, %sign3A_168, %sign3A_175 : i32
        %rem3A_177 = arith.remsi %add3A_159, %jit3A_160 : i32
        %ne3A_178 = arith.constant 0 : i32
        %ne3A_179 = arith.cmpi ne, %rem3A_177, %ne3A_178 : i32
        %and3A_180 = arith.andi %ne3A_176, %ne3A_179 : i1
        %sub3A_181 = arith.constant 1 : i32
        %sub3A_182 = arith.subi %div3A_161, %sub3A_181 : i32
        %select_n3A_183 = arith.select %and3A_180, %sub3A_182, %div3A_161 : i32
        %dma_wait3A_184 = arith.constant 1 : i32
        %dma_wait3A_185 = arith.constant 0 : i32
        %dma_wait3A_186 = arith.constant 0 : i32
        %dma_wait3A_187 = tpu.memref_slice %arg7[%dma_wait3A_184, %dma_wait3A_185, %dma_wait3A_186] : memref<2x256x128xf32, #tpu.memory_space<vmem>> -> memref<1x256x128xf32, #tpu.memory_space<vmem>>
        %dma_wait3A_188 = tpu.memref_squeeze %dma_wait3A_187 : memref<1x256x128xf32, #tpu.memory_space<vmem>> -> memref<256x128xf32, #tpu.memory_space<vmem>>
        %dma_wait3A_189 = arith.constant 0 : i32
        %dma_wait3A_190 = tpu.memref_slice %arg4[%select_n3A_183, %dma_wait3A_189] : memref<262144x128xf32, #tpu.memory_space<hbm>> -> memref<256x128xf32, #tpu.memory_space<hbm>>
        %dma_wait3A_191 = arith.constant 0 : i32
        %dma_wait3A_192 = tpu.memref_slice %arg4[%select_n3A_183, %dma_wait3A_191] : memref<262144x128xf32, #tpu.memory_space<hbm>> -> memref<256x128xf32, #tpu.memory_space<hbm>>
        %dma_wait3A_193 = arith.constant 0 : i32
        %dma_wait3A_194 = arith.constant 0 : i32
        %dma_wait3A_195 = tpu.memref_slice %arg7[%dma_wait3A_184, %dma_wait3A_193, %dma_wait3A_194] : memref<2x256x128xf32, #tpu.memory_space<vmem>> -> memref<1x256x128xf32, #tpu.memory_space<vmem>>
        %dma_wait3A_196 = tpu.memref_squeeze %dma_wait3A_195 : memref<1x256x128xf32, #tpu.memory_space<vmem>> -> memref<256x128xf32, #tpu.memory_space<vmem>>
        tpu.wait_dma2 semaphore(%arg8 : memref<!tpu.dma_semaphore, #tpu.memory_space<semaphore_mem>>) src(%dma_wait3A_196 : memref<256x128xf32, #tpu.memory_space<vmem>>) dst(%dma_wait3A_192 : memref<256x128xf32, #tpu.memory_space<hbm>>)
      } else {
      }
      %mul3A_60 = arith.constant 512 : i32
      %mul3A_61 = arith.muli %add3A_50, %mul3A_60 : i32
      %add3A_62 = arith.addi %mul3A_2, %mul3A_61 : i32
      %jit3A_63 = arith.constant 2 : i32
      %div3A_64 = arith.divsi %add3A_62, %jit3A_63 : i32
      %sign3A_65 = arith.constant 0 : i32
      %sign3A_66 = arith.cmpi sgt, %add3A_62, %sign3A_65 : i32
      %sign3A_67 = arith.extui %sign3A_66 : i1 to i32
      %sign3A_68 = arith.constant 0 : i32
      %sign3A_69 = arith.cmpi slt, %add3A_62, %sign3A_68 : i32
      %sign3A_70 = arith.extui %sign3A_69 : i1 to i32
      %sign3A_71 = arith.subi %sign3A_67, %sign3A_70 : i32
      %sign3A_72 = arith.constant 0 : i32
      %sign3A_73 = arith.cmpi sgt, %jit3A_63, %sign3A_72 : i32
      %sign3A_74 = arith.extui %sign3A_73 : i1 to i32
      %sign3A_75 = arith.constant 0 : i32
      %sign3A_76 = arith.cmpi slt, %jit3A_63, %sign3A_75 : i32
      %sign3A_77 = arith.extui %sign3A_76 : i1 to i32
      %sign3A_78 = arith.subi %sign3A_74, %sign3A_77 : i32
      %ne3A_79 = arith.cmpi ne, %sign3A_71, %sign3A_78 : i32
      %rem3A_80 = arith.remsi %add3A_62, %jit3A_63 : i32
      %ne3A_81 = arith.constant 0 : i32
      %ne3A_82 = arith.cmpi ne, %rem3A_80, %ne3A_81 : i32
      %and3A_83 = arith.andi %ne3A_79, %ne3A_82 : i1
      %sub3A_84 = arith.constant 1 : i32
      %sub3A_85 = arith.subi %div3A_64, %sub3A_84 : i32
      %select_n3A_86 = arith.select %and3A_83, %sub3A_85, %div3A_64 : i32
      %dma_start3A = arith.constant 0 : i32
      %dma_start3A_87 = arith.constant 0 : i32
      %dma_start3A_88 = arith.constant 0 : i32
      %dma_start3A_89 = tpu.memref_slice %arg7[%dma_start3A, %dma_start3A_87, %dma_start3A_88] : memref<2x256x128xf32, #tpu.memory_space<vmem>> -> memref<1x256x128xf32, #tpu.memory_space<vmem>>
      %dma_start3A_90 = tpu.memref_squeeze %dma_start3A_89 : memref<1x256x128xf32, #tpu.memory_space<vmem>> -> memref<256x128xf32, #tpu.memory_space<vmem>>
      %dma_start3A_91 = arith.constant 0 : i32
      %dma_start3A_92 = tpu.memref_slice %arg4[%select_n3A_86, %dma_start3A_91] : memref<262144x128xf32, #tpu.memory_space<hbm>> -> memref<256x128xf32, #tpu.memory_space<hbm>>
      %dma_start3A_93 = arith.constant 0 : i32
      %dma_start3A_94 = tpu.memref_slice %arg4[%select_n3A_86, %dma_start3A_93] : memref<262144x128xf32, #tpu.memory_space<hbm>> -> memref<256x128xf32, #tpu.memory_space<hbm>>
      %dma_start3A_95 = arith.constant 0 : i32
      %dma_start3A_96 = arith.constant 0 : i32
      %dma_start3A_97 = tpu.memref_slice %arg7[%dma_start3A, %dma_start3A_95, %dma_start3A_96] : memref<2x256x128xf32, #tpu.memory_space<vmem>> -> memref<1x256x128xf32, #tpu.memory_space<vmem>>
      %dma_start3A_98 = tpu.memref_squeeze %dma_start3A_97 : memref<1x256x128xf32, #tpu.memory_space<vmem>> -> memref<256x128xf32, #tpu.memory_space<vmem>>
      tpu.enqueue_dma source(%dma_start3A_98 : memref<256x128xf32, #tpu.memory_space<vmem>>) target(%dma_start3A_94 : memref<256x128xf32, #tpu.memory_space<hbm>>) target_semaphore(%arg8 : memref<!tpu.dma_semaphore, #tpu.memory_space<semaphore_mem>>)
      %mul3A_99 = arith.constant 2 : i32
      %mul3A_100 = arith.muli %scan3A_46, %mul3A_99 : i32
      %add3A_101 = arith.constant 1 : i32
      %add3A_102 = arith.addi %mul3A_100, %add3A_101 : i32
      %scan3A_103 = arith.constant 0 : i32
      %scan3A_104 = arith.constant 1 : i32
      %scan3A_105 = arith.constant 0 : i32
      %scan3A_106 = arith.constant 32 : i32
      %scan3A_107 = arith.addi %scan3A_105, %scan3A_106 : i32
      %scan3A_108 = arith.constant 1 : i32
      scf.for %scan3A_155 = %scan3A_105 to %scan3A_107 step %scan3A_108  : i32 {
        %mul3A_156 = arith.constant 512 : i32
        %mul3A_157 = arith.muli %add3A_102, %mul3A_156 : i32
        %mul3A_158 = arith.constant 16 : i32
        %mul3A_159 = arith.muli %scan3A_155, %mul3A_158 : i32
        %add3A_160 = arith.addi %mul3A_157, %mul3A_159 : i32
        %get3A = arith.index_cast %add3A_160 : i32 to index
        %get3A_161 = tpu.vector_load %arg6[%get3A] {strides = array<i32>} : memref<16384xi32, #tpu.memory_space<vmem>>, vector<16xi32>,
        %mul3A_162 = arith.constant 65 : i32
        %mul3A_163 = vector.broadcast %mul3A_162 : i32 to vector<16xi32>
        %mul3A_164 = arith.muli %get3A_161, %mul3A_163 : vector<16xi32>
        %mul3A_165 = arith.constant 8 : i32
        %mul3A_166 = arith.muli %scan3A_155, %mul3A_165 : i32
        %add3A_167 = vector.broadcast %mul3A_166 : i32 to vector<16xi32>
        %add3A_168 = arith.addi %add3A_167, %shift_right_logical3A_4 : vector<16xi32>
        %add3A_169 = arith.constant 0 : i32
        %add3A_170 = vector.broadcast %add3A_169 : i32 to vector<16xi32>
        %add3A_171 = arith.addi %iota3A, %add3A_170 : vector<16xi32>
        %and3A_172 = arith.constant 63 : i32
        %and3A_173 = vector.broadcast %and3A_172 : i32 to vector<16xi32>
        %and3A_174 = arith.andi %add3A_171, %and3A_173 : vector<16xi32>
        %add3A_175 = arith.constant 1 : i32
        %add3A_176 = vector.broadcast %add3A_175 : i32 to vector<16xi32>
        %add3A_177 = arith.addi %iota3A, %add3A_176 : vector<16xi32>
        %and3A_178 = arith.constant 63 : i32
        %and3A_179 = vector.broadcast %and3A_178 : i32 to vector<16xi32>
        %and3A_180 = arith.andi %add3A_177, %and3A_179 : vector<16xi32>
        %add3A_181 = arith.constant 2 : i32
        %add3A_182 = vector.broadcast %add3A_181 : i32 to vector<16xi32>
        %add3A_183 = arith.addi %iota3A, %add3A_182 : vector<16xi32>
        %and3A_184 = arith.constant 63 : i32
        %and3A_185 = vector.broadcast %and3A_184 : i32 to vector<16xi32>
        %and3A_186 = arith.andi %add3A_183, %and3A_185 : vector<16xi32>
        %add3A_187 = arith.constant 3 : i32
        %add3A_188 = vector.broadcast %add3A_187 : i32 to vector<16xi32>
        %add3A_189 = arith.addi %iota3A, %add3A_188 : vector<16xi32>
        %and3A_190 = arith.constant 63 : i32
        %and3A_191 = vector.broadcast %and3A_190 : i32 to vector<16xi32>
        %and3A_192 = arith.andi %add3A_189, %and3A_191 : vector<16xi32>
        %add3A_193 = arith.constant 4 : i32
        %add3A_194 = vector.broadcast %add3A_193 : i32 to vector<16xi32>
        %add3A_195 = arith.addi %iota3A, %add3A_194 : vector<16xi32>
        %and3A_196 = arith.constant 63 : i32
        %and3A_197 = vector.broadcast %and3A_196 : i32 to vector<16xi32>
        %and3A_198 = arith.andi %add3A_195, %and3A_197 : vector<16xi32>
        %add3A_199 = arith.constant 5 : i32
        %add3A_200 = vector.broadcast %add3A_199 : i32 to vector<16xi32>
        %add3A_201 = arith.addi %iota3A, %add3A_200 : vector<16xi32>
        %and3A_202 = arith.constant 63 : i32
        %and3A_203 = vector.broadcast %and3A_202 : i32 to vector<16xi32>
        %and3A_204 = arith.andi %add3A_201, %and3A_203 : vector<16xi32>
        %add3A_205 = arith.constant 6 : i32
        %add3A_206 = vector.broadcast %add3A_205 : i32 to vector<16xi32>
        %add3A_207 = arith.addi %iota3A, %add3A_206 : vector<16xi32>
        %and3A_208 = arith.constant 63 : i32
        %and3A_209 = vector.broadcast %and3A_208 : i32 to vector<16xi32>
        %and3A_210 = arith.andi %add3A_207, %and3A_209 : vector<16xi32>
        %add3A_211 = arith.constant 7 : i32
        %add3A_212 = vector.broadcast %add3A_211 : i32 to vector<16xi32>
        %add3A_213 = arith.addi %iota3A, %add3A_212 : vector<16xi32>
        %and3A_214 = arith.constant 63 : i32
        %and3A_215 = vector.broadcast %and3A_214 : i32 to vector<16xi32>
        %and3A_216 = arith.andi %add3A_213, %and3A_215 : vector<16xi32>
        %add3A_217 = arith.constant 8 : i32
        %add3A_218 = vector.broadcast %add3A_217 : i32 to vector<16xi32>
        %add3A_219 = arith.addi %iota3A, %add3A_218 : vector<16xi32>
        %and3A_220 = arith.constant 63 : i32
        %and3A_221 = vector.broadcast %and3A_220 : i32 to vector<16xi32>
        %and3A_222 = arith.andi %add3A_219, %and3A_221 : vector<16xi32>
        %add3A_223 = arith.constant 9 : i32
        %add3A_224 = vector.broadcast %add3A_223 : i32 to vector<16xi32>
        %add3A_225 = arith.addi %iota3A, %add3A_224 : vector<16xi32>
        %and3A_226 = arith.constant 63 : i32
        %and3A_227 = vector.broadcast %and3A_226 : i32 to vector<16xi32>
        %and3A_228 = arith.andi %add3A_225, %and3A_227 : vector<16xi32>
        %add3A_229 = arith.constant 10 : i32
        %add3A_230 = vector.broadcast %add3A_229 : i32 to vector<16xi32>
        %add3A_231 = arith.addi %iota3A, %add3A_230 : vector<16xi32>
        %and3A_232 = arith.constant 63 : i32
        %and3A_233 = vector.broadcast %and3A_232 : i32 to vector<16xi32>
        %and3A_234 = arith.andi %add3A_231, %and3A_233 : vector<16xi32>
        %add3A_235 = arith.constant 11 : i32
        %add3A_236 = vector.broadcast %add3A_235 : i32 to vector<16xi32>
        %add3A_237 = arith.addi %iota3A, %add3A_236 : vector<16xi32>
        %and3A_238 = arith.constant 63 : i32
        %and3A_239 = vector.broadcast %and3A_238 : i32 to vector<16xi32>
        %and3A_240 = arith.andi %add3A_237, %and3A_239 : vector<16xi32>
        %add3A_241 = arith.constant 12 : i32
        %add3A_242 = vector.broadcast %add3A_241 : i32 to vector<16xi32>
        %add3A_243 = arith.addi %iota3A, %add3A_242 : vector<16xi32>
        %and3A_244 = arith.constant 63 : i32
        %and3A_245 = vector.broadcast %and3A_244 : i32 to vector<16xi32>
        %and3A_246 = arith.andi %add3A_243, %and3A_245 : vector<16xi32>
        %add3A_247 = arith.constant 13 : i32
        %add3A_248 = vector.broadcast %add3A_247 : i32 to vector<16xi32>
        %add3A_249 = arith.addi %iota3A, %add3A_248 : vector<16xi32>
        %and3A_250 = arith.constant 63 : i32
        %and3A_251 = vector.broadcast %and3A_250 : i32 to vector<16xi32>
        %and3A_252 = arith.andi %add3A_249, %and3A_251 : vector<16xi32>
        %add3A_253 = arith.constant 14 : i32
        %add3A_254 = vector.broadcast %add3A_253 : i32 to vector<16xi32>
        %add3A_255 = arith.addi %iota3A, %add3A_254 : vector<16xi32>
        %and3A_256 = arith.constant 63 : i32
        %and3A_257 = vector.broadcast %and3A_256 : i32 to vector<16xi32>
        %and3A_258 = arith.andi %add3A_255, %and3A_257 : vector<16xi32>
        %add3A_259 = arith.constant 15 : i32
        %add3A_260 = vector.broadcast %add3A_259 : i32 to vector<16xi32>
        %add3A_261 = arith.addi %iota3A, %add3A_260 : vector<16xi32>
        %and3A_262 = arith.constant 63 : i32
        %and3A_263 = vector.broadcast %and3A_262 : i32 to vector<16xi32>
        %and3A_264 = arith.andi %add3A_261, %and3A_263 : vector<16xi32>
        %add3A_265 = arith.addi %mul3A_164, %and3A_174 : vector<16xi32>
        %gather3A = tpu.vector_load_idx %arg5[%add3A_265] : memref<17040xf32, #tpu.memory_space<vmem>>[vector<16xi32>], vector<16xf32>,
        %add3A_266 = arith.addi %mul3A_164, %and3A_180 : vector<16xi32>
        %gather3A_267 = tpu.vector_load_idx %arg5[%add3A_266] : memref<17040xf32, #tpu.memory_space<vmem>>[vector<16xi32>], vector<16xf32>,
        %add3A_268 = arith.addi %mul3A_164, %and3A_186 : vector<16xi32>
        %gather3A_269 = tpu.vector_load_idx %arg5[%add3A_268] : memref<17040xf32, #tpu.memory_space<vmem>>[vector<16xi32>], vector<16xf32>,
        %add3A_270 = arith.addi %mul3A_164, %and3A_192 : vector<16xi32>
        %gather3A_271 = tpu.vector_load_idx %arg5[%add3A_270] : memref<17040xf32, #tpu.memory_space<vmem>>[vector<16xi32>], vector<16xf32>,
        %add3A_272 = arith.addi %mul3A_164, %and3A_198 : vector<16xi32>
        %gather3A_273 = tpu.vector_load_idx %arg5[%add3A_272] : memref<17040xf32, #tpu.memory_space<vmem>>[vector<16xi32>], vector<16xf32>,
        %add3A_274 = arith.addi %mul3A_164, %and3A_204 : vector<16xi32>
        %gather3A_275 = tpu.vector_load_idx %arg5[%add3A_274] : memref<17040xf32, #tpu.memory_space<vmem>>[vector<16xi32>], vector<16xf32>,
        %add3A_276 = arith.addi %mul3A_164, %and3A_210 : vector<16xi32>
        %gather3A_277 = tpu.vector_load_idx %arg5[%add3A_276] : memref<17040xf32, #tpu.memory_space<vmem>>[vector<16xi32>], vector<16xf32>,
        %add3A_278 = arith.addi %mul3A_164, %and3A_216 : vector<16xi32>
        %gather3A_279 = tpu.vector_load_idx %arg5[%add3A_278] : memref<17040xf32, #tpu.memory_space<vmem>>[vector<16xi32>], vector<16xf32>,
        %add3A_280 = arith.addi %mul3A_164, %and3A_222 : vector<16xi32>
        %gather3A_281 = tpu.vector_load_idx %arg5[%add3A_280] : memref<17040xf32, #tpu.memory_space<vmem>>[vector<16xi32>], vector<16xf32>,
        %add3A_282 = arith.addi %mul3A_164, %and3A_228 : vector<16xi32>
        %gather3A_283 = tpu.vector_load_idx %arg5[%add3A_282] : memref<17040xf32, #tpu.memory_space<vmem>>[vector<16xi32>], vector<16xf32>,
        %add3A_284 = arith.addi %mul3A_164, %and3A_234 : vector<16xi32>
        %gather3A_285 = tpu.vector_load_idx %arg5[%add3A_284] : memref<17040xf32, #tpu.memory_space<vmem>>[vector<16xi32>], vector<16xf32>,
        %add3A_286 = arith.addi %mul3A_164, %and3A_240 : vector<16xi32>
        %gather3A_287 = tpu.vector_load_idx %arg5[%add3A_286] : memref<17040xf32, #tpu.memory_space<vmem>>[vector<16xi32>], vector<16xf32>,
        %add3A_288 = arith.addi %mul3A_164, %and3A_246 : vector<16xi32>
        %gather3A_289 = tpu.vector_load_idx %arg5[%add3A_288] : memref<17040xf32, #tpu.memory_space<vmem>>[vector<16xi32>], vector<16xf32>,
        %add3A_290 = arith.addi %mul3A_164, %and3A_252 : vector<16xi32>
        %gather3A_291 = tpu.vector_load_idx %arg5[%add3A_290] : memref<17040xf32, #tpu.memory_space<vmem>>[vector<16xi32>], vector<16xf32>,
        %add3A_292 = arith.addi %mul3A_164, %and3A_258 : vector<16xi32>
        %gather3A_293 = tpu.vector_load_idx %arg5[%add3A_292] : memref<17040xf32, #tpu.memory_space<vmem>>[vector<16xi32>], vector<16xf32>,
        %add3A_294 = arith.addi %mul3A_164, %and3A_264 : vector<16xi32>
        %gather3A_295 = tpu.vector_load_idx %arg5[%add3A_294] : memref<17040xf32, #tpu.memory_space<vmem>>[vector<16xi32>], vector<16xf32>,
        %add3A_296 = arith.addi %mul3A_9, %and3A_174 : vector<16xi32>
        %scatter3A = arith.constant 0 : i32
        %scatter3A_297 = arith.constant 0 : i32
        %scatter3A_298 = tpu.memref_slice %arg7[%scan3A_104, %scatter3A, %scatter3A_297] : memref<2x256x128xf32, #tpu.memory_space<vmem>> -> memref<1x256x128xf32, #tpu.memory_space<vmem>>
        %scatter3A_299 = tpu.memref_squeeze %scatter3A_298 : memref<1x256x128xf32, #tpu.memory_space<vmem>> -> memref<256x128xf32, #tpu.memory_space<vmem>>
        tpu.vector_store_idx %scatter3A_299[%add3A_168, %add3A_296], %gather3A : memref<256x128xf32, #tpu.memory_space<vmem>>[vector<16xi32>, vector<16xi32>], vector<16xf32>,
        %add3A_300 = arith.addi %mul3A_9, %and3A_180 : vector<16xi32>
        %scatter3A_301 = arith.constant 0 : i32
        %scatter3A_302 = arith.constant 0 : i32
        %scatter3A_303 = tpu.memref_slice %arg7[%scan3A_104, %scatter3A_301, %scatter3A_302] : memref<2x256x128xf32, #tpu.memory_space<vmem>> -> memref<1x256x128xf32, #tpu.memory_space<vmem>>
        %scatter3A_304 = tpu.memref_squeeze %scatter3A_303 : memref<1x256x128xf32, #tpu.memory_space<vmem>> -> memref<256x128xf32, #tpu.memory_space<vmem>>
        tpu.vector_store_idx %scatter3A_304[%add3A_168, %add3A_300], %gather3A_267 : memref<256x128xf32, #tpu.memory_space<vmem>>[vector<16xi32>, vector<16xi32>], vector<16xf32>,
        %add3A_305 = arith.addi %mul3A_9, %and3A_186 : vector<16xi32>
        %scatter3A_306 = arith.constant 0 : i32
        %scatter3A_307 = arith.constant 0 : i32
        %scatter3A_308 = tpu.memref_slice %arg7[%scan3A_104, %scatter3A_306, %scatter3A_307] : memref<2x256x128xf32, #tpu.memory_space<vmem>> -> memref<1x256x128xf32, #tpu.memory_space<vmem>>
        %scatter3A_309 = tpu.memref_squeeze %scatter3A_308 : memref<1x256x128xf32, #tpu.memory_space<vmem>> -> memref<256x128xf32, #tpu.memory_space<vmem>>
        tpu.vector_store_idx %scatter3A_309[%add3A_168, %add3A_305], %gather3A_269 : memref<256x128xf32, #tpu.memory_space<vmem>>[vector<16xi32>, vector<16xi32>], vector<16xf32>,
        %add3A_310 = arith.addi %mul3A_9, %and3A_192 : vector<16xi32>
        %scatter3A_311 = arith.constant 0 : i32
        %scatter3A_312 = arith.constant 0 : i32
        %scatter3A_313 = tpu.memref_slice %arg7[%scan3A_104, %scatter3A_311, %scatter3A_312] : memref<2x256x128xf32, #tpu.memory_space<vmem>> -> memref<1x256x128xf32, #tpu.memory_space<vmem>>
        %scatter3A_314 = tpu.memref_squeeze %scatter3A_313 : memref<1x256x128xf32, #tpu.memory_space<vmem>> -> memref<256x128xf32, #tpu.memory_space<vmem>>
        tpu.vector_store_idx %scatter3A_314[%add3A_168, %add3A_310], %gather3A_271 : memref<256x128xf32, #tpu.memory_space<vmem>>[vector<16xi32>, vector<16xi32>], vector<16xf32>,
        %add3A_315 = arith.addi %mul3A_9, %and3A_198 : vector<16xi32>
        %scatter3A_316 = arith.constant 0 : i32
        %scatter3A_317 = arith.constant 0 : i32
        %scatter3A_318 = tpu.memref_slice %arg7[%scan3A_104, %scatter3A_316, %scatter3A_317] : memref<2x256x128xf32, #tpu.memory_space<vmem>> -> memref<1x256x128xf32, #tpu.memory_space<vmem>>
        %scatter3A_319 = tpu.memref_squeeze %scatter3A_318 : memref<1x256x128xf32, #tpu.memory_space<vmem>> -> memref<256x128xf32, #tpu.memory_space<vmem>>
        tpu.vector_store_idx %scatter3A_319[%add3A_168, %add3A_315], %gather3A_273 : memref<256x128xf32, #tpu.memory_space<vmem>>[vector<16xi32>, vector<16xi32>], vector<16xf32>,
        %add3A_320 = arith.addi %mul3A_9, %and3A_204 : vector<16xi32>
        %scatter3A_321 = arith.constant 0 : i32
        %scatter3A_322 = arith.constant 0 : i32
        %scatter3A_323 = tpu.memref_slice %arg7[%scan3A_104, %scatter3A_321, %scatter3A_322] : memref<2x256x128xf32, #tpu.memory_space<vmem>> -> memref<1x256x128xf32, #tpu.memory_space<vmem>>
        %scatter3A_324 = tpu.memref_squeeze %scatter3A_323 : memref<1x256x128xf32, #tpu.memory_space<vmem>> -> memref<256x128xf32, #tpu.memory_space<vmem>>
        tpu.vector_store_idx %scatter3A_324[%add3A_168, %add3A_320], %gather3A_275 : memref<256x128xf32, #tpu.memory_space<vmem>>[vector<16xi32>, vector<16xi32>], vector<16xf32>,
        %add3A_325 = arith.addi %mul3A_9, %and3A_210 : vector<16xi32>
        %scatter3A_326 = arith.constant 0 : i32
        %scatter3A_327 = arith.constant 0 : i32
        %scatter3A_328 = tpu.memref_slice %arg7[%scan3A_104, %scatter3A_326, %scatter3A_327] : memref<2x256x128xf32, #tpu.memory_space<vmem>> -> memref<1x256x128xf32, #tpu.memory_space<vmem>>
        %scatter3A_329 = tpu.memref_squeeze %scatter3A_328 : memref<1x256x128xf32, #tpu.memory_space<vmem>> -> memref<256x128xf32, #tpu.memory_space<vmem>>
        tpu.vector_store_idx %scatter3A_329[%add3A_168, %add3A_325], %gather3A_277 : memref<256x128xf32, #tpu.memory_space<vmem>>[vector<16xi32>, vector<16xi32>], vector<16xf32>,
        %add3A_330 = arith.addi %mul3A_9, %and3A_216 : vector<16xi32>
        %scatter3A_331 = arith.constant 0 : i32
        %scatter3A_332 = arith.constant 0 : i32
        %scatter3A_333 = tpu.memref_slice %arg7[%scan3A_104, %scatter3A_331, %scatter3A_332] : memref<2x256x128xf32, #tpu.memory_space<vmem>> -> memref<1x256x128xf32, #tpu.memory_space<vmem>>
        %scatter3A_334 = tpu.memref_squeeze %scatter3A_333 : memref<1x256x128xf32, #tpu.memory_space<vmem>> -> memref<256x128xf32, #tpu.memory_space<vmem>>
        tpu.vector_store_idx %scatter3A_334[%add3A_168, %add3A_330], %gather3A_279 : memref<256x128xf32, #tpu.memory_space<vmem>>[vector<16xi32>, vector<16xi32>], vector<16xf32>,
        %add3A_335 = arith.addi %mul3A_9, %and3A_222 : vector<16xi32>
        %scatter3A_336 = arith.constant 0 : i32
        %scatter3A_337 = arith.constant 0 : i32
        %scatter3A_338 = tpu.memref_slice %arg7[%scan3A_104, %scatter3A_336, %scatter3A_337] : memref<2x256x128xf32, #tpu.memory_space<vmem>> -> memref<1x256x128xf32, #tpu.memory_space<vmem>>
        %scatter3A_339 = tpu.memref_squeeze %scatter3A_338 : memref<1x256x128xf32, #tpu.memory_space<vmem>> -> memref<256x128xf32, #tpu.memory_space<vmem>>
        tpu.vector_store_idx %scatter3A_339[%add3A_168, %add3A_335], %gather3A_281 : memref<256x128xf32, #tpu.memory_space<vmem>>[vector<16xi32>, vector<16xi32>], vector<16xf32>,
        %add3A_340 = arith.addi %mul3A_9, %and3A_228 : vector<16xi32>
        %scatter3A_341 = arith.constant 0 : i32
        %scatter3A_342 = arith.constant 0 : i32
        %scatter3A_343 = tpu.memref_slice %arg7[%scan3A_104, %scatter3A_341, %scatter3A_342] : memref<2x256x128xf32, #tpu.memory_space<vmem>> -> memref<1x256x128xf32, #tpu.memory_space<vmem>>
        %scatter3A_344 = tpu.memref_squeeze %scatter3A_343 : memref<1x256x128xf32, #tpu.memory_space<vmem>> -> memref<256x128xf32, #tpu.memory_space<vmem>>
        tpu.vector_store_idx %scatter3A_344[%add3A_168, %add3A_340], %gather3A_283 : memref<256x128xf32, #tpu.memory_space<vmem>>[vector<16xi32>, vector<16xi32>], vector<16xf32>,
        %add3A_345 = arith.addi %mul3A_9, %and3A_234 : vector<16xi32>
        %scatter3A_346 = arith.constant 0 : i32
        %scatter3A_347 = arith.constant 0 : i32
        %scatter3A_348 = tpu.memref_slice %arg7[%scan3A_104, %scatter3A_346, %scatter3A_347] : memref<2x256x128xf32, #tpu.memory_space<vmem>> -> memref<1x256x128xf32, #tpu.memory_space<vmem>>
        %scatter3A_349 = tpu.memref_squeeze %scatter3A_348 : memref<1x256x128xf32, #tpu.memory_space<vmem>> -> memref<256x128xf32, #tpu.memory_space<vmem>>
        tpu.vector_store_idx %scatter3A_349[%add3A_168, %add3A_345], %gather3A_285 : memref<256x128xf32, #tpu.memory_space<vmem>>[vector<16xi32>, vector<16xi32>], vector<16xf32>,
        %add3A_350 = arith.addi %mul3A_9, %and3A_240 : vector<16xi32>
        %scatter3A_351 = arith.constant 0 : i32
        %scatter3A_352 = arith.constant 0 : i32
        %scatter3A_353 = tpu.memref_slice %arg7[%scan3A_104, %scatter3A_351, %scatter3A_352] : memref<2x256x128xf32, #tpu.memory_space<vmem>> -> memref<1x256x128xf32, #tpu.memory_space<vmem>>
        %scatter3A_354 = tpu.memref_squeeze %scatter3A_353 : memref<1x256x128xf32, #tpu.memory_space<vmem>> -> memref<256x128xf32, #tpu.memory_space<vmem>>
        tpu.vector_store_idx %scatter3A_354[%add3A_168, %add3A_350], %gather3A_287 : memref<256x128xf32, #tpu.memory_space<vmem>>[vector<16xi32>, vector<16xi32>], vector<16xf32>,
        %add3A_355 = arith.addi %mul3A_9, %and3A_246 : vector<16xi32>
        %scatter3A_356 = arith.constant 0 : i32
        %scatter3A_357 = arith.constant 0 : i32
        %scatter3A_358 = tpu.memref_slice %arg7[%scan3A_104, %scatter3A_356, %scatter3A_357] : memref<2x256x128xf32, #tpu.memory_space<vmem>> -> memref<1x256x128xf32, #tpu.memory_space<vmem>>
        %scatter3A_359 = tpu.memref_squeeze %scatter3A_358 : memref<1x256x128xf32, #tpu.memory_space<vmem>> -> memref<256x128xf32, #tpu.memory_space<vmem>>
        tpu.vector_store_idx %scatter3A_359[%add3A_168, %add3A_355], %gather3A_289 : memref<256x128xf32, #tpu.memory_space<vmem>>[vector<16xi32>, vector<16xi32>], vector<16xf32>,
        %add3A_360 = arith.addi %mul3A_9, %and3A_252 : vector<16xi32>
        %scatter3A_361 = arith.constant 0 : i32
        %scatter3A_362 = arith.constant 0 : i32
        %scatter3A_363 = tpu.memref_slice %arg7[%scan3A_104, %scatter3A_361, %scatter3A_362] : memref<2x256x128xf32, #tpu.memory_space<vmem>> -> memref<1x256x128xf32, #tpu.memory_space<vmem>>
        %scatter3A_364 = tpu.memref_squeeze %scatter3A_363 : memref<1x256x128xf32, #tpu.memory_space<vmem>> -> memref<256x128xf32, #tpu.memory_space<vmem>>
        tpu.vector_store_idx %scatter3A_364[%add3A_168, %add3A_360], %gather3A_291 : memref<256x128xf32, #tpu.memory_space<vmem>>[vector<16xi32>, vector<16xi32>], vector<16xf32>,
        %add3A_365 = arith.addi %mul3A_9, %and3A_258 : vector<16xi32>
        %scatter3A_366 = arith.constant 0 : i32
        %scatter3A_367 = arith.constant 0 : i32
        %scatter3A_368 = tpu.memref_slice %arg7[%scan3A_104, %scatter3A_366, %scatter3A_367] : memref<2x256x128xf32, #tpu.memory_space<vmem>> -> memref<1x256x128xf32, #tpu.memory_space<vmem>>
        %scatter3A_369 = tpu.memref_squeeze %scatter3A_368 : memref<1x256x128xf32, #tpu.memory_space<vmem>> -> memref<256x128xf32, #tpu.memory_space<vmem>>
        tpu.vector_store_idx %scatter3A_369[%add3A_168, %add3A_365], %gather3A_293 : memref<256x128xf32, #tpu.memory_space<vmem>>[vector<16xi32>, vector<16xi32>], vector<16xf32>,
        %add3A_370 = arith.addi %mul3A_9, %and3A_264 : vector<16xi32>
        %scatter3A_371 = arith.constant 0 : i32
        %scatter3A_372 = arith.constant 0 : i32
        %scatter3A_373 = tpu.memref_slice %arg7[%scan3A_104, %scatter3A_371, %scatter3A_372] : memref<2x256x128xf32, #tpu.memory_space<vmem>> -> memref<1x256x128xf32, #tpu.memory_space<vmem>>
        %scatter3A_374 = tpu.memref_squeeze %scatter3A_373 : memref<1x256x128xf32, #tpu.memory_space<vmem>> -> memref<256x128xf32, #tpu.memory_space<vmem>>
        tpu.vector_store_idx %scatter3A_374[%add3A_168, %add3A_370], %gather3A_295 : memref<256x128xf32, #tpu.memory_space<vmem>>[vector<16xi32>, vector<16xi32>], vector<16xf32>,
        %add3A_375 = arith.constant 16 : i32
        %add3A_376 = vector.broadcast %add3A_375 : i32 to vector<16xi32>
        %add3A_377 = arith.addi %iota3A, %add3A_376 : vector<16xi32>
        %and3A_378 = arith.constant 63 : i32
        %and3A_379 = vector.broadcast %and3A_378 : i32 to vector<16xi32>
        %and3A_380 = arith.andi %add3A_377, %and3A_379 : vector<16xi32>
        %add3A_381 = arith.constant 17 : i32
        %add3A_382 = vector.broadcast %add3A_381 : i32 to vector<16xi32>
        %add3A_383 = arith.addi %iota3A, %add3A_382 : vector<16xi32>
        %and3A_384 = arith.constant 63 : i32
        %and3A_385 = vector.broadcast %and3A_384 : i32 to vector<16xi32>
        %and3A_386 = arith.andi %add3A_383, %and3A_385 : vector<16xi32>
        %add3A_387 = arith.constant 18 : i32
        %add3A_388 = vector.broadcast %add3A_387 : i32 to vector<16xi32>
        %add3A_389 = arith.addi %iota3A, %add3A_388 : vector<16xi32>
        %and3A_390 = arith.constant 63 : i32
        %and3A_391 = vector.broadcast %and3A_390 : i32 to vector<16xi32>
        %and3A_392 = arith.andi %add3A_389, %and3A_391 : vector<16xi32>
        %add3A_393 = arith.constant 19 : i32
        %add3A_394 = vector.broadcast %add3A_393 : i32 to vector<16xi32>
        %add3A_395 = arith.addi %iota3A, %add3A_394 : vector<16xi32>
        %and3A_396 = arith.constant 63 : i32
        %and3A_397 = vector.broadcast %and3A_396 : i32 to vector<16xi32>
        %and3A_398 = arith.andi %add3A_395, %and3A_397 : vector<16xi32>
        %add3A_399 = arith.constant 20 : i32
        %add3A_400 = vector.broadcast %add3A_399 : i32 to vector<16xi32>
        %add3A_401 = arith.addi %iota3A, %add3A_400 : vector<16xi32>
        %and3A_402 = arith.constant 63 : i32
        %and3A_403 = vector.broadcast %and3A_402 : i32 to vector<16xi32>
        %and3A_404 = arith.andi %add3A_401, %and3A_403 : vector<16xi32>
        %add3A_405 = arith.constant 21 : i32
        %add3A_406 = vector.broadcast %add3A_405 : i32 to vector<16xi32>
        %add3A_407 = arith.addi %iota3A, %add3A_406 : vector<16xi32>
        %and3A_408 = arith.constant 63 : i32
        %and3A_409 = vector.broadcast %and3A_408 : i32 to vector<16xi32>
        %and3A_410 = arith.andi %add3A_407, %and3A_409 : vector<16xi32>
        %add3A_411 = arith.constant 22 : i32
        %add3A_412 = vector.broadcast %add3A_411 : i32 to vector<16xi32>
        %add3A_413 = arith.addi %iota3A, %add3A_412 : vector<16xi32>
        %and3A_414 = arith.constant 63 : i32
        %and3A_415 = vector.broadcast %and3A_414 : i32 to vector<16xi32>
        %and3A_416 = arith.andi %add3A_413, %and3A_415 : vector<16xi32>
        %add3A_417 = arith.constant 23 : i32
        %add3A_418 = vector.broadcast %add3A_417 : i32 to vector<16xi32>
        %add3A_419 = arith.addi %iota3A, %add3A_418 : vector<16xi32>
        %and3A_420 = arith.constant 63 : i32
        %and3A_421 = vector.broadcast %and3A_420 : i32 to vector<16xi32>
        %and3A_422 = arith.andi %add3A_419, %and3A_421 : vector<16xi32>
        %add3A_423 = arith.constant 24 : i32
        %add3A_424 = vector.broadcast %add3A_423 : i32 to vector<16xi32>
        %add3A_425 = arith.addi %iota3A, %add3A_424 : vector<16xi32>
        %and3A_426 = arith.constant 63 : i32
        %and3A_427 = vector.broadcast %and3A_426 : i32 to vector<16xi32>
        %and3A_428 = arith.andi %add3A_425, %and3A_427 : vector<16xi32>
        %add3A_429 = arith.constant 25 : i32
        %add3A_430 = vector.broadcast %add3A_429 : i32 to vector<16xi32>
        %add3A_431 = arith.addi %iota3A, %add3A_430 : vector<16xi32>
        %and3A_432 = arith.constant 63 : i32
        %and3A_433 = vector.broadcast %and3A_432 : i32 to vector<16xi32>
        %and3A_434 = arith.andi %add3A_431, %and3A_433 : vector<16xi32>
        %add3A_435 = arith.constant 26 : i32
        %add3A_436 = vector.broadcast %add3A_435 : i32 to vector<16xi32>
        %add3A_437 = arith.addi %iota3A, %add3A_436 : vector<16xi32>
        %and3A_438 = arith.constant 63 : i32
        %and3A_439 = vector.broadcast %and3A_438 : i32 to vector<16xi32>
        %and3A_440 = arith.andi %add3A_437, %and3A_439 : vector<16xi32>
        %add3A_441 = arith.constant 27 : i32
        %add3A_442 = vector.broadcast %add3A_441 : i32 to vector<16xi32>
        %add3A_443 = arith.addi %iota3A, %add3A_442 : vector<16xi32>
        %and3A_444 = arith.constant 63 : i32
        %and3A_445 = vector.broadcast %and3A_444 : i32 to vector<16xi32>
        %and3A_446 = arith.andi %add3A_443, %and3A_445 : vector<16xi32>
        %add3A_447 = arith.constant 28 : i32
        %add3A_448 = vector.broadcast %add3A_447 : i32 to vector<16xi32>
        %add3A_449 = arith.addi %iota3A, %add3A_448 : vector<16xi32>
        %and3A_450 = arith.constant 63 : i32
        %and3A_451 = vector.broadcast %and3A_450 : i32 to vector<16xi32>
        %and3A_452 = arith.andi %add3A_449, %and3A_451 : vector<16xi32>
        %add3A_453 = arith.constant 29 : i32
        %add3A_454 = vector.broadcast %add3A_453 : i32 to vector<16xi32>
        %add3A_455 = arith.addi %iota3A, %add3A_454 : vector<16xi32>
        %and3A_456 = arith.constant 63 : i32
        %and3A_457 = vector.broadcast %and3A_456 : i32 to vector<16xi32>
        %and3A_458 = arith.andi %add3A_455, %and3A_457 : vector<16xi32>
        %add3A_459 = arith.constant 30 : i32
        %add3A_460 = vector.broadcast %add3A_459 : i32 to vector<16xi32>
        %add3A_461 = arith.addi %iota3A, %add3A_460 : vector<16xi32>
        %and3A_462 = arith.constant 63 : i32
        %and3A_463 = vector.broadcast %and3A_462 : i32 to vector<16xi32>
        %and3A_464 = arith.andi %add3A_461, %and3A_463 : vector<16xi32>
        %add3A_465 = arith.constant 31 : i32
        %add3A_466 = vector.broadcast %add3A_465 : i32 to vector<16xi32>
        %add3A_467 = arith.addi %iota3A, %add3A_466 : vector<16xi32>
        %and3A_468 = arith.constant 63 : i32
        %and3A_469 = vector.broadcast %and3A_468 : i32 to vector<16xi32>
        %and3A_470 = arith.andi %add3A_467, %and3A_469 : vector<16xi32>
        %add3A_471 = arith.addi %mul3A_164, %and3A_380 : vector<16xi32>
        %gather3A_472 = tpu.vector_load_idx %arg5[%add3A_471] : memref<17040xf32, #tpu.memory_space<vmem>>[vector<16xi32>], vector<16xf32>,
        %add3A_473 = arith.addi %mul3A_164, %and3A_386 : vector<16xi32>
        %gather3A_474 = tpu.vector_load_idx %arg5[%add3A_473] : memref<17040xf32, #tpu.memory_space<vmem>>[vector<16xi32>], vector<16xf32>,
        %add3A_475 = arith.addi %mul3A_164, %and3A_392 : vector<16xi32>
        %gather3A_476 = tpu.vector_load_idx %arg5[%add3A_475] : memref<17040xf32, #tpu.memory_space<vmem>>[vector<16xi32>], vector<16xf32>,
        %add3A_477 = arith.addi %mul3A_164, %and3A_398 : vector<16xi32>
        %gather3A_478 = tpu.vector_load_idx %arg5[%add3A_477] : memref<17040xf32, #tpu.memory_space<vmem>>[vector<16xi32>], vector<16xf32>,
        %add3A_479 = arith.addi %mul3A_164, %and3A_404 : vector<16xi32>
        %gather3A_480 = tpu.vector_load_idx %arg5[%add3A_479] : memref<17040xf32, #tpu.memory_space<vmem>>[vector<16xi32>], vector<16xf32>,
        %add3A_481 = arith.addi %mul3A_164, %and3A_410 : vector<16xi32>
        %gather3A_482 = tpu.vector_load_idx %arg5[%add3A_481] : memref<17040xf32, #tpu.memory_space<vmem>>[vector<16xi32>], vector<16xf32>,
        %add3A_483 = arith.addi %mul3A_164, %and3A_416 : vector<16xi32>
        %gather3A_484 = tpu.vector_load_idx %arg5[%add3A_483] : memref<17040xf32, #tpu.memory_space<vmem>>[vector<16xi32>], vector<16xf32>,
        %add3A_485 = arith.addi %mul3A_164, %and3A_422 : vector<16xi32>
        %gather3A_486 = tpu.vector_load_idx %arg5[%add3A_485] : memref<17040xf32, #tpu.memory_space<vmem>>[vector<16xi32>], vector<16xf32>,
        %add3A_487 = arith.addi %mul3A_164, %and3A_428 : vector<16xi32>
        %gather3A_488 = tpu.vector_load_idx %arg5[%add3A_487] : memref<17040xf32, #tpu.memory_space<vmem>>[vector<16xi32>], vector<16xf32>,
        %add3A_489 = arith.addi %mul3A_164, %and3A_434 : vector<16xi32>
        %gather3A_490 = tpu.vector_load_idx %arg5[%add3A_489] : memref<17040xf32, #tpu.memory_space<vmem>>[vector<16xi32>], vector<16xf32>,
        %add3A_491 = arith.addi %mul3A_164, %and3A_440 : vector<16xi32>
        %gather3A_492 = tpu.vector_load_idx %arg5[%add3A_491] : memref<17040xf32, #tpu.memory_space<vmem>>[vector<16xi32>], vector<16xf32>,
        %add3A_493 = arith.addi %mul3A_164, %and3A_446 : vector<16xi32>
        %gather3A_494 = tpu.vector_load_idx %arg5[%add3A_493] : memref<17040xf32, #tpu.memory_space<vmem>>[vector<16xi32>], vector<16xf32>,
        %add3A_495 = arith.addi %mul3A_164, %and3A_452 : vector<16xi32>
        %gather3A_496 = tpu.vector_load_idx %arg5[%add3A_495] : memref<17040xf32, #tpu.memory_space<vmem>>[vector<16xi32>], vector<16xf32>,
        %add3A_497 = arith.addi %mul3A_164, %and3A_458 : vector<16xi32>
        %gather3A_498 = tpu.vector_load_idx %arg5[%add3A_497] : memref<17040xf32, #tpu.memory_space<vmem>>[vector<16xi32>], vector<16xf32>,
        %add3A_499 = arith.addi %mul3A_164, %and3A_464 : vector<16xi32>
        %gather3A_500 = tpu.vector_load_idx %arg5[%add3A_499] : memref<17040xf32, #tpu.memory_space<vmem>>[vector<16xi32>], vector<16xf32>,
        %add3A_501 = arith.addi %mul3A_164, %and3A_470 : vector<16xi32>
        %gather3A_502 = tpu.vector_load_idx %arg5[%add3A_501] : memref<17040xf32, #tpu.memory_space<vmem>>[vector<16xi32>], vector<16xf32>,
        %add3A_503 = arith.addi %mul3A_9, %and3A_380 : vector<16xi32>
        %scatter3A_504 = arith.constant 0 : i32
        %scatter3A_505 = arith.constant 0 : i32
        %scatter3A_506 = tpu.memref_slice %arg7[%scan3A_104, %scatter3A_504, %scatter3A_505] : memref<2x256x128xf32, #tpu.memory_space<vmem>> -> memref<1x256x128xf32, #tpu.memory_space<vmem>>
        %scatter3A_507 = tpu.memref_squeeze %scatter3A_506 : memref<1x256x128xf32, #tpu.memory_space<vmem>> -> memref<256x128xf32, #tpu.memory_space<vmem>>
        tpu.vector_store_idx %scatter3A_507[%add3A_168, %add3A_503], %gather3A_472 : memref<256x128xf32, #tpu.memory_space<vmem>>[vector<16xi32>, vector<16xi32>], vector<16xf32>,
        %add3A_508 = arith.addi %mul3A_9, %and3A_386 : vector<16xi32>
        %scatter3A_509 = arith.constant 0 : i32
        %scatter3A_510 = arith.constant 0 : i32
        %scatter3A_511 = tpu.memref_slice %arg7[%scan3A_104, %scatter3A_509, %scatter3A_510] : memref<2x256x128xf32, #tpu.memory_space<vmem>> -> memref<1x256x128xf32, #tpu.memory_space<vmem>>
        %scatter3A_512 = tpu.memref_squeeze %scatter3A_511 : memref<1x256x128xf32, #tpu.memory_space<vmem>> -> memref<256x128xf32, #tpu.memory_space<vmem>>
        tpu.vector_store_idx %scatter3A_512[%add3A_168, %add3A_508], %gather3A_474 : memref<256x128xf32, #tpu.memory_space<vmem>>[vector<16xi32>, vector<16xi32>], vector<16xf32>,
        %add3A_513 = arith.addi %mul3A_9, %and3A_392 : vector<16xi32>
        %scatter3A_514 = arith.constant 0 : i32
        %scatter3A_515 = arith.constant 0 : i32
        %scatter3A_516 = tpu.memref_slice %arg7[%scan3A_104, %scatter3A_514, %scatter3A_515] : memref<2x256x128xf32, #tpu.memory_space<vmem>> -> memref<1x256x128xf32, #tpu.memory_space<vmem>>
        %scatter3A_517 = tpu.memref_squeeze %scatter3A_516 : memref<1x256x128xf32, #tpu.memory_space<vmem>> -> memref<256x128xf32, #tpu.memory_space<vmem>>
        tpu.vector_store_idx %scatter3A_517[%add3A_168, %add3A_513], %gather3A_476 : memref<256x128xf32, #tpu.memory_space<vmem>>[vector<16xi32>, vector<16xi32>], vector<16xf32>,
        %add3A_518 = arith.addi %mul3A_9, %and3A_398 : vector<16xi32>
        %scatter3A_519 = arith.constant 0 : i32
        %scatter3A_520 = arith.constant 0 : i32
        %scatter3A_521 = tpu.memref_slice %arg7[%scan3A_104, %scatter3A_519, %scatter3A_520] : memref<2x256x128xf32, #tpu.memory_space<vmem>> -> memref<1x256x128xf32, #tpu.memory_space<vmem>>
        %scatter3A_522 = tpu.memref_squeeze %scatter3A_521 : memref<1x256x128xf32, #tpu.memory_space<vmem>> -> memref<256x128xf32, #tpu.memory_space<vmem>>
        tpu.vector_store_idx %scatter3A_522[%add3A_168, %add3A_518], %gather3A_478 : memref<256x128xf32, #tpu.memory_space<vmem>>[vector<16xi32>, vector<16xi32>], vector<16xf32>,
        %add3A_523 = arith.addi %mul3A_9, %and3A_404 : vector<16xi32>
        %scatter3A_524 = arith.constant 0 : i32
        %scatter3A_525 = arith.constant 0 : i32
        %scatter3A_526 = tpu.memref_slice %arg7[%scan3A_104, %scatter3A_524, %scatter3A_525] : memref<2x256x128xf32, #tpu.memory_space<vmem>> -> memref<1x256x128xf32, #tpu.memory_space<vmem>>
        %scatter3A_527 = tpu.memref_squeeze %scatter3A_526 : memref<1x256x128xf32, #tpu.memory_space<vmem>> -> memref<256x128xf32, #tpu.memory_space<vmem>>
        tpu.vector_store_idx %scatter3A_527[%add3A_168, %add3A_523], %gather3A_480 : memref<256x128xf32, #tpu.memory_space<vmem>>[vector<16xi32>, vector<16xi32>], vector<16xf32>,
        %add3A_528 = arith.addi %mul3A_9, %and3A_410 : vector<16xi32>
        %scatter3A_529 = arith.constant 0 : i32
        %scatter3A_530 = arith.constant 0 : i32
        %scatter3A_531 = tpu.memref_slice %arg7[%scan3A_104, %scatter3A_529, %scatter3A_530] : memref<2x256x128xf32, #tpu.memory_space<vmem>> -> memref<1x256x128xf32, #tpu.memory_space<vmem>>
        %scatter3A_532 = tpu.memref_squeeze %scatter3A_531 : memref<1x256x128xf32, #tpu.memory_space<vmem>> -> memref<256x128xf32, #tpu.memory_space<vmem>>
        tpu.vector_store_idx %scatter3A_532[%add3A_168, %add3A_528], %gather3A_482 : memref<256x128xf32, #tpu.memory_space<vmem>>[vector<16xi32>, vector<16xi32>], vector<16xf32>,
        %add3A_533 = arith.addi %mul3A_9, %and3A_416 : vector<16xi32>
        %scatter3A_534 = arith.constant 0 : i32
        %scatter3A_535 = arith.constant 0 : i32
        %scatter3A_536 = tpu.memref_slice %arg7[%scan3A_104, %scatter3A_534, %scatter3A_535] : memref<2x256x128xf32, #tpu.memory_space<vmem>> -> memref<1x256x128xf32, #tpu.memory_space<vmem>>
        %scatter3A_537 = tpu.memref_squeeze %scatter3A_536 : memref<1x256x128xf32, #tpu.memory_space<vmem>> -> memref<256x128xf32, #tpu.memory_space<vmem>>
        tpu.vector_store_idx %scatter3A_537[%add3A_168, %add3A_533], %gather3A_484 : memref<256x128xf32, #tpu.memory_space<vmem>>[vector<16xi32>, vector<16xi32>], vector<16xf32>,
        %add3A_538 = arith.addi %mul3A_9, %and3A_422 : vector<16xi32>
        %scatter3A_539 = arith.constant 0 : i32
        %scatter3A_540 = arith.constant 0 : i32
        %scatter3A_541 = tpu.memref_slice %arg7[%scan3A_104, %scatter3A_539, %scatter3A_540] : memref<2x256x128xf32, #tpu.memory_space<vmem>> -> memref<1x256x128xf32, #tpu.memory_space<vmem>>
        %scatter3A_542 = tpu.memref_squeeze %scatter3A_541 : memref<1x256x128xf32, #tpu.memory_space<vmem>> -> memref<256x128xf32, #tpu.memory_space<vmem>>
        tpu.vector_store_idx %scatter3A_542[%add3A_168, %add3A_538], %gather3A_486 : memref<256x128xf32, #tpu.memory_space<vmem>>[vector<16xi32>, vector<16xi32>], vector<16xf32>,
        %add3A_543 = arith.addi %mul3A_9, %and3A_428 : vector<16xi32>
        %scatter3A_544 = arith.constant 0 : i32
        %scatter3A_545 = arith.constant 0 : i32
        %scatter3A_546 = tpu.memref_slice %arg7[%scan3A_104, %scatter3A_544, %scatter3A_545] : memref<2x256x128xf32, #tpu.memory_space<vmem>> -> memref<1x256x128xf32, #tpu.memory_space<vmem>>
        %scatter3A_547 = tpu.memref_squeeze %scatter3A_546 : memref<1x256x128xf32, #tpu.memory_space<vmem>> -> memref<256x128xf32, #tpu.memory_space<vmem>>
        tpu.vector_store_idx %scatter3A_547[%add3A_168, %add3A_543], %gather3A_488 : memref<256x128xf32, #tpu.memory_space<vmem>>[vector<16xi32>, vector<16xi32>], vector<16xf32>,
        %add3A_548 = arith.addi %mul3A_9, %and3A_434 : vector<16xi32>
        %scatter3A_549 = arith.constant 0 : i32
        %scatter3A_550 = arith.constant 0 : i32
        %scatter3A_551 = tpu.memref_slice %arg7[%scan3A_104, %scatter3A_549, %scatter3A_550] : memref<2x256x128xf32, #tpu.memory_space<vmem>> -> memref<1x256x128xf32, #tpu.memory_space<vmem>>
        %scatter3A_552 = tpu.memref_squeeze %scatter3A_551 : memref<1x256x128xf32, #tpu.memory_space<vmem>> -> memref<256x128xf32, #tpu.memory_space<vmem>>
        tpu.vector_store_idx %scatter3A_552[%add3A_168, %add3A_548], %gather3A_490 : memref<256x128xf32, #tpu.memory_space<vmem>>[vector<16xi32>, vector<16xi32>], vector<16xf32>,
        %add3A_553 = arith.addi %mul3A_9, %and3A_440 : vector<16xi32>
        %scatter3A_554 = arith.constant 0 : i32
        %scatter3A_555 = arith.constant 0 : i32
        %scatter3A_556 = tpu.memref_slice %arg7[%scan3A_104, %scatter3A_554, %scatter3A_555] : memref<2x256x128xf32, #tpu.memory_space<vmem>> -> memref<1x256x128xf32, #tpu.memory_space<vmem>>
        %scatter3A_557 = tpu.memref_squeeze %scatter3A_556 : memref<1x256x128xf32, #tpu.memory_space<vmem>> -> memref<256x128xf32, #tpu.memory_space<vmem>>
        tpu.vector_store_idx %scatter3A_557[%add3A_168, %add3A_553], %gather3A_492 : memref<256x128xf32, #tpu.memory_space<vmem>>[vector<16xi32>, vector<16xi32>], vector<16xf32>,
        %add3A_558 = arith.addi %mul3A_9, %and3A_446 : vector<16xi32>
        %scatter3A_559 = arith.constant 0 : i32
        %scatter3A_560 = arith.constant 0 : i32
        %scatter3A_561 = tpu.memref_slice %arg7[%scan3A_104, %scatter3A_559, %scatter3A_560] : memref<2x256x128xf32, #tpu.memory_space<vmem>> -> memref<1x256x128xf32, #tpu.memory_space<vmem>>
        %scatter3A_562 = tpu.memref_squeeze %scatter3A_561 : memref<1x256x128xf32, #tpu.memory_space<vmem>> -> memref<256x128xf32, #tpu.memory_space<vmem>>
        tpu.vector_store_idx %scatter3A_562[%add3A_168, %add3A_558], %gather3A_494 : memref<256x128xf32, #tpu.memory_space<vmem>>[vector<16xi32>, vector<16xi32>], vector<16xf32>,
        %add3A_563 = arith.addi %mul3A_9, %and3A_452 : vector<16xi32>
        %scatter3A_564 = arith.constant 0 : i32
        %scatter3A_565 = arith.constant 0 : i32
        %scatter3A_566 = tpu.memref_slice %arg7[%scan3A_104, %scatter3A_564, %scatter3A_565] : memref<2x256x128xf32, #tpu.memory_space<vmem>> -> memref<1x256x128xf32, #tpu.memory_space<vmem>>
        %scatter3A_567 = tpu.memref_squeeze %scatter3A_566 : memref<1x256x128xf32, #tpu.memory_space<vmem>> -> memref<256x128xf32, #tpu.memory_space<vmem>>
        tpu.vector_store_idx %scatter3A_567[%add3A_168, %add3A_563], %gather3A_496 : memref<256x128xf32, #tpu.memory_space<vmem>>[vector<16xi32>, vector<16xi32>], vector<16xf32>,
        %add3A_568 = arith.addi %mul3A_9, %and3A_458 : vector<16xi32>
        %scatter3A_569 = arith.constant 0 : i32
        %scatter3A_570 = arith.constant 0 : i32
        %scatter3A_571 = tpu.memref_slice %arg7[%scan3A_104, %scatter3A_569, %scatter3A_570] : memref<2x256x128xf32, #tpu.memory_space<vmem>> -> memref<1x256x128xf32, #tpu.memory_space<vmem>>
        %scatter3A_572 = tpu.memref_squeeze %scatter3A_571 : memref<1x256x128xf32, #tpu.memory_space<vmem>> -> memref<256x128xf32, #tpu.memory_space<vmem>>
        tpu.vector_store_idx %scatter3A_572[%add3A_168, %add3A_568], %gather3A_498 : memref<256x128xf32, #tpu.memory_space<vmem>>[vector<16xi32>, vector<16xi32>], vector<16xf32>,
        %add3A_573 = arith.addi %mul3A_9, %and3A_464 : vector<16xi32>
        %scatter3A_574 = arith.constant 0 : i32
        %scatter3A_575 = arith.constant 0 : i32
        %scatter3A_576 = tpu.memref_slice %arg7[%scan3A_104, %scatter3A_574, %scatter3A_575] : memref<2x256x128xf32, #tpu.memory_space<vmem>> -> memref<1x256x128xf32, #tpu.memory_space<vmem>>
        %scatter3A_577 = tpu.memref_squeeze %scatter3A_576 : memref<1x256x128xf32, #tpu.memory_space<vmem>> -> memref<256x128xf32, #tpu.memory_space<vmem>>
        tpu.vector_store_idx %scatter3A_577[%add3A_168, %add3A_573], %gather3A_500 : memref<256x128xf32, #tpu.memory_space<vmem>>[vector<16xi32>, vector<16xi32>], vector<16xf32>,
        %add3A_578 = arith.addi %mul3A_9, %and3A_470 : vector<16xi32>
        %scatter3A_579 = arith.constant 0 : i32
        %scatter3A_580 = arith.constant 0 : i32
        %scatter3A_581 = tpu.memref_slice %arg7[%scan3A_104, %scatter3A_579, %scatter3A_580] : memref<2x256x128xf32, #tpu.memory_space<vmem>> -> memref<1x256x128xf32, #tpu.memory_space<vmem>>
        %scatter3A_582 = tpu.memref_squeeze %scatter3A_581 : memref<1x256x128xf32, #tpu.memory_space<vmem>> -> memref<256x128xf32, #tpu.memory_space<vmem>>
        tpu.vector_store_idx %scatter3A_582[%add3A_168, %add3A_578], %gather3A_502 : memref<256x128xf32, #tpu.memory_space<vmem>>[vector<16xi32>, vector<16xi32>], vector<16xf32>,
        %add3A_583 = arith.constant 32 : i32
        %add3A_584 = vector.broadcast %add3A_583 : i32 to vector<16xi32>
        %add3A_585 = arith.addi %iota3A, %add3A_584 : vector<16xi32>
        %and3A_586 = arith.constant 63 : i32
        %and3A_587 = vector.broadcast %and3A_586 : i32 to vector<16xi32>
        %and3A_588 = arith.andi %add3A_585, %and3A_587 : vector<16xi32>
        %add3A_589 = arith.constant 33 : i32
        %add3A_590 = vector.broadcast %add3A_589 : i32 to vector<16xi32>
        %add3A_591 = arith.addi %iota3A, %add3A_590 : vector<16xi32>
        %and3A_592 = arith.constant 63 : i32
        %and3A_593 = vector.broadcast %and3A_592 : i32 to vector<16xi32>
        %and3A_594 = arith.andi %add3A_591, %and3A_593 : vector<16xi32>
        %add3A_595 = arith.constant 34 : i32
        %add3A_596 = vector.broadcast %add3A_595 : i32 to vector<16xi32>
        %add3A_597 = arith.addi %iota3A, %add3A_596 : vector<16xi32>
        %and3A_598 = arith.constant 63 : i32
        %and3A_599 = vector.broadcast %and3A_598 : i32 to vector<16xi32>
        %and3A_600 = arith.andi %add3A_597, %and3A_599 : vector<16xi32>
        %add3A_601 = arith.constant 35 : i32
        %add3A_602 = vector.broadcast %add3A_601 : i32 to vector<16xi32>
        %add3A_603 = arith.addi %iota3A, %add3A_602 : vector<16xi32>
        %and3A_604 = arith.constant 63 : i32
        %and3A_605 = vector.broadcast %and3A_604 : i32 to vector<16xi32>
        %and3A_606 = arith.andi %add3A_603, %and3A_605 : vector<16xi32>
        %add3A_607 = arith.constant 36 : i32
        %add3A_608 = vector.broadcast %add3A_607 : i32 to vector<16xi32>
        %add3A_609 = arith.addi %iota3A, %add3A_608 : vector<16xi32>
        %and3A_610 = arith.constant 63 : i32
        %and3A_611 = vector.broadcast %and3A_610 : i32 to vector<16xi32>
        %and3A_612 = arith.andi %add3A_609, %and3A_611 : vector<16xi32>
        %add3A_613 = arith.constant 37 : i32
        %add3A_614 = vector.broadcast %add3A_613 : i32 to vector<16xi32>
        %add3A_615 = arith.addi %iota3A, %add3A_614 : vector<16xi32>
        %and3A_616 = arith.constant 63 : i32
        %and3A_617 = vector.broadcast %and3A_616 : i32 to vector<16xi32>
        %and3A_618 = arith.andi %add3A_615, %and3A_617 : vector<16xi32>
        %add3A_619 = arith.constant 38 : i32
        %add3A_620 = vector.broadcast %add3A_619 : i32 to vector<16xi32>
        %add3A_621 = arith.addi %iota3A, %add3A_620 : vector<16xi32>
        %and3A_622 = arith.constant 63 : i32
        %and3A_623 = vector.broadcast %and3A_622 : i32 to vector<16xi32>
        %and3A_624 = arith.andi %add3A_621, %and3A_623 : vector<16xi32>
        %add3A_625 = arith.constant 39 : i32
        %add3A_626 = vector.broadcast %add3A_625 : i32 to vector<16xi32>
        %add3A_627 = arith.addi %iota3A, %add3A_626 : vector<16xi32>
        %and3A_628 = arith.constant 63 : i32
        %and3A_629 = vector.broadcast %and3A_628 : i32 to vector<16xi32>
        %and3A_630 = arith.andi %add3A_627, %and3A_629 : vector<16xi32>
        %add3A_631 = arith.constant 40 : i32
        %add3A_632 = vector.broadcast %add3A_631 : i32 to vector<16xi32>
        %add3A_633 = arith.addi %iota3A, %add3A_632 : vector<16xi32>
        %and3A_634 = arith.constant 63 : i32
        %and3A_635 = vector.broadcast %and3A_634 : i32 to vector<16xi32>
        %and3A_636 = arith.andi %add3A_633, %and3A_635 : vector<16xi32>
        %add3A_637 = arith.constant 41 : i32
        %add3A_638 = vector.broadcast %add3A_637 : i32 to vector<16xi32>
        %add3A_639 = arith.addi %iota3A, %add3A_638 : vector<16xi32>
        %and3A_640 = arith.constant 63 : i32
        %and3A_641 = vector.broadcast %and3A_640 : i32 to vector<16xi32>
        %and3A_642 = arith.andi %add3A_639, %and3A_641 : vector<16xi32>
        %add3A_643 = arith.constant 42 : i32
        %add3A_644 = vector.broadcast %add3A_643 : i32 to vector<16xi32>
        %add3A_645 = arith.addi %iota3A, %add3A_644 : vector<16xi32>
        %and3A_646 = arith.constant 63 : i32
        %and3A_647 = vector.broadcast %and3A_646 : i32 to vector<16xi32>
        %and3A_648 = arith.andi %add3A_645, %and3A_647 : vector<16xi32>
        %add3A_649 = arith.constant 43 : i32
        %add3A_650 = vector.broadcast %add3A_649 : i32 to vector<16xi32>
        %add3A_651 = arith.addi %iota3A, %add3A_650 : vector<16xi32>
        %and3A_652 = arith.constant 63 : i32
        %and3A_653 = vector.broadcast %and3A_652 : i32 to vector<16xi32>
        %and3A_654 = arith.andi %add3A_651, %and3A_653 : vector<16xi32>
        %add3A_655 = arith.constant 44 : i32
        %add3A_656 = vector.broadcast %add3A_655 : i32 to vector<16xi32>
        %add3A_657 = arith.addi %iota3A, %add3A_656 : vector<16xi32>
        %and3A_658 = arith.constant 63 : i32
        %and3A_659 = vector.broadcast %and3A_658 : i32 to vector<16xi32>
        %and3A_660 = arith.andi %add3A_657, %and3A_659 : vector<16xi32>
        %add3A_661 = arith.constant 45 : i32
        %add3A_662 = vector.broadcast %add3A_661 : i32 to vector<16xi32>
        %add3A_663 = arith.addi %iota3A, %add3A_662 : vector<16xi32>
        %and3A_664 = arith.constant 63 : i32
        %and3A_665 = vector.broadcast %and3A_664 : i32 to vector<16xi32>
        %and3A_666 = arith.andi %add3A_663, %and3A_665 : vector<16xi32>
        %add3A_667 = arith.constant 46 : i32
        %add3A_668 = vector.broadcast %add3A_667 : i32 to vector<16xi32>
        %add3A_669 = arith.addi %iota3A, %add3A_668 : vector<16xi32>
        %and3A_670 = arith.constant 63 : i32
        %and3A_671 = vector.broadcast %and3A_670 : i32 to vector<16xi32>
        %and3A_672 = arith.andi %add3A_669, %and3A_671 : vector<16xi32>
        %add3A_673 = arith.constant 47 : i32
        %add3A_674 = vector.broadcast %add3A_673 : i32 to vector<16xi32>
        %add3A_675 = arith.addi %iota3A, %add3A_674 : vector<16xi32>
        %and3A_676 = arith.constant 63 : i32
        %and3A_677 = vector.broadcast %and3A_676 : i32 to vector<16xi32>
        %and3A_678 = arith.andi %add3A_675, %and3A_677 : vector<16xi32>
        %add3A_679 = arith.addi %mul3A_164, %and3A_588 : vector<16xi32>
        %gather3A_680 = tpu.vector_load_idx %arg5[%add3A_679] : memref<17040xf32, #tpu.memory_space<vmem>>[vector<16xi32>], vector<16xf32>,
        %add3A_681 = arith.addi %mul3A_164, %and3A_594 : vector<16xi32>
        %gather3A_682 = tpu.vector_load_idx %arg5[%add3A_681] : memref<17040xf32, #tpu.memory_space<vmem>>[vector<16xi32>], vector<16xf32>,
        %add3A_683 = arith.addi %mul3A_164, %and3A_600 : vector<16xi32>
        %gather3A_684 = tpu.vector_load_idx %arg5[%add3A_683] : memref<17040xf32, #tpu.memory_space<vmem>>[vector<16xi32>], vector<16xf32>,
        %add3A_685 = arith.addi %mul3A_164, %and3A_606 : vector<16xi32>
        %gather3A_686 = tpu.vector_load_idx %arg5[%add3A_685] : memref<17040xf32, #tpu.memory_space<vmem>>[vector<16xi32>], vector<16xf32>,
        %add3A_687 = arith.addi %mul3A_164, %and3A_612 : vector<16xi32>
        %gather3A_688 = tpu.vector_load_idx %arg5[%add3A_687] : memref<17040xf32, #tpu.memory_space<vmem>>[vector<16xi32>], vector<16xf32>,
        %add3A_689 = arith.addi %mul3A_164, %and3A_618 : vector<16xi32>
        %gather3A_690 = tpu.vector_load_idx %arg5[%add3A_689] : memref<17040xf32, #tpu.memory_space<vmem>>[vector<16xi32>], vector<16xf32>,
        %add3A_691 = arith.addi %mul3A_164, %and3A_624 : vector<16xi32>
        %gather3A_692 = tpu.vector_load_idx %arg5[%add3A_691] : memref<17040xf32, #tpu.memory_space<vmem>>[vector<16xi32>], vector<16xf32>,
        %add3A_693 = arith.addi %mul3A_164, %and3A_630 : vector<16xi32>
        %gather3A_694 = tpu.vector_load_idx %arg5[%add3A_693] : memref<17040xf32, #tpu.memory_space<vmem>>[vector<16xi32>], vector<16xf32>,
        %add3A_695 = arith.addi %mul3A_164, %and3A_636 : vector<16xi32>
        %gather3A_696 = tpu.vector_load_idx %arg5[%add3A_695] : memref<17040xf32, #tpu.memory_space<vmem>>[vector<16xi32>], vector<16xf32>,
        %add3A_697 = arith.addi %mul3A_164, %and3A_642 : vector<16xi32>
        %gather3A_698 = tpu.vector_load_idx %arg5[%add3A_697] : memref<17040xf32, #tpu.memory_space<vmem>>[vector<16xi32>], vector<16xf32>,
        %add3A_699 = arith.addi %mul3A_164, %and3A_648 : vector<16xi32>
        %gather3A_700 = tpu.vector_load_idx %arg5[%add3A_699] : memref<17040xf32, #tpu.memory_space<vmem>>[vector<16xi32>], vector<16xf32>,
        %add3A_701 = arith.addi %mul3A_164, %and3A_654 : vector<16xi32>
        %gather3A_702 = tpu.vector_load_idx %arg5[%add3A_701] : memref<17040xf32, #tpu.memory_space<vmem>>[vector<16xi32>], vector<16xf32>,
        %add3A_703 = arith.addi %mul3A_164, %and3A_660 : vector<16xi32>
        %gather3A_704 = tpu.vector_load_idx %arg5[%add3A_703] : memref<17040xf32, #tpu.memory_space<vmem>>[vector<16xi32>], vector<16xf32>,
        %add3A_705 = arith.addi %mul3A_164, %and3A_666 : vector<16xi32>
        %gather3A_706 = tpu.vector_load_idx %arg5[%add3A_705] : memref<17040xf32, #tpu.memory_space<vmem>>[vector<16xi32>], vector<16xf32>,
        %add3A_707 = arith.addi %mul3A_164, %and3A_672 : vector<16xi32>
        %gather3A_708 = tpu.vector_load_idx %arg5[%add3A_707] : memref<17040xf32, #tpu.memory_space<vmem>>[vector<16xi32>], vector<16xf32>,
        %add3A_709 = arith.addi %mul3A_164, %and3A_678 : vector<16xi32>
        %gather3A_710 = tpu.vector_load_idx %arg5[%add3A_709] : memref<17040xf32, #tpu.memory_space<vmem>>[vector<16xi32>], vector<16xf32>,
        %add3A_711 = arith.addi %mul3A_9, %and3A_588 : vector<16xi32>
        %scatter3A_712 = arith.constant 0 : i32
        %scatter3A_713 = arith.constant 0 : i32
        %scatter3A_714 = tpu.memref_slice %arg7[%scan3A_104, %scatter3A_712, %scatter3A_713] : memref<2x256x128xf32, #tpu.memory_space<vmem>> -> memref<1x256x128xf32, #tpu.memory_space<vmem>>
        %scatter3A_715 = tpu.memref_squeeze %scatter3A_714 : memref<1x256x128xf32, #tpu.memory_space<vmem>> -> memref<256x128xf32, #tpu.memory_space<vmem>>
        tpu.vector_store_idx %scatter3A_715[%add3A_168, %add3A_711], %gather3A_680 : memref<256x128xf32, #tpu.memory_space<vmem>>[vector<16xi32>, vector<16xi32>], vector<16xf32>,
        %add3A_716 = arith.addi %mul3A_9, %and3A_594 : vector<16xi32>
        %scatter3A_717 = arith.constant 0 : i32
        %scatter3A_718 = arith.constant 0 : i32
        %scatter3A_719 = tpu.memref_slice %arg7[%scan3A_104, %scatter3A_717, %scatter3A_718] : memref<2x256x128xf32, #tpu.memory_space<vmem>> -> memref<1x256x128xf32, #tpu.memory_space<vmem>>
        %scatter3A_720 = tpu.memref_squeeze %scatter3A_719 : memref<1x256x128xf32, #tpu.memory_space<vmem>> -> memref<256x128xf32, #tpu.memory_space<vmem>>
        tpu.vector_store_idx %scatter3A_720[%add3A_168, %add3A_716], %gather3A_682 : memref<256x128xf32, #tpu.memory_space<vmem>>[vector<16xi32>, vector<16xi32>], vector<16xf32>,
        %add3A_721 = arith.addi %mul3A_9, %and3A_600 : vector<16xi32>
        %scatter3A_722 = arith.constant 0 : i32
        %scatter3A_723 = arith.constant 0 : i32
        %scatter3A_724 = tpu.memref_slice %arg7[%scan3A_104, %scatter3A_722, %scatter3A_723] : memref<2x256x128xf32, #tpu.memory_space<vmem>> -> memref<1x256x128xf32, #tpu.memory_space<vmem>>
        %scatter3A_725 = tpu.memref_squeeze %scatter3A_724 : memref<1x256x128xf32, #tpu.memory_space<vmem>> -> memref<256x128xf32, #tpu.memory_space<vmem>>
        tpu.vector_store_idx %scatter3A_725[%add3A_168, %add3A_721], %gather3A_684 : memref<256x128xf32, #tpu.memory_space<vmem>>[vector<16xi32>, vector<16xi32>], vector<16xf32>,
        %add3A_726 = arith.addi %mul3A_9, %and3A_606 : vector<16xi32>
        %scatter3A_727 = arith.constant 0 : i32
        %scatter3A_728 = arith.constant 0 : i32
        %scatter3A_729 = tpu.memref_slice %arg7[%scan3A_104, %scatter3A_727, %scatter3A_728] : memref<2x256x128xf32, #tpu.memory_space<vmem>> -> memref<1x256x128xf32, #tpu.memory_space<vmem>>
        %scatter3A_730 = tpu.memref_squeeze %scatter3A_729 : memref<1x256x128xf32, #tpu.memory_space<vmem>> -> memref<256x128xf32, #tpu.memory_space<vmem>>
        tpu.vector_store_idx %scatter3A_730[%add3A_168, %add3A_726], %gather3A_686 : memref<256x128xf32, #tpu.memory_space<vmem>>[vector<16xi32>, vector<16xi32>], vector<16xf32>,
        %add3A_731 = arith.addi %mul3A_9, %and3A_612 : vector<16xi32>
        %scatter3A_732 = arith.constant 0 : i32
        %scatter3A_733 = arith.constant 0 : i32
        %scatter3A_734 = tpu.memref_slice %arg7[%scan3A_104, %scatter3A_732, %scatter3A_733] : memref<2x256x128xf32, #tpu.memory_space<vmem>> -> memref<1x256x128xf32, #tpu.memory_space<vmem>>
        %scatter3A_735 = tpu.memref_squeeze %scatter3A_734 : memref<1x256x128xf32, #tpu.memory_space<vmem>> -> memref<256x128xf32, #tpu.memory_space<vmem>>
        tpu.vector_store_idx %scatter3A_735[%add3A_168, %add3A_731], %gather3A_688 : memref<256x128xf32, #tpu.memory_space<vmem>>[vector<16xi32>, vector<16xi32>], vector<16xf32>,
        %add3A_736 = arith.addi %mul3A_9, %and3A_618 : vector<16xi32>
        %scatter3A_737 = arith.constant 0 : i32
        %scatter3A_738 = arith.constant 0 : i32
        %scatter3A_739 = tpu.memref_slice %arg7[%scan3A_104, %scatter3A_737, %scatter3A_738] : memref<2x256x128xf32, #tpu.memory_space<vmem>> -> memref<1x256x128xf32, #tpu.memory_space<vmem>>
        %scatter3A_740 = tpu.memref_squeeze %scatter3A_739 : memref<1x256x128xf32, #tpu.memory_space<vmem>> -> memref<256x128xf32, #tpu.memory_space<vmem>>
        tpu.vector_store_idx %scatter3A_740[%add3A_168, %add3A_736], %gather3A_690 : memref<256x128xf32, #tpu.memory_space<vmem>>[vector<16xi32>, vector<16xi32>], vector<16xf32>,
        %add3A_741 = arith.addi %mul3A_9, %and3A_624 : vector<16xi32>
        %scatter3A_742 = arith.constant 0 : i32
        %scatter3A_743 = arith.constant 0 : i32
        %scatter3A_744 = tpu.memref_slice %arg7[%scan3A_104, %scatter3A_742, %scatter3A_743] : memref<2x256x128xf32, #tpu.memory_space<vmem>> -> memref<1x256x128xf32, #tpu.memory_space<vmem>>
        %scatter3A_745 = tpu.memref_squeeze %scatter3A_744 : memref<1x256x128xf32, #tpu.memory_space<vmem>> -> memref<256x128xf32, #tpu.memory_space<vmem>>
        tpu.vector_store_idx %scatter3A_745[%add3A_168, %add3A_741], %gather3A_692 : memref<256x128xf32, #tpu.memory_space<vmem>>[vector<16xi32>, vector<16xi32>], vector<16xf32>,
        %add3A_746 = arith.addi %mul3A_9, %and3A_630 : vector<16xi32>
        %scatter3A_747 = arith.constant 0 : i32
        %scatter3A_748 = arith.constant 0 : i32
        %scatter3A_749 = tpu.memref_slice %arg7[%scan3A_104, %scatter3A_747, %scatter3A_748] : memref<2x256x128xf32, #tpu.memory_space<vmem>> -> memref<1x256x128xf32, #tpu.memory_space<vmem>>
        %scatter3A_750 = tpu.memref_squeeze %scatter3A_749 : memref<1x256x128xf32, #tpu.memory_space<vmem>> -> memref<256x128xf32, #tpu.memory_space<vmem>>
        tpu.vector_store_idx %scatter3A_750[%add3A_168, %add3A_746], %gather3A_694 : memref<256x128xf32, #tpu.memory_space<vmem>>[vector<16xi32>, vector<16xi32>], vector<16xf32>,
        %add3A_751 = arith.addi %mul3A_9, %and3A_636 : vector<16xi32>
        %scatter3A_752 = arith.constant 0 : i32
        %scatter3A_753 = arith.constant 0 : i32
        %scatter3A_754 = tpu.memref_slice %arg7[%scan3A_104, %scatter3A_752, %scatter3A_753] : memref<2x256x128xf32, #tpu.memory_space<vmem>> -> memref<1x256x128xf32, #tpu.memory_space<vmem>>
        %scatter3A_755 = tpu.memref_squeeze %scatter3A_754 : memref<1x256x128xf32, #tpu.memory_space<vmem>> -> memref<256x128xf32, #tpu.memory_space<vmem>>
        tpu.vector_store_idx %scatter3A_755[%add3A_168, %add3A_751], %gather3A_696 : memref<256x128xf32, #tpu.memory_space<vmem>>[vector<16xi32>, vector<16xi32>], vector<16xf32>,
        %add3A_756 = arith.addi %mul3A_9, %and3A_642 : vector<16xi32>
        %scatter3A_757 = arith.constant 0 : i32
        %scatter3A_758 = arith.constant 0 : i32
        %scatter3A_759 = tpu.memref_slice %arg7[%scan3A_104, %scatter3A_757, %scatter3A_758] : memref<2x256x128xf32, #tpu.memory_space<vmem>> -> memref<1x256x128xf32, #tpu.memory_space<vmem>>
        %scatter3A_760 = tpu.memref_squeeze %scatter3A_759 : memref<1x256x128xf32, #tpu.memory_space<vmem>> -> memref<256x128xf32, #tpu.memory_space<vmem>>
        tpu.vector_store_idx %scatter3A_760[%add3A_168, %add3A_756], %gather3A_698 : memref<256x128xf32, #tpu.memory_space<vmem>>[vector<16xi32>, vector<16xi32>], vector<16xf32>,
        %add3A_761 = arith.addi %mul3A_9, %and3A_648 : vector<16xi32>
        %scatter3A_762 = arith.constant 0 : i32
        %scatter3A_763 = arith.constant 0 : i32
        %scatter3A_764 = tpu.memref_slice %arg7[%scan3A_104, %scatter3A_762, %scatter3A_763] : memref<2x256x128xf32, #tpu.memory_space<vmem>> -> memref<1x256x128xf32, #tpu.memory_space<vmem>>
        %scatter3A_765 = tpu.memref_squeeze %scatter3A_764 : memref<1x256x128xf32, #tpu.memory_space<vmem>> -> memref<256x128xf32, #tpu.memory_space<vmem>>
        tpu.vector_store_idx %scatter3A_765[%add3A_168, %add3A_761], %gather3A_700 : memref<256x128xf32, #tpu.memory_space<vmem>>[vector<16xi32>, vector<16xi32>], vector<16xf32>,
        %add3A_766 = arith.addi %mul3A_9, %and3A_654 : vector<16xi32>
        %scatter3A_767 = arith.constant 0 : i32
        %scatter3A_768 = arith.constant 0 : i32
        %scatter3A_769 = tpu.memref_slice %arg7[%scan3A_104, %scatter3A_767, %scatter3A_768] : memref<2x256x128xf32, #tpu.memory_space<vmem>> -> memref<1x256x128xf32, #tpu.memory_space<vmem>>
        %scatter3A_770 = tpu.memref_squeeze %scatter3A_769 : memref<1x256x128xf32, #tpu.memory_space<vmem>> -> memref<256x128xf32, #tpu.memory_space<vmem>>
        tpu.vector_store_idx %scatter3A_770[%add3A_168, %add3A_766], %gather3A_702 : memref<256x128xf32, #tpu.memory_space<vmem>>[vector<16xi32>, vector<16xi32>], vector<16xf32>,
        %add3A_771 = arith.addi %mul3A_9, %and3A_660 : vector<16xi32>
        %scatter3A_772 = arith.constant 0 : i32
        %scatter3A_773 = arith.constant 0 : i32
        %scatter3A_774 = tpu.memref_slice %arg7[%scan3A_104, %scatter3A_772, %scatter3A_773] : memref<2x256x128xf32, #tpu.memory_space<vmem>> -> memref<1x256x128xf32, #tpu.memory_space<vmem>>
        %scatter3A_775 = tpu.memref_squeeze %scatter3A_774 : memref<1x256x128xf32, #tpu.memory_space<vmem>> -> memref<256x128xf32, #tpu.memory_space<vmem>>
        tpu.vector_store_idx %scatter3A_775[%add3A_168, %add3A_771], %gather3A_704 : memref<256x128xf32, #tpu.memory_space<vmem>>[vector<16xi32>, vector<16xi32>], vector<16xf32>,
        %add3A_776 = arith.addi %mul3A_9, %and3A_666 : vector<16xi32>
        %scatter3A_777 = arith.constant 0 : i32
        %scatter3A_778 = arith.constant 0 : i32
        %scatter3A_779 = tpu.memref_slice %arg7[%scan3A_104, %scatter3A_777, %scatter3A_778] : memref<2x256x128xf32, #tpu.memory_space<vmem>> -> memref<1x256x128xf32, #tpu.memory_space<vmem>>
        %scatter3A_780 = tpu.memref_squeeze %scatter3A_779 : memref<1x256x128xf32, #tpu.memory_space<vmem>> -> memref<256x128xf32, #tpu.memory_space<vmem>>
        tpu.vector_store_idx %scatter3A_780[%add3A_168, %add3A_776], %gather3A_706 : memref<256x128xf32, #tpu.memory_space<vmem>>[vector<16xi32>, vector<16xi32>], vector<16xf32>,
        %add3A_781 = arith.addi %mul3A_9, %and3A_672 : vector<16xi32>
        %scatter3A_782 = arith.constant 0 : i32
        %scatter3A_783 = arith.constant 0 : i32
        %scatter3A_784 = tpu.memref_slice %arg7[%scan3A_104, %scatter3A_782, %scatter3A_783] : memref<2x256x128xf32, #tpu.memory_space<vmem>> -> memref<1x256x128xf32, #tpu.memory_space<vmem>>
        %scatter3A_785 = tpu.memref_squeeze %scatter3A_784 : memref<1x256x128xf32, #tpu.memory_space<vmem>> -> memref<256x128xf32, #tpu.memory_space<vmem>>
        tpu.vector_store_idx %scatter3A_785[%add3A_168, %add3A_781], %gather3A_708 : memref<256x128xf32, #tpu.memory_space<vmem>>[vector<16xi32>, vector<16xi32>], vector<16xf32>,
        %add3A_786 = arith.addi %mul3A_9, %and3A_678 : vector<16xi32>
        %scatter3A_787 = arith.constant 0 : i32
        %scatter3A_788 = arith.constant 0 : i32
        %scatter3A_789 = tpu.memref_slice %arg7[%scan3A_104, %scatter3A_787, %scatter3A_788] : memref<2x256x128xf32, #tpu.memory_space<vmem>> -> memref<1x256x128xf32, #tpu.memory_space<vmem>>
        %scatter3A_790 = tpu.memref_squeeze %scatter3A_789 : memref<1x256x128xf32, #tpu.memory_space<vmem>> -> memref<256x128xf32, #tpu.memory_space<vmem>>
        tpu.vector_store_idx %scatter3A_790[%add3A_168, %add3A_786], %gather3A_710 : memref<256x128xf32, #tpu.memory_space<vmem>>[vector<16xi32>, vector<16xi32>], vector<16xf32>,
        %add3A_791 = arith.constant 48 : i32
        %add3A_792 = vector.broadcast %add3A_791 : i32 to vector<16xi32>
        %add3A_793 = arith.addi %iota3A, %add3A_792 : vector<16xi32>
        %and3A_794 = arith.constant 63 : i32
        %and3A_795 = vector.broadcast %and3A_794 : i32 to vector<16xi32>
        %and3A_796 = arith.andi %add3A_793, %and3A_795 : vector<16xi32>
        %add3A_797 = arith.constant 49 : i32
        %add3A_798 = vector.broadcast %add3A_797 : i32 to vector<16xi32>
        %add3A_799 = arith.addi %iota3A, %add3A_798 : vector<16xi32>
        %and3A_800 = arith.constant 63 : i32
        %and3A_801 = vector.broadcast %and3A_800 : i32 to vector<16xi32>
        %and3A_802 = arith.andi %add3A_799, %and3A_801 : vector<16xi32>
        %add3A_803 = arith.constant 50 : i32
        %add3A_804 = vector.broadcast %add3A_803 : i32 to vector<16xi32>
        %add3A_805 = arith.addi %iota3A, %add3A_804 : vector<16xi32>
        %and3A_806 = arith.constant 63 : i32
        %and3A_807 = vector.broadcast %and3A_806 : i32 to vector<16xi32>
        %and3A_808 = arith.andi %add3A_805, %and3A_807 : vector<16xi32>
        %add3A_809 = arith.constant 51 : i32
        %add3A_810 = vector.broadcast %add3A_809 : i32 to vector<16xi32>
        %add3A_811 = arith.addi %iota3A, %add3A_810 : vector<16xi32>
        %and3A_812 = arith.constant 63 : i32
        %and3A_813 = vector.broadcast %and3A_812 : i32 to vector<16xi32>
        %and3A_814 = arith.andi %add3A_811, %and3A_813 : vector<16xi32>
        %add3A_815 = arith.constant 52 : i32
        %add3A_816 = vector.broadcast %add3A_815 : i32 to vector<16xi32>
        %add3A_817 = arith.addi %iota3A, %add3A_816 : vector<16xi32>
        %and3A_818 = arith.constant 63 : i32
        %and3A_819 = vector.broadcast %and3A_818 : i32 to vector<16xi32>
        %and3A_820 = arith.andi %add3A_817, %and3A_819 : vector<16xi32>
        %add3A_821 = arith.constant 53 : i32
        %add3A_822 = vector.broadcast %add3A_821 : i32 to vector<16xi32>
        %add3A_823 = arith.addi %iota3A, %add3A_822 : vector<16xi32>
        %and3A_824 = arith.constant 63 : i32
        %and3A_825 = vector.broadcast %and3A_824 : i32 to vector<16xi32>
        %and3A_826 = arith.andi %add3A_823, %and3A_825 : vector<16xi32>
        %add3A_827 = arith.constant 54 : i32
        %add3A_828 = vector.broadcast %add3A_827 : i32 to vector<16xi32>
        %add3A_829 = arith.addi %iota3A, %add3A_828 : vector<16xi32>
        %and3A_830 = arith.constant 63 : i32
        %and3A_831 = vector.broadcast %and3A_830 : i32 to vector<16xi32>
        %and3A_832 = arith.andi %add3A_829, %and3A_831 : vector<16xi32>
        %add3A_833 = arith.constant 55 : i32
        %add3A_834 = vector.broadcast %add3A_833 : i32 to vector<16xi32>
        %add3A_835 = arith.addi %iota3A, %add3A_834 : vector<16xi32>
        %and3A_836 = arith.constant 63 : i32
        %and3A_837 = vector.broadcast %and3A_836 : i32 to vector<16xi32>
        %and3A_838 = arith.andi %add3A_835, %and3A_837 : vector<16xi32>
        %add3A_839 = arith.constant 56 : i32
        %add3A_840 = vector.broadcast %add3A_839 : i32 to vector<16xi32>
        %add3A_841 = arith.addi %iota3A, %add3A_840 : vector<16xi32>
        %and3A_842 = arith.constant 63 : i32
        %and3A_843 = vector.broadcast %and3A_842 : i32 to vector<16xi32>
        %and3A_844 = arith.andi %add3A_841, %and3A_843 : vector<16xi32>
        %add3A_845 = arith.constant 57 : i32
        %add3A_846 = vector.broadcast %add3A_845 : i32 to vector<16xi32>
        %add3A_847 = arith.addi %iota3A, %add3A_846 : vector<16xi32>
        %and3A_848 = arith.constant 63 : i32
        %and3A_849 = vector.broadcast %and3A_848 : i32 to vector<16xi32>
        %and3A_850 = arith.andi %add3A_847, %and3A_849 : vector<16xi32>
        %add3A_851 = arith.constant 58 : i32
        %add3A_852 = vector.broadcast %add3A_851 : i32 to vector<16xi32>
        %add3A_853 = arith.addi %iota3A, %add3A_852 : vector<16xi32>
        %and3A_854 = arith.constant 63 : i32
        %and3A_855 = vector.broadcast %and3A_854 : i32 to vector<16xi32>
        %and3A_856 = arith.andi %add3A_853, %and3A_855 : vector<16xi32>
        %add3A_857 = arith.constant 59 : i32
        %add3A_858 = vector.broadcast %add3A_857 : i32 to vector<16xi32>
        %add3A_859 = arith.addi %iota3A, %add3A_858 : vector<16xi32>
        %and3A_860 = arith.constant 63 : i32
        %and3A_861 = vector.broadcast %and3A_860 : i32 to vector<16xi32>
        %and3A_862 = arith.andi %add3A_859, %and3A_861 : vector<16xi32>
        %add3A_863 = arith.constant 60 : i32
        %add3A_864 = vector.broadcast %add3A_863 : i32 to vector<16xi32>
        %add3A_865 = arith.addi %iota3A, %add3A_864 : vector<16xi32>
        %and3A_866 = arith.constant 63 : i32
        %and3A_867 = vector.broadcast %and3A_866 : i32 to vector<16xi32>
        %and3A_868 = arith.andi %add3A_865, %and3A_867 : vector<16xi32>
        %add3A_869 = arith.constant 61 : i32
        %add3A_870 = vector.broadcast %add3A_869 : i32 to vector<16xi32>
        %add3A_871 = arith.addi %iota3A, %add3A_870 : vector<16xi32>
        %and3A_872 = arith.constant 63 : i32
        %and3A_873 = vector.broadcast %and3A_872 : i32 to vector<16xi32>
        %and3A_874 = arith.andi %add3A_871, %and3A_873 : vector<16xi32>
        %add3A_875 = arith.constant 62 : i32
        %add3A_876 = vector.broadcast %add3A_875 : i32 to vector<16xi32>
        %add3A_877 = arith.addi %iota3A, %add3A_876 : vector<16xi32>
        %and3A_878 = arith.constant 63 : i32
        %and3A_879 = vector.broadcast %and3A_878 : i32 to vector<16xi32>
        %and3A_880 = arith.andi %add3A_877, %and3A_879 : vector<16xi32>
        %add3A_881 = arith.constant 63 : i32
        %add3A_882 = vector.broadcast %add3A_881 : i32 to vector<16xi32>
        %add3A_883 = arith.addi %iota3A, %add3A_882 : vector<16xi32>
        %and3A_884 = arith.constant 63 : i32
        %and3A_885 = vector.broadcast %and3A_884 : i32 to vector<16xi32>
        %and3A_886 = arith.andi %add3A_883, %and3A_885 : vector<16xi32>
        %add3A_887 = arith.addi %mul3A_164, %and3A_796 : vector<16xi32>
        %gather3A_888 = tpu.vector_load_idx %arg5[%add3A_887] : memref<17040xf32, #tpu.memory_space<vmem>>[vector<16xi32>], vector<16xf32>,
        %add3A_889 = arith.addi %mul3A_164, %and3A_802 : vector<16xi32>
        %gather3A_890 = tpu.vector_load_idx %arg5[%add3A_889] : memref<17040xf32, #tpu.memory_space<vmem>>[vector<16xi32>], vector<16xf32>,
        %add3A_891 = arith.addi %mul3A_164, %and3A_808 : vector<16xi32>
        %gather3A_892 = tpu.vector_load_idx %arg5[%add3A_891] : memref<17040xf32, #tpu.memory_space<vmem>>[vector<16xi32>], vector<16xf32>,
        %add3A_893 = arith.addi %mul3A_164, %and3A_814 : vector<16xi32>
        %gather3A_894 = tpu.vector_load_idx %arg5[%add3A_893] : memref<17040xf32, #tpu.memory_space<vmem>>[vector<16xi32>], vector<16xf32>,
        %add3A_895 = arith.addi %mul3A_164, %and3A_820 : vector<16xi32>
        %gather3A_896 = tpu.vector_load_idx %arg5[%add3A_895] : memref<17040xf32, #tpu.memory_space<vmem>>[vector<16xi32>], vector<16xf32>,
        %add3A_897 = arith.addi %mul3A_164, %and3A_826 : vector<16xi32>
        %gather3A_898 = tpu.vector_load_idx %arg5[%add3A_897] : memref<17040xf32, #tpu.memory_space<vmem>>[vector<16xi32>], vector<16xf32>,
        %add3A_899 = arith.addi %mul3A_164, %and3A_832 : vector<16xi32>
        %gather3A_900 = tpu.vector_load_idx %arg5[%add3A_899] : memref<17040xf32, #tpu.memory_space<vmem>>[vector<16xi32>], vector<16xf32>,
        %add3A_901 = arith.addi %mul3A_164, %and3A_838 : vector<16xi32>
        %gather3A_902 = tpu.vector_load_idx %arg5[%add3A_901] : memref<17040xf32, #tpu.memory_space<vmem>>[vector<16xi32>], vector<16xf32>,
        %add3A_903 = arith.addi %mul3A_164, %and3A_844 : vector<16xi32>
        %gather3A_904 = tpu.vector_load_idx %arg5[%add3A_903] : memref<17040xf32, #tpu.memory_space<vmem>>[vector<16xi32>], vector<16xf32>,
        %add3A_905 = arith.addi %mul3A_164, %and3A_850 : vector<16xi32>
        %gather3A_906 = tpu.vector_load_idx %arg5[%add3A_905] : memref<17040xf32, #tpu.memory_space<vmem>>[vector<16xi32>], vector<16xf32>,
        %add3A_907 = arith.addi %mul3A_164, %and3A_856 : vector<16xi32>
        %gather3A_908 = tpu.vector_load_idx %arg5[%add3A_907] : memref<17040xf32, #tpu.memory_space<vmem>>[vector<16xi32>], vector<16xf32>,
        %add3A_909 = arith.addi %mul3A_164, %and3A_862 : vector<16xi32>
        %gather3A_910 = tpu.vector_load_idx %arg5[%add3A_909] : memref<17040xf32, #tpu.memory_space<vmem>>[vector<16xi32>], vector<16xf32>,
        %add3A_911 = arith.addi %mul3A_164, %and3A_868 : vector<16xi32>
        %gather3A_912 = tpu.vector_load_idx %arg5[%add3A_911] : memref<17040xf32, #tpu.memory_space<vmem>>[vector<16xi32>], vector<16xf32>,
        %add3A_913 = arith.addi %mul3A_164, %and3A_874 : vector<16xi32>
        %gather3A_914 = tpu.vector_load_idx %arg5[%add3A_913] : memref<17040xf32, #tpu.memory_space<vmem>>[vector<16xi32>], vector<16xf32>,
        %add3A_915 = arith.addi %mul3A_164, %and3A_880 : vector<16xi32>
        %gather3A_916 = tpu.vector_load_idx %arg5[%add3A_915] : memref<17040xf32, #tpu.memory_space<vmem>>[vector<16xi32>], vector<16xf32>,
        %add3A_917 = arith.addi %mul3A_164, %and3A_886 : vector<16xi32>
        %gather3A_918 = tpu.vector_load_idx %arg5[%add3A_917] : memref<17040xf32, #tpu.memory_space<vmem>>[vector<16xi32>], vector<16xf32>,
        %add3A_919 = arith.addi %mul3A_9, %and3A_796 : vector<16xi32>
        %scatter3A_920 = arith.constant 0 : i32
        %scatter3A_921 = arith.constant 0 : i32
        %scatter3A_922 = tpu.memref_slice %arg7[%scan3A_104, %scatter3A_920, %scatter3A_921] : memref<2x256x128xf32, #tpu.memory_space<vmem>> -> memref<1x256x128xf32, #tpu.memory_space<vmem>>
        %scatter3A_923 = tpu.memref_squeeze %scatter3A_922 : memref<1x256x128xf32, #tpu.memory_space<vmem>> -> memref<256x128xf32, #tpu.memory_space<vmem>>
        tpu.vector_store_idx %scatter3A_923[%add3A_168, %add3A_919], %gather3A_888 : memref<256x128xf32, #tpu.memory_space<vmem>>[vector<16xi32>, vector<16xi32>], vector<16xf32>,
        %add3A_924 = arith.addi %mul3A_9, %and3A_802 : vector<16xi32>
        %scatter3A_925 = arith.constant 0 : i32
        %scatter3A_926 = arith.constant 0 : i32
        %scatter3A_927 = tpu.memref_slice %arg7[%scan3A_104, %scatter3A_925, %scatter3A_926] : memref<2x256x128xf32, #tpu.memory_space<vmem>> -> memref<1x256x128xf32, #tpu.memory_space<vmem>>
        %scatter3A_928 = tpu.memref_squeeze %scatter3A_927 : memref<1x256x128xf32, #tpu.memory_space<vmem>> -> memref<256x128xf32, #tpu.memory_space<vmem>>
        tpu.vector_store_idx %scatter3A_928[%add3A_168, %add3A_924], %gather3A_890 : memref<256x128xf32, #tpu.memory_space<vmem>>[vector<16xi32>, vector<16xi32>], vector<16xf32>,
        %add3A_929 = arith.addi %mul3A_9, %and3A_808 : vector<16xi32>
        %scatter3A_930 = arith.constant 0 : i32
        %scatter3A_931 = arith.constant 0 : i32
        %scatter3A_932 = tpu.memref_slice %arg7[%scan3A_104, %scatter3A_930, %scatter3A_931] : memref<2x256x128xf32, #tpu.memory_space<vmem>> -> memref<1x256x128xf32, #tpu.memory_space<vmem>>
        %scatter3A_933 = tpu.memref_squeeze %scatter3A_932 : memref<1x256x128xf32, #tpu.memory_space<vmem>> -> memref<256x128xf32, #tpu.memory_space<vmem>>
        tpu.vector_store_idx %scatter3A_933[%add3A_168, %add3A_929], %gather3A_892 : memref<256x128xf32, #tpu.memory_space<vmem>>[vector<16xi32>, vector<16xi32>], vector<16xf32>,
        %add3A_934 = arith.addi %mul3A_9, %and3A_814 : vector<16xi32>
        %scatter3A_935 = arith.constant 0 : i32
        %scatter3A_936 = arith.constant 0 : i32
        %scatter3A_937 = tpu.memref_slice %arg7[%scan3A_104, %scatter3A_935, %scatter3A_936] : memref<2x256x128xf32, #tpu.memory_space<vmem>> -> memref<1x256x128xf32, #tpu.memory_space<vmem>>
        %scatter3A_938 = tpu.memref_squeeze %scatter3A_937 : memref<1x256x128xf32, #tpu.memory_space<vmem>> -> memref<256x128xf32, #tpu.memory_space<vmem>>
        tpu.vector_store_idx %scatter3A_938[%add3A_168, %add3A_934], %gather3A_894 : memref<256x128xf32, #tpu.memory_space<vmem>>[vector<16xi32>, vector<16xi32>], vector<16xf32>,
        %add3A_939 = arith.addi %mul3A_9, %and3A_820 : vector<16xi32>
        %scatter3A_940 = arith.constant 0 : i32
        %scatter3A_941 = arith.constant 0 : i32
        %scatter3A_942 = tpu.memref_slice %arg7[%scan3A_104, %scatter3A_940, %scatter3A_941] : memref<2x256x128xf32, #tpu.memory_space<vmem>> -> memref<1x256x128xf32, #tpu.memory_space<vmem>>
        %scatter3A_943 = tpu.memref_squeeze %scatter3A_942 : memref<1x256x128xf32, #tpu.memory_space<vmem>> -> memref<256x128xf32, #tpu.memory_space<vmem>>
        tpu.vector_store_idx %scatter3A_943[%add3A_168, %add3A_939], %gather3A_896 : memref<256x128xf32, #tpu.memory_space<vmem>>[vector<16xi32>, vector<16xi32>], vector<16xf32>,
        %add3A_944 = arith.addi %mul3A_9, %and3A_826 : vector<16xi32>
        %scatter3A_945 = arith.constant 0 : i32
        %scatter3A_946 = arith.constant 0 : i32
        %scatter3A_947 = tpu.memref_slice %arg7[%scan3A_104, %scatter3A_945, %scatter3A_946] : memref<2x256x128xf32, #tpu.memory_space<vmem>> -> memref<1x256x128xf32, #tpu.memory_space<vmem>>
        %scatter3A_948 = tpu.memref_squeeze %scatter3A_947 : memref<1x256x128xf32, #tpu.memory_space<vmem>> -> memref<256x128xf32, #tpu.memory_space<vmem>>
        tpu.vector_store_idx %scatter3A_948[%add3A_168, %add3A_944], %gather3A_898 : memref<256x128xf32, #tpu.memory_space<vmem>>[vector<16xi32>, vector<16xi32>], vector<16xf32>,
        %add3A_949 = arith.addi %mul3A_9, %and3A_832 : vector<16xi32>
        %scatter3A_950 = arith.constant 0 : i32
        %scatter3A_951 = arith.constant 0 : i32
        %scatter3A_952 = tpu.memref_slice %arg7[%scan3A_104, %scatter3A_950, %scatter3A_951] : memref<2x256x128xf32, #tpu.memory_space<vmem>> -> memref<1x256x128xf32, #tpu.memory_space<vmem>>
        %scatter3A_953 = tpu.memref_squeeze %scatter3A_952 : memref<1x256x128xf32, #tpu.memory_space<vmem>> -> memref<256x128xf32, #tpu.memory_space<vmem>>
        tpu.vector_store_idx %scatter3A_953[%add3A_168, %add3A_949], %gather3A_900 : memref<256x128xf32, #tpu.memory_space<vmem>>[vector<16xi32>, vector<16xi32>], vector<16xf32>,
        %add3A_954 = arith.addi %mul3A_9, %and3A_838 : vector<16xi32>
        %scatter3A_955 = arith.constant 0 : i32
        %scatter3A_956 = arith.constant 0 : i32
        %scatter3A_957 = tpu.memref_slice %arg7[%scan3A_104, %scatter3A_955, %scatter3A_956] : memref<2x256x128xf32, #tpu.memory_space<vmem>> -> memref<1x256x128xf32, #tpu.memory_space<vmem>>
        %scatter3A_958 = tpu.memref_squeeze %scatter3A_957 : memref<1x256x128xf32, #tpu.memory_space<vmem>> -> memref<256x128xf32, #tpu.memory_space<vmem>>
        tpu.vector_store_idx %scatter3A_958[%add3A_168, %add3A_954], %gather3A_902 : memref<256x128xf32, #tpu.memory_space<vmem>>[vector<16xi32>, vector<16xi32>], vector<16xf32>,
        %add3A_959 = arith.addi %mul3A_9, %and3A_844 : vector<16xi32>
        %scatter3A_960 = arith.constant 0 : i32
        %scatter3A_961 = arith.constant 0 : i32
        %scatter3A_962 = tpu.memref_slice %arg7[%scan3A_104, %scatter3A_960, %scatter3A_961] : memref<2x256x128xf32, #tpu.memory_space<vmem>> -> memref<1x256x128xf32, #tpu.memory_space<vmem>>
        %scatter3A_963 = tpu.memref_squeeze %scatter3A_962 : memref<1x256x128xf32, #tpu.memory_space<vmem>> -> memref<256x128xf32, #tpu.memory_space<vmem>>
        tpu.vector_store_idx %scatter3A_963[%add3A_168, %add3A_959], %gather3A_904 : memref<256x128xf32, #tpu.memory_space<vmem>>[vector<16xi32>, vector<16xi32>], vector<16xf32>,
        %add3A_964 = arith.addi %mul3A_9, %and3A_850 : vector<16xi32>
        %scatter3A_965 = arith.constant 0 : i32
        %scatter3A_966 = arith.constant 0 : i32
        %scatter3A_967 = tpu.memref_slice %arg7[%scan3A_104, %scatter3A_965, %scatter3A_966] : memref<2x256x128xf32, #tpu.memory_space<vmem>> -> memref<1x256x128xf32, #tpu.memory_space<vmem>>
        %scatter3A_968 = tpu.memref_squeeze %scatter3A_967 : memref<1x256x128xf32, #tpu.memory_space<vmem>> -> memref<256x128xf32, #tpu.memory_space<vmem>>
        tpu.vector_store_idx %scatter3A_968[%add3A_168, %add3A_964], %gather3A_906 : memref<256x128xf32, #tpu.memory_space<vmem>>[vector<16xi32>, vector<16xi32>], vector<16xf32>,
        %add3A_969 = arith.addi %mul3A_9, %and3A_856 : vector<16xi32>
        %scatter3A_970 = arith.constant 0 : i32
        %scatter3A_971 = arith.constant 0 : i32
        %scatter3A_972 = tpu.memref_slice %arg7[%scan3A_104, %scatter3A_970, %scatter3A_971] : memref<2x256x128xf32, #tpu.memory_space<vmem>> -> memref<1x256x128xf32, #tpu.memory_space<vmem>>
        %scatter3A_973 = tpu.memref_squeeze %scatter3A_972 : memref<1x256x128xf32, #tpu.memory_space<vmem>> -> memref<256x128xf32, #tpu.memory_space<vmem>>
        tpu.vector_store_idx %scatter3A_973[%add3A_168, %add3A_969], %gather3A_908 : memref<256x128xf32, #tpu.memory_space<vmem>>[vector<16xi32>, vector<16xi32>], vector<16xf32>,
        %add3A_974 = arith.addi %mul3A_9, %and3A_862 : vector<16xi32>
        %scatter3A_975 = arith.constant 0 : i32
        %scatter3A_976 = arith.constant 0 : i32
        %scatter3A_977 = tpu.memref_slice %arg7[%scan3A_104, %scatter3A_975, %scatter3A_976] : memref<2x256x128xf32, #tpu.memory_space<vmem>> -> memref<1x256x128xf32, #tpu.memory_space<vmem>>
        %scatter3A_978 = tpu.memref_squeeze %scatter3A_977 : memref<1x256x128xf32, #tpu.memory_space<vmem>> -> memref<256x128xf32, #tpu.memory_space<vmem>>
        tpu.vector_store_idx %scatter3A_978[%add3A_168, %add3A_974], %gather3A_910 : memref<256x128xf32, #tpu.memory_space<vmem>>[vector<16xi32>, vector<16xi32>], vector<16xf32>,
        %add3A_979 = arith.addi %mul3A_9, %and3A_868 : vector<16xi32>
        %scatter3A_980 = arith.constant 0 : i32
        %scatter3A_981 = arith.constant 0 : i32
        %scatter3A_982 = tpu.memref_slice %arg7[%scan3A_104, %scatter3A_980, %scatter3A_981] : memref<2x256x128xf32, #tpu.memory_space<vmem>> -> memref<1x256x128xf32, #tpu.memory_space<vmem>>
        %scatter3A_983 = tpu.memref_squeeze %scatter3A_982 : memref<1x256x128xf32, #tpu.memory_space<vmem>> -> memref<256x128xf32, #tpu.memory_space<vmem>>
        tpu.vector_store_idx %scatter3A_983[%add3A_168, %add3A_979], %gather3A_912 : memref<256x128xf32, #tpu.memory_space<vmem>>[vector<16xi32>, vector<16xi32>], vector<16xf32>,
        %add3A_984 = arith.addi %mul3A_9, %and3A_874 : vector<16xi32>
        %scatter3A_985 = arith.constant 0 : i32
        %scatter3A_986 = arith.constant 0 : i32
        %scatter3A_987 = tpu.memref_slice %arg7[%scan3A_104, %scatter3A_985, %scatter3A_986] : memref<2x256x128xf32, #tpu.memory_space<vmem>> -> memref<1x256x128xf32, #tpu.memory_space<vmem>>
        %scatter3A_988 = tpu.memref_squeeze %scatter3A_987 : memref<1x256x128xf32, #tpu.memory_space<vmem>> -> memref<256x128xf32, #tpu.memory_space<vmem>>
        tpu.vector_store_idx %scatter3A_988[%add3A_168, %add3A_984], %gather3A_914 : memref<256x128xf32, #tpu.memory_space<vmem>>[vector<16xi32>, vector<16xi32>], vector<16xf32>,
        %add3A_989 = arith.addi %mul3A_9, %and3A_880 : vector<16xi32>
        %scatter3A_990 = arith.constant 0 : i32
        %scatter3A_991 = arith.constant 0 : i32
        %scatter3A_992 = tpu.memref_slice %arg7[%scan3A_104, %scatter3A_990, %scatter3A_991] : memref<2x256x128xf32, #tpu.memory_space<vmem>> -> memref<1x256x128xf32, #tpu.memory_space<vmem>>
        %scatter3A_993 = tpu.memref_squeeze %scatter3A_992 : memref<1x256x128xf32, #tpu.memory_space<vmem>> -> memref<256x128xf32, #tpu.memory_space<vmem>>
        tpu.vector_store_idx %scatter3A_993[%add3A_168, %add3A_989], %gather3A_916 : memref<256x128xf32, #tpu.memory_space<vmem>>[vector<16xi32>, vector<16xi32>], vector<16xf32>,
        %add3A_994 = arith.addi %mul3A_9, %and3A_886 : vector<16xi32>
        %scatter3A_995 = arith.constant 0 : i32
        %scatter3A_996 = arith.constant 0 : i32
        %scatter3A_997 = tpu.memref_slice %arg7[%scan3A_104, %scatter3A_995, %scatter3A_996] : memref<2x256x128xf32, #tpu.memory_space<vmem>> -> memref<1x256x128xf32, #tpu.memory_space<vmem>>
        %scatter3A_998 = tpu.memref_squeeze %scatter3A_997 : memref<1x256x128xf32, #tpu.memory_space<vmem>> -> memref<256x128xf32, #tpu.memory_space<vmem>>
        tpu.vector_store_idx %scatter3A_998[%add3A_168, %add3A_994], %gather3A_918 : memref<256x128xf32, #tpu.memory_space<vmem>>[vector<16xi32>, vector<16xi32>], vector<16xf32>,
      }
      %scan3A_109 = arith.constant 32 : i32
      %ge3A_110 = arith.constant 1 : i32
      %ge3A_111 = arith.cmpi sge, %add3A_102, %ge3A_110 : i32
      %convert_element_type3A_112 = arith.extui %ge3A_111 : i1 to i32
      %cond3A_113 = arith.constant 0 : i32
      %cond3A_114 = arith.cmpi ne, %convert_element_type3A_112, %cond3A_113 : i32
      scf.if %cond3A_114 {
        %sub3A_155 = arith.constant 1 : i32
        %sub3A_156 = arith.subi %add3A_102, %sub3A_155 : i32
        %mul3A_157 = arith.constant 512 : i32
        %mul3A_158 = arith.muli %sub3A_156, %mul3A_157 : i32
        %add3A_159 = arith.addi %mul3A_2, %mul3A_158 : i32
        %jit3A_160 = arith.constant 2 : i32
        %div3A_161 = arith.divsi %add3A_159, %jit3A_160 : i32
        %sign3A_162 = arith.constant 0 : i32
        %sign3A_163 = arith.cmpi sgt, %add3A_159, %sign3A_162 : i32
        %sign3A_164 = arith.extui %sign3A_163 : i1 to i32
        %sign3A_165 = arith.constant 0 : i32
        %sign3A_166 = arith.cmpi slt, %add3A_159, %sign3A_165 : i32
        %sign3A_167 = arith.extui %sign3A_166 : i1 to i32
        %sign3A_168 = arith.subi %sign3A_164, %sign3A_167 : i32
        %sign3A_169 = arith.constant 0 : i32
        %sign3A_170 = arith.cmpi sgt, %jit3A_160, %sign3A_169 : i32
        %sign3A_171 = arith.extui %sign3A_170 : i1 to i32
        %sign3A_172 = arith.constant 0 : i32
        %sign3A_173 = arith.cmpi slt, %jit3A_160, %sign3A_172 : i32
        %sign3A_174 = arith.extui %sign3A_173 : i1 to i32
        %sign3A_175 = arith.subi %sign3A_171, %sign3A_174 : i32
        %ne3A_176 = arith.cmpi ne, %sign3A_168, %sign3A_175 : i32
        %rem3A_177 = arith.remsi %add3A_159, %jit3A_160 : i32
        %ne3A_178 = arith.constant 0 : i32
        %ne3A_179 = arith.cmpi ne, %rem3A_177, %ne3A_178 : i32
        %and3A_180 = arith.andi %ne3A_176, %ne3A_179 : i1
        %sub3A_181 = arith.constant 1 : i32
        %sub3A_182 = arith.subi %div3A_161, %sub3A_181 : i32
        %select_n3A_183 = arith.select %and3A_180, %sub3A_182, %div3A_161 : i32
        %dma_wait3A_184 = arith.constant 0 : i32
        %dma_wait3A_185 = arith.constant 0 : i32
        %dma_wait3A_186 = arith.constant 0 : i32
        %dma_wait3A_187 = tpu.memref_slice %arg7[%dma_wait3A_184, %dma_wait3A_185, %dma_wait3A_186] : memref<2x256x128xf32, #tpu.memory_space<vmem>> -> memref<1x256x128xf32, #tpu.memory_space<vmem>>
        %dma_wait3A_188 = tpu.memref_squeeze %dma_wait3A_187 : memref<1x256x128xf32, #tpu.memory_space<vmem>> -> memref<256x128xf32, #tpu.memory_space<vmem>>
        %dma_wait3A_189 = arith.constant 0 : i32
        %dma_wait3A_190 = tpu.memref_slice %arg4[%select_n3A_183, %dma_wait3A_189] : memref<262144x128xf32, #tpu.memory_space<hbm>> -> memref<256x128xf32, #tpu.memory_space<hbm>>
        %dma_wait3A_191 = arith.constant 0 : i32
        %dma_wait3A_192 = tpu.memref_slice %arg4[%select_n3A_183, %dma_wait3A_191] : memref<262144x128xf32, #tpu.memory_space<hbm>> -> memref<256x128xf32, #tpu.memory_space<hbm>>
        %dma_wait3A_193 = arith.constant 0 : i32
        %dma_wait3A_194 = arith.constant 0 : i32
        %dma_wait3A_195 = tpu.memref_slice %arg7[%dma_wait3A_184, %dma_wait3A_193, %dma_wait3A_194] : memref<2x256x128xf32, #tpu.memory_space<vmem>> -> memref<1x256x128xf32, #tpu.memory_space<vmem>>
        %dma_wait3A_196 = tpu.memref_squeeze %dma_wait3A_195 : memref<1x256x128xf32, #tpu.memory_space<vmem>> -> memref<256x128xf32, #tpu.memory_space<vmem>>
        tpu.wait_dma2 semaphore(%arg8 : memref<!tpu.dma_semaphore, #tpu.memory_space<semaphore_mem>>) src(%dma_wait3A_196 : memref<256x128xf32, #tpu.memory_space<vmem>>) dst(%dma_wait3A_192 : memref<256x128xf32, #tpu.memory_space<hbm>>)
      } else {
      }
      %mul3A_115 = arith.constant 512 : i32
      %mul3A_116 = arith.muli %add3A_102, %mul3A_115 : i32
      %add3A_117 = arith.addi %mul3A_2, %mul3A_116 : i32
      %jit3A_118 = arith.constant 2 : i32
      %div3A_119 = arith.divsi %add3A_117, %jit3A_118 : i32
      %sign3A_120 = arith.constant 0 : i32
      %sign3A_121 = arith.cmpi sgt, %add3A_117, %sign3A_120 : i32
      %sign3A_122 = arith.extui %sign3A_121 : i1 to i32
      %sign3A_123 = arith.constant 0 : i32
      %sign3A_124 = arith.cmpi slt, %add3A_117, %sign3A_123 : i32
      %sign3A_125 = arith.extui %sign3A_124 : i1 to i32
      %sign3A_126 = arith.subi %sign3A_122, %sign3A_125 : i32
      %sign3A_127 = arith.constant 0 : i32
      %sign3A_128 = arith.cmpi sgt, %jit3A_118, %sign3A_127 : i32
      %sign3A_129 = arith.extui %sign3A_128 : i1 to i32
      %sign3A_130 = arith.constant 0 : i32
      %sign3A_131 = arith.cmpi slt, %jit3A_118, %sign3A_130 : i32
      %sign3A_132 = arith.extui %sign3A_131 : i1 to i32
      %sign3A_133 = arith.subi %sign3A_129, %sign3A_132 : i32
      %ne3A_134 = arith.cmpi ne, %sign3A_126, %sign3A_133 : i32
      %rem3A_135 = arith.remsi %add3A_117, %jit3A_118 : i32
      %ne3A_136 = arith.constant 0 : i32
      %ne3A_137 = arith.cmpi ne, %rem3A_135, %ne3A_136 : i32
      %and3A_138 = arith.andi %ne3A_134, %ne3A_137 : i1
      %sub3A_139 = arith.constant 1 : i32
      %sub3A_140 = arith.subi %div3A_119, %sub3A_139 : i32
      %select_n3A_141 = arith.select %and3A_138, %sub3A_140, %div3A_119 : i32
      %dma_start3A_142 = arith.constant 1 : i32
      %dma_start3A_143 = arith.constant 0 : i32
      %dma_start3A_144 = arith.constant 0 : i32
      %dma_start3A_145 = tpu.memref_slice %arg7[%dma_start3A_142, %dma_start3A_143, %dma_start3A_144] : memref<2x256x128xf32, #tpu.memory_space<vmem>> -> memref<1x256x128xf32, #tpu.memory_space<vmem>>
      %dma_start3A_146 = tpu.memref_squeeze %dma_start3A_145 : memref<1x256x128xf32, #tpu.memory_space<vmem>> -> memref<256x128xf32, #tpu.memory_space<vmem>>
      %dma_start3A_147 = arith.constant 0 : i32
      %dma_start3A_148 = tpu.memref_slice %arg4[%select_n3A_141, %dma_start3A_147] : memref<262144x128xf32, #tpu.memory_space<hbm>> -> memref<256x128xf32, #tpu.memory_space<hbm>>
      %dma_start3A_149 = arith.constant 0 : i32
      %dma_start3A_150 = tpu.memref_slice %arg4[%select_n3A_141, %dma_start3A_149] : memref<262144x128xf32, #tpu.memory_space<hbm>> -> memref<256x128xf32, #tpu.memory_space<hbm>>
      %dma_start3A_151 = arith.constant 0 : i32
      %dma_start3A_152 = arith.constant 0 : i32
      %dma_start3A_153 = tpu.memref_slice %arg7[%dma_start3A_142, %dma_start3A_151, %dma_start3A_152] : memref<2x256x128xf32, #tpu.memory_space<vmem>> -> memref<1x256x128xf32, #tpu.memory_space<vmem>>
      %dma_start3A_154 = tpu.memref_squeeze %dma_start3A_153 : memref<1x256x128xf32, #tpu.memory_space<vmem>> -> memref<256x128xf32, #tpu.memory_space<vmem>>
      tpu.enqueue_dma source(%dma_start3A_154 : memref<256x128xf32, #tpu.memory_space<vmem>>) target(%dma_start3A_150 : memref<256x128xf32, #tpu.memory_space<hbm>>) target_semaphore(%arg8 : memref<!tpu.dma_semaphore, #tpu.memory_space<semaphore_mem>>)
    }
    %scan3A_14 = arith.constant 16 : i32
    %add3A_15 = arith.constant 15872 : i32
    %add3A_16 = arith.addi %mul3A_2, %add3A_15 : i32
    %jit3A = arith.constant 2 : i32
    %div3A = arith.divsi %add3A_16, %jit3A : i32
    %sign3A = arith.constant 0 : i32
    %sign3A_17 = arith.cmpi sgt, %add3A_16, %sign3A : i32
    %sign3A_18 = arith.extui %sign3A_17 : i1 to i32
    %sign3A_19 = arith.constant 0 : i32
    %sign3A_20 = arith.cmpi slt, %add3A_16, %sign3A_19 : i32
    %sign3A_21 = arith.extui %sign3A_20 : i1 to i32
    %sign3A_22 = arith.subi %sign3A_18, %sign3A_21 : i32
    %sign3A_23 = arith.constant 0 : i32
    %sign3A_24 = arith.cmpi sgt, %jit3A, %sign3A_23 : i32
    %sign3A_25 = arith.extui %sign3A_24 : i1 to i32
    %sign3A_26 = arith.constant 0 : i32
    %sign3A_27 = arith.cmpi slt, %jit3A, %sign3A_26 : i32
    %sign3A_28 = arith.extui %sign3A_27 : i1 to i32
    %sign3A_29 = arith.subi %sign3A_25, %sign3A_28 : i32
    %ne3A = arith.cmpi ne, %sign3A_22, %sign3A_29 : i32
    %rem3A = arith.remsi %add3A_16, %jit3A : i32
    %ne3A_30 = arith.constant 0 : i32
    %ne3A_31 = arith.cmpi ne, %rem3A, %ne3A_30 : i32
    %and3A_32 = arith.andi %ne3A, %ne3A_31 : i1
    %sub3A = arith.constant 1 : i32
    %sub3A_33 = arith.subi %div3A, %sub3A : i32
    %select_n3A = arith.select %and3A_32, %sub3A_33, %div3A : i32
    %dma_wait3A = arith.constant 1 : i32
    %dma_wait3A_34 = arith.constant 0 : i32
    %dma_wait3A_35 = arith.constant 0 : i32
    %dma_wait3A_36 = tpu.memref_slice %arg7[%dma_wait3A, %dma_wait3A_34, %dma_wait3A_35] : memref<2x256x128xf32, #tpu.memory_space<vmem>> -> memref<1x256x128xf32, #tpu.memory_space<vmem>>
    %dma_wait3A_37 = tpu.memref_squeeze %dma_wait3A_36 : memref<1x256x128xf32, #tpu.memory_space<vmem>> -> memref<256x128xf32, #tpu.memory_space<vmem>>
    %dma_wait3A_38 = arith.constant 0 : i32
    %dma_wait3A_39 = tpu.memref_slice %arg4[%select_n3A, %dma_wait3A_38] : memref<262144x128xf32, #tpu.memory_space<hbm>> -> memref<256x128xf32, #tpu.memory_space<hbm>>
    %dma_wait3A_40 = arith.constant 0 : i32
    %dma_wait3A_41 = tpu.memref_slice %arg4[%select_n3A, %dma_wait3A_40] : memref<262144x128xf32, #tpu.memory_space<hbm>> -> memref<256x128xf32, #tpu.memory_space<hbm>>
    %dma_wait3A_42 = arith.constant 0 : i32
    %dma_wait3A_43 = arith.constant 0 : i32
    %dma_wait3A_44 = tpu.memref_slice %arg7[%dma_wait3A, %dma_wait3A_42, %dma_wait3A_43] : memref<2x256x128xf32, #tpu.memory_space<vmem>> -> memref<1x256x128xf32, #tpu.memory_space<vmem>>
    %dma_wait3A_45 = tpu.memref_squeeze %dma_wait3A_44 : memref<1x256x128xf32, #tpu.memory_space<vmem>> -> memref<256x128xf32, #tpu.memory_space<vmem>>
    tpu.wait_dma2 semaphore(%arg8 : memref<!tpu.dma_semaphore, #tpu.memory_space<semaphore_mem>>) src(%dma_wait3A_45 : memref<256x128xf32, #tpu.memory_space<vmem>>) dst(%dma_wait3A_41 : memref<256x128xf32, #tpu.memory_space<hbm>>)
    return
  }
}

</mosaic_0001>

<sc_bundles>
// kernel: _sc_lookup.3.cloned.1.call-start
scs
__scs_entry_jumppad:
0x0: {  	(pc) =	sbr.rel $0x88, $3  }
0x1: {  	(tag) =	ssettag $0x0;
	lr =	simm.s32 $0x1  }
0x2: {  	[smem:$0x3F9F] =	sst lr;
	_ =	strace $0xD0000000  }
0x3: {  	_ = 	snop  }
0x4: {  	_ = 	snop  }
0x5: {  	_ = 	snop  }
0x6: {  	_ = 	snop  }
0x7: {  	_ = 	snop  }
__scs_overlays_trampoline_lowered:
0x8: {  	[smem:$0x3FAE] =	sst s0  }
0x9: {  	[smem:$0x3FAF] =	sst s1  }
0xa: {  	[smem:$0x3FB0] =	sst s2  }
0xb: {  	[smem:$0x3FB1] =	sst s3  }
0xc: {  	[smem:$0x3FB2] =	sst s4  }
0xd: {  	[smem:$0x3FB3] =	sst s5  }
0xe: {  	[smem:$0x3FB4] =	sst s6  }
0xf: {  	[smem:$0x3FB5] =	sst s7  }
0x10: {  	[smem:$0x3FB6] =	sst s8  }
0x11: {  	[smem:$0x3FB7] =	sst s9;
	s0 =	simm.s32 @!p0 $0x0  }
0x12: {  	s1 =	sld [smem:$0x3F9D];
	s0 =	simm.s32 @p0 $0x1  }
0x13: {  	[smem:$0x3FB8] =	sst s0;
	s0 =	simm.s32 @!p1 $0x0  }
0x14: {  	s2 =	sld [smem:$0x3F9C];
	s0 =	simm.s32 @p1 $0x1  }
0x15: {  	[smem:$0x3FB9] =	sst s0;
	s0 =	simm.s32 @!p2 $0x0  }
0x16: {  	s3 =	sld [smem:$0x3FDB];
	s0 =	simm.s32 @p2 $0x1  }
0x17: {  	s4 =	simm.s32 $0x1BF5;
	[smem:$0x3FBB] =	sst s0  }
0x18: {  	s0 =	sld [smem:$0x3F9E];
	_ =	swait.ge [sflag:s4], $0x0  }
0x19: {  	s7 =	sld [smem:$0x3F9F]  }
0x1a: {  	s8 =	sadd.s32 $0xFFFFE003, lr  }
0x1b: {  	s9 =	sadd.s32 $0xFFFFFEF7, lr;
	s5 =	simm.s32 $0xFFFFFFFF;
	p2 =	slt.u32 s8, $0xFFFFF086  }
0x1c: {  	p1 =	slt.u32 s9, $0xF7A;
	s5 =	simm.s32 @!p2 $0x0  }
0x1d: {  	s5 =	simm.s32 @p1 $0x1;
	p0 =	seq.s32 s7, s2  }
0x1e: {  	s7 =	smul.u32 @!p0 $0xF7A, s2;
	p2 =	seq.s32 @!p0 s5, $0x0  }
0x1f: {  	s9 =	smul.u32 $0xF7A, s1;
	s8 =	simm.s32 @!p0 $0x1BF5;
	p2 =	por !p2, p0  }
0x20: {  	[sflag:s8] =	ssyncset.s32 @!p0 $0xFFFFF086;
	s6 =	sadd.s32 @!p0 s3, s7;
	s7 =	simm.s32 @!p0 $0x108  }
0x21: {  	s3 =	sadd.s32 s3, s9;
	s6 =	sadd.s32 @!p0 $0x88, s6;
	s7 =	simm.s32 @p2 $0x1082  }
0x22: {  	[simem:s7], [sflag:s8] =	dma.local @!p0 [hbm:s6], $0xF7A  }
0x23: {  	s9 =	sor.u32 $0xD0000000, s2;
	s6 =	simm.s32 $0x108;
	_ =	swait.ge @!p0 [sflag:s8], $0x0  }
0x24: {  	s3 =	sadd.s32 $0x88, s3;
	s6 =	simm.s32 @!p1 $0x1082;
	[sflag:s4] =	ssyncset.s32 $0xFFFFF086  }
0x25: {  	[simem:s6], [sflag:s4] =	dma.local [hbm:s3], $0xF7A  }
0x26: {  	[smem:$0x3F9F] =	sst s1;
	(tag) =	ssettag s2;
	_ =	strace s9  }
0x27: {  	s1 =	sld [smem:$0x3FAF]  }
0x28: {  	s2 =	sld [smem:$0x3FB0]  }
0x29: {  	s4 =	sld [smem:$0x3FB2]  }
0x2a: {  	p0 =	seq.s32 s5, $0x0;
	s5 =	sld [smem:$0x3FB3]  }
0x2b: {  	s6 =	sld [smem:$0x3FB4]  }
0x2c: {  	s7 =	sld [smem:$0x3FB5]  }
0x2d: {  	s3 =	simm.s32 $0x108;
	s8 =	sld [smem:$0x3FB6]  }
0x2e: {  	s3 =	simm.s32 @!p0 $0x1082;
	s9 =	sld [smem:$0x3FB7]  }
0x2f: {  	lr =	sadd.s32 s0, s3;
	s0 =	sld [smem:$0x3FAE]  }
0x30: {  	s3 =	sld [smem:$0x3FB1]  }
0x31: {  	[smem:$0x3FBA] =	sst s10  }
0x32: {  	s10 =	sld [smem:$0x3FB8];
	_ =	sdelay $0x3  }
0x33: {  	p0 =	seq.s32 s10, $0x1;
	s10 =	sld [smem:$0x3FBA];
	_ =	sdelay $0x3  }
0x34: {  	[smem:$0x3FBA] =	sst s10  }
0x35: {  	s10 =	sld [smem:$0x3FB9];
	_ =	sdelay $0x3  }
0x36: {  	p1 =	seq.s32 s10, $0x1;
	s10 =	sld [smem:$0x3FBA];
	_ =	sdelay $0x3  }
0x37: {  	[smem:$0x3FBA] =	sst s10  }
0x38: {  	s10 =	sld [smem:$0x3FBB]  }
0x39: {  	_ = 	snop;
	(pc) =	sbr.ind lr, $3  }
0x3a: {  	_ = 	snop  }
0x3b: {  	_ = 	snop  }
0x3c: {  	p2 =	seq.s32 s10, $0x1;
	s10 =	sld [smem:$0x3FBA]  }
0x3d: {  	_ =	shalt  }
0x3e: {  	_ =	shalt  }
0x3f: {  	_ =	shalt  }
0x40: {  	_ =	shalt  }
0x41: {  	_ =	shalt  }
0x42: {  	_ =	shalt  }
0x43: {  	_ =	shalt  }
0x44: {  	_ =	shalt  }
0x45: {  	_ =	shalt  }
0x46: {  	_ =	shalt  }
0x47: {  	_ =	shalt  }
0x48: {  	_ =	shalt  }
0x49: {  	_ =	shalt  }
0x4a: {  	_ =	shalt  }
0x4b: {  	_ =	shalt  }
0x4c: {  	_ =	shalt  }
0x4d: {  	_ =	shalt  }
0x4e: {  	_ =	shalt  }
0x4f: {  	_ =	shalt  }
0x50: {  	_ =	shalt  }
0x51: {  	_ =	shalt  }
0x52: {  	_ =	shalt  }
0x53: {  	_ =	shalt  }
0x54: {  	_ =	shalt  }
0x55: {  	_ =	shalt  }
0x56: {  	_ =	shalt  }
0x57: {  	_ =	shalt  }
0x58: {  	_ =	shalt  }
0x59: {  	_ =	shalt  }
0x5a: {  	_ =	shalt  }
0x5b: {  	_ =	shalt  }
0x5c: {  	_ =	shalt  }
0x5d: {  	_ =	shalt  }
0x5e: {  	_ =	shalt  }
0x5f: {  	_ =	shalt  }
0x60: {  	_ =	shalt  }
0x61: {  	_ =	shalt  }
0x62: {  	_ =	shalt  }
0x63: {  	_ =	shalt  }
0x64: {  	_ =	shalt  }
0x65: {  	_ =	shalt  }
0x66: {  	_ =	shalt  }
0x67: {  	_ =	shalt  }
0x68: {  	_ =	shalt  }
0x69: {  	_ =	shalt  }
0x6a: {  	_ =	shalt  }
0x6b: {  	_ =	shalt  }
0x6c: {  	_ =	shalt  }
0x6d: {  	_ =	shalt  }
0x6e: {  	_ =	shalt  }
0x6f: {  	_ =	shalt  }
0x70: {  	_ =	shalt  }
0x71: {  	_ =	shalt  }
0x72: {  	_ =	shalt  }
0x73: {  	_ =	shalt  }
0x74: {  	_ =	shalt  }
0x75: {  	_ =	shalt  }
0x76: {  	_ =	shalt  }
0x77: {  	_ =	shalt  }
0x78: {  	_ =	shalt  }
0x79: {  	_ =	shalt  }
0x7a: {  	_ =	shalt  }
0x7b: {  	_ =	shalt  }
0x7c: {  	_ =	shalt  }
0x7d: {  	_ =	shalt  }
0x7e: {  	_ =	shalt  }
0x7f: {  	_ =	shalt  }
0x80: {  	_ =	shalt  }
0x81: {  	_ =	shalt  }
0x82: {  	_ =	shalt  }
0x83: {  	_ =	shalt  }
0x84: {  	_ =	shalt  }
0x85: {  	_ =	shalt  }
0x86: {  	_ =	shalt  }
0x87: {  	_ =	shalt  }
.Lfunc_end0:
.L_simem_size_0:
called_computation_lowered:
.L_overlay_start_0:
0x88: {  	s2 =	sld [smem:$0x3FD9]  }
0x89: {  	s3 =	sld [smem:$0x3FFE];
	_ =	sdelay $0x1  }
0x8a: {  	s1 =	srdreg.scid  }
0x8b: {  	s0 =	sand.u32 $0x1, s1  }
0x8c: {  	s18 =	sshll.u32 s0, $0xA;
	s2 =	sadd.s32 s3, s2  }
0x8d: {  	s2 =	sadd.s32 s2, s18  }
0x8e: {  	[smem:$0x3FC6] =	sst s2  }
0x8f: {  	_ = 	snop  }
0x90: {  	s2 =	sld [smem:$0x3FC9]  }
0x91: {  	s19 =	sld [smem:$0x3FC8]  }
0x92: {  	s4 =	sld [smem:$0x3FD0];
	(tm) =	ssettm $0x1  }
0x93: {  	s5 =	sld [smem:$0x3FFB];
	_ =	sdelay $0x3  }
0x94: {  	_ =	strace s5  }
0x95: {  	s5 =	sld [smem:$0x3FFC];
	_ =	sdelay $0x3  }
0x96: {  	_ =	strace s5  }
0x97: {  	s5 =	sld [smem:$0x3FFD];
	_ =	sdelay $0x3  }
0x98: {  	_ =	strace s5  }
0x99: {  	_ =	strace $0x8FFFFFFF  }
0x9a: {  	s20 =	sld [smem:$0x3FDB];
	_ =	sdelay $0x1  }
0x9b: {  	s6 =	simm.s32 $_scs_section_size  }
0x9c: {  	s7 =	simm.s32 $_size__tile_overlayer_lowered;
	s8 =	simm.s32 $_tile_overlayer_lowered  }
0x9d: {  	s23 =	simm.s32 $0x1BFF;
	s22 =	sshll.u32 s8, $0x1;
	s5 =	sadd.s32 s6, s20  }
0x9e: {  	s9 =	simm.s32 $0x0;
	s21 =	sshll.u32 s7, $0x1;
	s7 =	sadd.s32 s22, s5  }
0x9f: {  	[timem:s9], [sflag:s23] =	dma.local [hbm:s7], s21  }
0xa0: {  	_ =	swait.ge [sflag:s23], s21  }
0xa1: {  	s6 =	ssub.s32 $0x0, s21;
	[sflag:s23] =	ssyncset.done $0x0  }
0xa2: {  	[sflag:s23] =	ssyncadd.s32 s6;
	_ =	sdelay $0x1  }
0xa3: {  	s24 =	simm.s32 $0x1B8B  }
0xa4: {  	_ =	swait.ge [sflag:s24], $0x1  }
0xa5: {  	[sflag:s24] =	ssyncset.done $0x0  }
0xa6: {  	s25 =	simm.s32 $0x1B8E;
	[sflag:s24] =	ssyncadd.s32 $0xFFFFFFFF  }
0xa7: {  	s26 =	simm.s32 $execute0_lowered;
	[smem:$0x3FD2] =	sst s25  }
0xa8: {  	s6 =	sshll.u32 s26, $0x1;
	_ =	strace $0x80000046;
	[dreg:$0x1] =	wrdreg $0xFFFFFFFF  }
0xa9: {  	s28 =	simm.s32 $_size_execute0_lowered;
	s5 =	sadd.s32 s5, s6;
	[dreg:$0x0] =	wrdreg $0x0  }
0xaa: {  	s6 =	sshll.u32 s28, $0x1;
	[dreg:$0x2] =	wrdreg s5  }
0xab: {  	[dreg:$0x3] =	wrdreg s6  }
0xac: {  	[dreg:$0x4] =	wrdreg $0xC0  }
0xad: {  	_ =	task [dreg:s9], $0x5FFFF  }
0xae: {  	[dreg:$0x1] =	wrdreg $0xFFFFFFFF  }
0xaf: {  	[dreg:$0x0] =	wrdreg $0x60  }
0xb0: {  	[dreg:$0x2] =	wrdreg s2  }
0xb1: {  	[dreg:$0x3] =	wrdreg s19  }
0xb2: {  	[dreg:$0x4] =	wrdreg s4  }
0xb3: {  	[dreg:$0x5] =	wrdreg $0x9  }
0xb4: {  	_ =	task.clear_ibuf [dreg:s9], $0x6FFFF;
	_ =	strace $0x90000046  }
0xb5: {  	s29 =	simm.s32 $0x9;
	_ =	strace $0x80000048  }
0xb6: {  	_ =	swait.ge [sflag:s29], $0x1  }
0xb7: {  	[sflag:s29] =	ssyncadd.s32 $0xFFFFFFFF  }
0xb8: {  	_ =	strace $0x90000048  }
0xb9: {  	_ =	sfence  }
0xba: {  	s30 =	sld [smem:$0x0];
	_ =	sdelay $0x2  }
0xbb: {  	s31 =	sshll.u32 s1, $0xD;
	s1 =	sshrl.u32 s1, $0x2  }
0xbc: {  	s3 =	sand.u32 $0x4000, s31;
	s1 =	sadd.s32 s1, s30  }
0xbd: {  	s0 =	sor.u32 s3, s0;
	s1 =	sshll.u32 s1, $0x11  }
0xbe: {  	s0 =	sor.u32 s1, s0  }
0xbf: {  	s0 =	sadd.s32 $0x8F2B, s0  }
0xc0: {  	[sflag:s0] =	ssyncadd.remote.s32 $0x1  }
0xc1: {  	_ =	sfence.sel $0xFFFF  }
0xc2: {  	[dreg:$0x0] =	wrdreg $0xFFFFFFFF;
	(pc) =	sbr.abs _section_cstart, $3  }
0xc3: {  	[dreg:$0x1] =	wrdreg $0xFFFFFFFF  }
0xc4: {  	_ =	task.clear_ibuf [dreg:s9], $0x2FFFF;
	_ =	strace $0x9FFFFFFF  }
0xc5: {  	(tm) =	ssettm $0x7FFFFFFF  }
tec
execute0_lowered:
.L_overlay_start_1:
0x0: {  	(tag) =	ssettag $0x1  }
0x1: {  	v0 =	vlaneseq.u32;
	v1 =	vimm.s32 $0x4F0E4D0C;
	v3 =	vimm.s32 $0x4B0A4908  }
0x2: {  	v4 =	vimm.s32 $0x43024100;
	v5 =	vimm.s32 $0x47064504;
	vm0 =	vcmask $0x1F10  }
0x3: {  	v6 =	vimm.s32 $0x500F4E0D;
	v7 =	vimm.s32 $0x4C0B4A09;
	v14 =	vimm.s32 $0x4A094807  }
0x4: {  	v49 =	vimm.s32 $0x53125110;
	v2 =	vshrl.u32 v0, $0x1;
	v1 =	vunpack.c.0.s8.s32 v1  }
0x5: {  	v3 =	vunpack.c.0.s8.s32 v3;
	v8 =	vunpack.c.0.s8.s32 v4;
	v4 =	vunpack.c.0.s8.s32 v5  }
0x6: {  	v6 =	vunpack.c.0.s8.s32 v6;
	v7 =	vunpack.c.0.s8.s32 v7;
	v48 =	vunpack.c.0.s8.s32 v14  }
0x7: {  	v14 =	vunpack.c.0.s8.s32 v49;
	v53 =	vmul.u32 $0x80, v2;
	v2 =	vimm.s32 $0x44034201  }
0x8: {  	v5 =	vsel vm0, v1, v3;
	[tilespmem:$0x1F8E0] =	vst v8;
	v8 =	vsel vm0, v4, v8;
	v16 =	vunpack.c.0.s8.s32 v2  }
0x9: {  	v2 =	vimm.s32 $0x48074605;
	v21 =	vsel vm0, v14, v1;
	v1 =	vimm.s32 $0x54135211  }
0xa: {  	v22 =	vsel vm0, v3, v4;
	v4 =	vunpack.c.0.s8.s32 v1;
	v1 =	vimm.s32 $0x55145312  }
0xb: {  	v2 =	vunpack.c.0.s8.s32 v2;
	v23 =	vunpack.c.0.s8.s32 v1;
	v1 =	vimm.s32 $0x57165514  }
0xc: {  	v1 =	vunpack.c.0.s8.s32 v1  }
0xd: {  	v15 =	vsel vm0, v6, v7;
	[tilespmem:$0x1F900] =	vst v16;
	v16 =	vsel vm0, v2, v16  }
0xe: {  	v7 =	vsel vm0, v7, v2;
	[tilespmem:$0x1F960] =	vst v1;
	v2 =	vsel vm0, v1, v14;
	v1 =	vimm.s32 $0x58175615  }
0xf: {  	v1 =	vunpack.c.0.s8.s32 v1;
	_ =	sdelay $0x1  }
0x10: {  	[tilespmem:$0x1F990] =	vst v1;
	v1 =	vimm.s32 $0x59185716  }
0x11: {  	v1 =	vunpack.c.0.s8.s32 v1  }
0x12: {  	[tilespmem:$0x1F970] =	vst v2  }
0x13: {  	v2 =	vcombine.low v5, v2;
	[tilespmem:$0x1F9A0] =	vst v1;
	v1 =	vimm.s32 $0x5A195817  }
0x14: {  	v1 =	vunpack.c.0.s8.s32 v1  }
0x15: {  	[tilespmem:$0x1F980] =	vst v2;
	v2 =	vimm.s32 $0x5B1A5918  }
0x16: {  	[tilespmem:$0x1F9B0] =	vst v1;
	v1 =	vunpack.c.0.s8.s32 v2;
	_ =	sdelay $0x1  }
0x17: {  	[tilespmem:$0x1F9C0] =	vst v1;
	v1 =	vimm.s32 $0x5C1B5A19  }
0x18: {  	v1 =	vunpack.c.0.s8.s32 v1;
	_ =	sdelay $0x1  }
0x19: {  	[tilespmem:$0x1F9D0] =	vst v1;
	v1 =	vimm.s32 $0x5D1C5B1A  }
0x1a: {  	v1 =	vunpack.c.0.s8.s32 v1  }
0x1b: {  	v2 =	vimm.s32 $0x5E1D5C1B  }
0x1c: {  	[tilespmem:$0x1F9E0] =	vst v1;
	v1 =	vunpack.c.0.s8.s32 v2;
	_ =	sdelay $0x1  }
0x1d: {  	[tilespmem:$0x1F9F0] =	vst v1;
	v1 =	vimm.s32 $0x5F1E5D1C  }
0x1e: {  	v1 =	vunpack.c.0.s8.s32 v1;
	_ =	sdelay $0x1  }
0x1f: {  	[tilespmem:$0x1FA00] =	vst v1;
	v1 =	vimm.s32 $0x601F5E1D  }
0x20: {  	v1 =	vunpack.c.0.s8.s32 v1  }
0x21: {  	v2 =	vimm.s32 $0x61205F1E  }
0x22: {  	[tilespmem:$0x1FA10] =	vst v1;
	v1 =	vunpack.c.0.s8.s32 v2;
	_ =	sdelay $0x1  }
0x23: {  	[tilespmem:$0x1FA20] =	vst v1;
	v1 =	vimm.s32 $0x6221601F  }
0x24: {  	v1 =	vunpack.c.0.s8.s32 v1;
	_ =	sdelay $0x1  }
0x25: {  	[tilespmem:$0x1FA30] =	vst v1;
	v1 =	vimm.s32 $0x63226120  }
0x26: {  	v1 =	vunpack.c.0.s8.s32 v1  }
0x27: {  	v2 =	vimm.s32 $0x64236221  }
0x28: {  	[tilespmem:$0x1FA40] =	vst v1;
	v1 =	vunpack.c.0.s8.s32 v2;
	_ =	sdelay $0x1  }
0x29: {  	[tilespmem:$0x1FA50] =	vst v1;
	v1 =	vimm.s32 $0x65246322  }
0x2a: {  	v1 =	vunpack.c.0.s8.s32 v1;
	_ =	sdelay $0x1  }
0x2b: {  	[tilespmem:$0x1FA60] =	vst v1;
	v1 =	vimm.s32 $0x66256423  }
0x2c: {  	v1 =	vunpack.c.0.s8.s32 v1  }
0x2d: {  	v2 =	vimm.s32 $0x67266524  }
0x2e: {  	[tilespmem:$0x1FA70] =	vst v1;
	v1 =	vunpack.c.0.s8.s32 v2;
	_ =	sdelay $0x1  }
0x2f: {  	[tilespmem:$0x1FA80] =	vst v1;
	v1 =	vimm.s32 $0x68276625  }
0x30: {  	v1 =	vunpack.c.0.s8.s32 v1;
	_ =	sdelay $0x1  }
0x31: {  	[tilespmem:$0x1FA90] =	vst v1;
	v1 =	vimm.s32 $0x69286726  }
0x32: {  	v1 =	vunpack.c.0.s8.s32 v1  }
0x33: {  	v2 =	vimm.s32 $0x6A296827  }
0x34: {  	[tilespmem:$0x1FAA0] =	vst v1;
	v1 =	vunpack.c.0.s8.s32 v2;
	_ =	sdelay $0x1  }
0x35: {  	[tilespmem:$0x1FAB0] =	vst v1;
	v1 =	vimm.s32 $0x6B2A6928  }
0x36: {  	v1 =	vunpack.c.0.s8.s32 v1;
	_ =	sdelay $0x1  }
0x37: {  	v46 =	vimm.s32 $0x51104F0E;
	[tilespmem:$0x1FAC0] =	vst v1;
	v1 =	vimm.s32 $0x6C2B6A29  }
0x38: {  	v9 =	vimm.s32 $0x4D0C4B0A;
	v11 =	vimm.s32 $0x5211500F;
	v1 =	vunpack.c.0.s8.s32 v1  }
0x39: {  	v9 =	vunpack.c.0.s8.s32 v9;
	v3 =	vimm.s32 $0x56155413;
	[tilespmem:$0x1F8F0] =	vst v8;
	v2 =	vimm.s32 $0x6D2C6B2A  }
0x3a: {  	v54 =	vcombine.low v8, v5;
	v8 =	vunpack.c.0.s8.s32 v46;
	[tilespmem:$0x1FAD0] =	vst v1;
	v1 =	vunpack.c.0.s8.s32 v2  }
0x3b: {  	vm1 =	vcmask $0x2F10;
	v11 =	vunpack.c.0.s8.s32 v11;
	v3 =	vunpack.c.0.s8.s32 v3  }
0x3c: {  	v19 =	vsel vm0, v8, v9;
	v24 =	vsel vm0, v4, v6;
	[tilespmem:$0x1FAE0] =	vst v1;
	v1 =	vimm.s32 $0x6E2D6C2B  }
0x3d: {  	[tilespmem:$0x1F950] =	vst v3;
	v50 =	vsel vm0, v3, v11;
	v3 =	vimm.s32 $0x3020100;
	v1 =	vunpack.c.0.s8.s32 v1  }
0x3e: {  	[tilespmem:$0x1F930] =	vst v4;
	v4 =	vimm.s32 $0x32107654;
	v6 =	vimm.s32 $0x3B3A3938;
	v8 =	vsel vm0, v23, v8  }
0x3f: {  	v3 =	vunpack.c.0.s8.s32 v3;
	v4 =	vunpack.c.l.s4.s8 v4;
	[tilespmem:$0x1FAF0] =	vst v1;
	v1 =	vimm.s32 $0x6F2E6D2C  }
0x40: {  	v6 =	vunpack.c.0.s8.s32 v6;
	v5 =	vimm.s32 $0x3F3E3D3C;
	v1 =	vunpack.c.0.s8.s32 v1  }
0x41: {  	v4 =	vunpack.c.0.s8.s32 v4;
	v62 =	vunpack.c.0.s8.s32 v5;
	v5 =	vimm.s32 $0x37363534  }
0x42: {  	v5 =	vunpack.c.0.s8.s32 v5;
	v2 =	vimm.s32 $0x3F3E3D;
	[tilespmem:$0x1FB00] =	vst v1;
	v1 =	vimm.s32 $0x1003F3E  }
0x43: {  	v61 =	vunpack.c.0.s8.s32 v2;
	v2 =	vimm.s32 $0x201003F;
	v63 =	vunpack.c.0.s8.s32 v1  }
0x44: {  	v1 =	vsel vm0, v3, v62;
	v3 =	vand.u32 $0xF, v4;
	v4 =	vimm.s32 $0x43218765  }
0x45: {  	[tilespmem:$0x1F940] =	vst v23;
	v23 =	vunpack.c.0.s8.s32 v2;
	v2 =	vsel vm0, v6, v5;
	v4 =	vunpack.c.l.s4.s8 v4  }
0x46: {  	v5 =	vimm.s32 $0xB0A0908;
	v56 =	vcombine.low v2, v1;
	v1 =	vsel vm1, v3, v62  }
0x47: {  	v2 =	vunpack.c.0.s8.s32 v5;
	v5 =	vimm.s32 $0xC0B0A09;
	v3 =	vunpack.c.0.s8.s32 v4  }
0x48: {  	vm2 =	vcmask $0x3F30;
	v5 =	vunpack.c.0.s8.s32 v5;
	v4 =	vimm.s32 $0x54329876  }
0x49: {  	v1 =	vsel vm2, v2, v1;
	v4 =	vunpack.c.l.s4.s8 v4;
	v3 =	vand.u32 $0xF, v3  }
0x4a: {  	[tilespmem:$0x1FB30] =	vst v1;
	v1 =	vsel vm1, v3, v61  }
0x4b: {  	[tilespmem:$0x1FB10] =	vst v6;
	v2 =	vunpack.c.0.s8.s32 v4;
	v1 =	vsel vm2, v5, v1  }
0x4c: {  	v6 =	vimm.s32 $0x6543A987;
	[tilespmem:$0x1FB40] =	vst v1;
	v1 =	vimm.s32 $0xD0C0B0A  }
0x4d: {  	v6 =	vunpack.c.l.s4.s8 v6;
	v2 =	vand.u32 $0xF, v2;
	v1 =	vunpack.c.0.s8.s32 v1  }
0x4e: {  	v2 =	vsel vm1, v2, v63  }
0x4f: {  	v3 =	vunpack.c.0.s8.s32 v6;
	v1 =	vsel vm2, v1, v2  }
0x50: {  	v4 =	vimm.s32 $0xE0D0C0B;
	[tilespmem:$0x1FB50] =	vst v1;
	v1 =	vimm.s32 $0x702F6E2D  }
0x51: {  	v4 =	vunpack.c.0.s8.s32 v4;
	v3 =	vand.u32 $0xF, v3;
	v1 =	vunpack.c.0.s8.s32 v1  }
0x52: {  	v2 =	vsel vm1, v3, v23  }
0x53: {  	[tilespmem:$0x1FB60] =	vst v1;
	v1 =	vsel vm2, v4, v2  }
0x54: {  	[tilespmem:$0x1FB70] =	vst v1;
	v1 =	vimm.s32 $0x71306F2E  }
0x55: {  	v1 =	vunpack.c.0.s8.s32 v1;
	_ =	sdelay $0x1  }
0x56: {  	[tilespmem:$0x1FB80] =	vst v1;
	v1 =	vimm.s32 $0x7231702F  }
0x57: {  	v1 =	vunpack.c.0.s8.s32 v1  }
0x58: {  	v2 =	vimm.s32 $0x73327130  }
0x59: {  	[tilespmem:$0x1FB90] =	vst v1;
	v1 =	vunpack.c.0.s8.s32 v2;
	_ =	sdelay $0x1  }
0x5a: {  	[tilespmem:$0x1FBA0] =	vst v1;
	v1 =	vimm.s32 $0x74337231  }
0x5b: {  	v1 =	vunpack.c.0.s8.s32 v1;
	_ =	sdelay $0x1  }
0x5c: {  	[tilespmem:$0x1FBB0] =	vst v1;
	v1 =	vimm.s32 $0x75347332  }
0x5d: {  	v1 =	vunpack.c.0.s8.s32 v1  }
0x5e: {  	v2 =	vimm.s32 $0x76357433  }
0x5f: {  	[tilespmem:$0x1FBC0] =	vst v1;
	v1 =	vunpack.c.0.s8.s32 v2;
	_ =	sdelay $0x1  }
0x60: {  	[tilespmem:$0x1FBD0] =	vst v1;
	v1 =	vimm.s32 $0x77367534  }
0x61: {  	v1 =	vunpack.c.0.s8.s32 v1;
	_ =	sdelay $0x1  }
0x62: {  	[tilespmem:$0x1FBE0] =	vst v1;
	v1 =	vimm.s32 $0x78377635  }
0x63: {  	v1 =	vunpack.c.0.s8.s32 v1  }
0x64: {  	v2 =	vimm.s32 $0x79387736  }
0x65: {  	[tilespmem:$0x1FBF0] =	vst v1;
	v1 =	vunpack.c.0.s8.s32 v2;
	_ =	sdelay $0x1  }
0x66: {  	[tilespmem:$0x1FC00] =	vst v1;
	v1 =	vimm.s32 $0x7A397837  }
0x67: {  	v1 =	vunpack.c.0.s8.s32 v1;
	_ =	sdelay $0x1  }
0x68: {  	[tilespmem:$0x1FC10] =	vst v1;
	v1 =	vimm.s32 $0x7B3A7938  }
0x69: {  	v1 =	vunpack.c.0.s8.s32 v1  }
0x6a: {  	v2 =	vimm.s32 $0x34333231  }
0x6b: {  	[tilespmem:$0x1FC20] =	vst v1;
	v1 =	vunpack.c.0.s8.s32 v2;
	v2 =	vimm.s32 $0x38373635  }
0x6c: {  	v4 =	vunpack.c.0.s8.s32 v2;
	v2 =	vimm.s32 $0x7C3B7A39  }
0x6d: {  	v2 =	vunpack.c.0.s8.s32 v2  }
0x6e: {  	v3 =	vimm.s32 $0x7D3C7B3A  }
0x6f: {  	v1 =	vsel vm0, v4, v1;
	[tilespmem:$0x1FC30] =	vst v2;
	v2 =	vunpack.c.0.s8.s32 v3  }
0x70: {  	[tilespmem:$0x1FC70] =	vst v1;
	v1 =	vimm.s32 $0x3C3B3A39  }
0x71: {  	v1 =	vunpack.c.0.s8.s32 v1;
	[tilespmem:$0x1FC40] =	vst v2;
	v2 =	vimm.s32 $0x7E3D7C3B  }
0x72: {  	v2 =	vunpack.c.0.s8.s32 v2  }
0x73: {  	[tilespmem:$0x1FC80] =	vst v1  }
0x74: {  	v1 =	vimm.s32 $0x35343332;
	[tilespmem:$0x1FC50] =	vst v2;
	v2 =	vimm.s32 $0x39383736  }
0x75: {  	v3 =	vimm.s32 $0x3A393837;
	v1 =	vunpack.c.0.s8.s32 v1;
	v5 =	vunpack.c.0.s8.s32 v2  }
0x76: {  	[tilespmem:$0x1FC60] =	vst v4;
	v4 =	vimm.s32 $0x4030201;
	v6 =	vunpack.c.0.s8.s32 v3  }
0x77: {  	v3 =	vunpack.c.0.s8.s32 v4;
	v4 =	vimm.s32 $0x3D3C3B3A;
	v1 =	vsel vm0, v5, v1  }
0x78: {  	[tilespmem:$0x1FCA0] =	vst v1;
	v1 =	vunpack.c.0.s8.s32 v4;
	_ =	sdelay $0x1  }
0x79: {  	[tilespmem:$0x1FCB0] =	vst v1;
	v1 =	vimm.s32 $0x3E3D3C3B  }
0x7a: {  	v2 =	vimm.s32 $0x36353433;
	v1 =	vunpack.c.0.s8.s32 v1  }
0x7b: {  	v2 =	vunpack.c.0.s8.s32 v2  }
0x7c: {  	v10 =	vimm.s32 $0x45044302;
	v13 =	vimm.s32 $0x46054403;
	[tilespmem:$0x1FCE0] =	vst v1;
	v1 =	vsel vm0, v3, v61  }
0x7d: {  	v17 =	vunpack.c.0.s8.s32 v10;
	v2 =	vsel vm0, v6, v2;
	[tilespmem:$0x1FD00] =	vst v1;
	v1 =	vimm.s32 $0x5040302  }
0x7e: {  	v18 =	vunpack.c.0.s8.s32 v13;
	[tilespmem:$0x1FCD0] =	vst v2;
	v2 =	vimm.s32 $0x87654321;
	v1 =	vunpack.c.0.s8.s32 v1  }
0x7f: {  	[tilespmem:$0x1F910] =	vst v17;
	v2 =	vunpack.c.l.s4.s8 v2;
	v3 =	vimm.s32 $0x98765432  }
0x80: {  	[tilespmem:$0x1F920] =	vst v18;
	v3 =	vunpack.c.l.s4.s8 v3;
	v1 =	vsel vm0, v1, v63  }
0x81: {  	[tilespmem:$0x1FD20] =	vst v1;
	v1 =	vunpack.c.0.s8.s32 v2  }
0x82: {  	[tilespmem:$0x1FB20] =	vst v62;
	v2 =	vunpack.c.0.s8.s32 v3  }
0x83: {  	[tilespmem:$0x1FC90] =	vst v5;
	v4 =	vimm.s32 $0x6050403;
	v1 =	vand.u32 $0xF, v1  }
0x84: {  	v4 =	vunpack.c.0.s8.s32 v4;
	[tilespmem:$0x1FD60] =	vst v1;
	v1 =	vand.u32 $0xF, v2  }
0x85: {  	v5 =	vimm.s32 $0x76543210;
	[tilespmem:$0x1FD70] =	vst v1;
	v1 =	vimm.s32 $0x7F3E7D3C  }
0x86: {  	[tilespmem:$0x1FCC0] =	vst v6;
	v5 =	vunpack.c.l.s4.s8 v5;
	v3 =	vsel vm0, v4, v23;
	v1 =	vunpack.c.0.s8.s32 v1  }
0x87: {  	v6 =	vimm.s32 $0xA9876543;
	[tilespmem:$0x1FD40] =	vst v3  }
0x88: {  	v6 =	vunpack.c.l.s4.s8 v6;
	v3 =	vunpack.c.0.s8.s32 v5;
	[tilespmem:$0x1FD90] =	vst v1;
	v1 =	vimm.s32 $0x403F7E3D  }
0x89: {  	[tilespmem:$0x1FCF0] =	vst v61;
	v1 =	vunpack.c.0.s8.s32 v1  }
0x8a: {  	[tilespmem:$0x1FD50] =	vst v3;
	v3 =	vunpack.c.0.s8.s32 v6  }
0x8b: {  	[tilespmem:$0x1FDA0] =	vst v1;
	v1 =	vimm.s32 $0x41007F3E  }
0x8c: {  	[tilespmem:$0x1FD30] =	vst v23;
	v2 =	vand.u32 $0xF, v3;
	v1 =	vunpack.c.0.s8.s32 v1  }
0x8d: {  	s0 =	rddreg [dreg:$0x0];
	[tilespmem:$0x1FD80] =	vst v2;
	v2 =	vimm.s32 $0x4201403F  }
0x8e: {  	s4 =	rddreg [dreg:$0x1];
	[tilespmem:$0x1FDB0] =	vst v1;
	v1 =	vunpack.c.0.s8.s32 v2  }
0x8f: {  	s5 =	rddreg [dreg:$0x2];
	s3 =	simm.s32 $0x0;
	[tilespmem:$0x1FD10] =	vst v63  }
0x90: {  	v47 =	vimm.s32 $0x49084706;
	[smem:$0x7FF] =	sst s3;
	[tilespmem:$0x1FDC0] =	vst v1  }
0x91: {  	v12 =	vimm.s32 $0x4E0D4C0B;
	s1 =	rddreg [dreg:$0x3];
	v10 =	vunpack.c.0.s8.s32 v47;
	_ =	strace $0x80000047;
	[tilespmem:$0x1FDD0] =	vst v15  }
0x92: {  	v12 =	vunpack.c.0.s8.s32 v12;
	[tilespmem:$0x1FDE0] =	vst v16  }
0x93: {  	v17 =	vsel vm0, v10, v17;
	[tilespmem:$0x1FDF0] =	vst v19  }
0x94: {  	v20 =	vsel vm0, v11, v12;
	[tilespmem:$0x1FE00] =	vst v17  }
0x95: {  	v18 =	vsel vm0, v48, v18;
	[tilespmem:$0x1FE20] =	vst v20  }
0x96: {  	[tilespmem:$0x1FE30] =	vst v18  }
0x97: {  	[tilespmem:$0x1FE60] =	vst v21  }
0x98: {  	[tilespmem:$0x1FE70] =	vst v22  }
0x99: {  	[tilespmem:$0x1FE90] =	vst v24  }
0x9a: {  	[tilespmem:$0x1FEA0] =	vst v7  }
0x9b: {  	v9 =	vsel vm0, v9, v10;
	[tilespmem:$0x1FED0] =	vst v8  }
0x9c: {  	[tilespmem:$0x1FEE0] =	vst v9  }
0x9d: {  	v60 =	vsel vm0, v12, v48;
	[tilespmem:$0x1FF00] =	vst v50  }
0x9e: {  	v4 =	vadd.s32 $0x1, v0;
	[tilespmem:$0x1FF10] =	vst v60  }
0x9f: {  	v3 =	vadd.s32 $0x2, v0;
	[tilespmem:$0x1FF30] =	vst v4  }
0xa0: {  	v23 =	vadd.s32 $0x3, v0;
	[tilespmem:$0x1FF40] =	vst v3  }
0xa1: {  	v25 =	vadd.s32 $0x4, v0;
	[tilespmem:$0x1FF50] =	vst v23  }
0xa2: {  	v26 =	vadd.s32 $0x5, v0;
	[tilespmem:$0x1FF60] =	vst v25  }
0xa3: {  	v27 =	vadd.s32 $0x6, v0;
	[tilespmem:$0x1FF70] =	vst v26  }
0xa4: {  	v28 =	vadd.s32 $0x7, v0;
	[tilespmem:$0x1FF80] =	vst v27  }
0xa5: {  	v29 =	vadd.s32 $0x8, v0;
	v1 =	vcombine.low v17, v19;
	[tilespmem:$0x1FF90] =	vst v28  }
0xa6: {  	[tilespmem:$0x1FFA0] =	vst v29  }
0xa7: {  	v30 =	vadd.s32 $0x9, v0;
	[tilespmem:$0x1FE10] =	vst v1;
	v1 =	vcombine.low v18, v20  }
0xa8: {  	[tilespmem:$0x1FFB0] =	vst v30  }
0xa9: {  	[tilespmem:$0x1FE40] =	vst v1;
	v1 =	vadd.s32 $0xE, v0  }
0xaa: {  	v31 =	vadd.s32 $0xA, v0;
	[tilespmem:$0x1FE50] =	vst v1;
	v1 =	vcombine.low v22, v21  }
0xab: {  	[tilespmem:$0x1FFC0] =	vst v31  }
0xac: {  	v32 =	vadd.s32 $0xB, v0;
	[tilespmem:$0x1FE80] =	vst v1;
	v1 =	vcombine.low v7, v24  }
0xad: {  	s6 =	srdreg.scid;
	[tilespmem:$0x1FFD0] =	vst v32  }
0xae: {  	s2 =	stileid.u32;
	s10 =	simm.s32 $0x1;
	s6 =	sand.u32 $0x1, s6;
	[tilespmem:$0x1FEB0] =	vst v1;
	v1 =	vadd.s32 $0xF, v0  }
0xaf: {  	s7 =	sshll.u32 s2, $0xF;
	v57 =	vadd.s32 $0xD, v0;
	s8 =	sshll.u32 s6, $0xE;
	s6 =	ssub.s32 $0x2, s6;
	[tilespmem:$0x1FEC0] =	vst v1;
	v1 =	vcombine.low v9, v8  }
0xb0: {  	s11 =	simm.s32 $0x0;
	s7 =	sor.u32 s8, s7;
	s31 =	sshrl.u32 s6, $0x1;
	[tilespmem:$0x1FFE0] =	vst v57  }
0xb1: {  	v52 =	vadd.s32 $0xC, v0;
	s8 =	simm.s32 $0x8290;
	s9 =	sshrl.u32 s7, $0x3;
	s7 =	sshll.u32 s7, $0x3;
	[tilespmem:$0x1FEF0] =	vst v1;
	v1 =	vcombine.low v60, v50  }
0xb2: {  	s6 =	ssub.s32 s6, s31;
	s4 =	sadd.s32 s4, s9;
	s5 =	sadd.s32 s5, s7;
	[tilespmem:$0x1FFF0] =	vst v52  }
0xb3: {  	s6 =	smax.u32 s6, $0x1;
	s7 =	simm.s32 $0x2;
	s9 =	simm.s32 $0x10290;
	v55 =	vcombine.low v16, v15;
	[tilespmem:$0x1FF20] =	vst v1  }
.LBB2_1:
0xb4: {  	[tilespmem:s3], [sflag:$0x2] =	stream.linear.gather [hbm4b:s0+s3], $0x4290, $0x38;
	[tilespmem:$0x18290] =	vst v63  }
0xb5: {  	_ =	swait.ge [sflag:s7], $0x4290  }
0xb6: {  	[sflag:s7] =	ssyncset.done $0x0  }
0xb7: {  	s12 =	simm.s32 $0x4290;
	[sflag:s7] =	ssyncadd.s32 $0xFFFFBD70  }
0xb8: {  	[tilespmem:s12], [sflag:$0x2] =	stream.linear.gather [hbm4b:s4+s3], $0x4000, $0x38;
	[tilespmem:$0x18290] =	vst v63  }
0xb9: {  	_ =	swait.ge [sflag:s7], $0x4000  }
0xba: {  	[sflag:s7] =	ssyncset.done $0x0  }
0xbb: {  	s13 =	simm.s32 $0x4490;
	s14 =	simm.s32 $0x0;
	[sflag:s7] =	ssyncadd.s32 $0xFFFFC000  }
.LBB2_2:
0xbc: {  	s15 =	simm.s32 $0x0;
	s16 =	smov.u32 s12;
	v0 =	vlaneseq.u32  }
.LBB2_3:
0xbd: {  	v1 =	vld [tilespmem:s16+$0x0];
	_ =	sdelay $0x4  }
0xbe: {  	v63 =	vmul.u32 $0x41, v1;
	_ =	sdelay $0x1  }
0xbf: {  	v16 =	vld [tilespmem:$0x1FE50];
	v1 =	vadd.s32 v0, v63  }
0xc0: {  	v17 =	vld [tilespmem:$0x1FEC0];
	v2 =	vadd.s32 v4, v63  }
0xc1: {  	v19 =	vld [tilespmem:$0x1FE10];
	v3 =	vadd.s32 v3, v63  }
0xc2: {  	v20 =	vld [tilespmem:$0x1FE40];
	v4 =	vadd.s32 v23, v63  }
0xc3: {  	v21 =	vld [tilespmem:$0x1FE80];
	v5 =	vadd.s32 v25, v63  }
0xc4: {  	v6 =	vadd.s32 v26, v63;
	v1 =	vld.idx.msk [tilespmem:v1+s3+$0x0], $0xffff  }
0xc5: {  	v7 =	vadd.s32 v27, v63;
	v2 =	vld.idx.msk [tilespmem:v2+s3+$0x0], $0xffff  }
0xc6: {  	v8 =	vadd.s32 v28, v63;
	v3 =	vld.idx.msk [tilespmem:v3+s3+$0x0], $0xffff  }
0xc7: {  	v9 =	vadd.s32 v29, v63;
	v4 =	vld.idx.msk [tilespmem:v4+s3+$0x0], $0xffff  }
0xc8: {  	v10 =	vadd.s32 v30, v63;
	v5 =	vld.idx.msk [tilespmem:v5+s3+$0x0], $0xffff  }
0xc9: {  	v11 =	vadd.s32 v31, v63;
	v6 =	vld.idx.msk [tilespmem:v6+s3+$0x0], $0xffff  }
0xca: {  	v12 =	vadd.s32 v32, v63;
	v7 =	vld.idx.msk [tilespmem:v7+s3+$0x0], $0xffff  }
0xcb: {  	v13 =	vadd.s32 v52, v63;
	v8 =	vld.idx.msk [tilespmem:v8+s3+$0x0], $0xffff  }
0xcc: {  	v14 =	vmov s15;
	v15 =	vadd.s32 v57, v63;
	v9 =	vld.idx.msk [tilespmem:v9+s3+$0x0], $0xffff  }
0xcd: {  	v14 =	vshll.u32 v14, $0x7;
	v16 =	vadd.s32 v16, v63;
	v10 =	vld.idx.msk [tilespmem:v10+s3+$0x0], $0xffff  }
0xce: {  	v17 =	vadd.s32 v17, v63;
	v57 =	vor.u32 v53, v14;
	v11 =	vld.idx.msk [tilespmem:v11+s3+$0x0], $0xffff  }
0xcf: {  	v14 =	vor.u32 v54, v57;
	v12 =	vld.idx.msk [tilespmem:v12+s3+$0x0], $0xffff  }
0xd0: {  	v18 =	vor.u32 v55, v57;
	v13 =	vld.idx.msk [tilespmem:v13+s3+$0x0], $0xffff  }
0xd1: {  	v15 =	vld.idx.msk [tilespmem:v15+s3+$0x0], $0xffff  }
0xd2: {  	v16 =	vld.idx.msk [tilespmem:v16+s3+$0x0], $0xffff  }
0xd3: {  	v17 =	vld.idx.msk [tilespmem:v17+s3+$0x0], $0xffff  }
0xd4: {  	[tilespmem:v14+s8+$0x0] =	vst.idx.msk $0xffff, v1;
	v1 =	vld [tilespmem:$0x1FEB0]  }
0xd5: {  	[tilespmem:v18+s8+$0x0] =	vst.idx.msk $0xffff, v2;
	v2 =	vld [tilespmem:$0x1FEF0]  }
0xd6: {  	v19 =	vor.u32 v19, v57  }
0xd7: {  	v20 =	vor.u32 v20, v57  }
0xd8: {  	v21 =	vor.u32 v21, v57  }
0xd9: {  	v1 =	vor.u32 v1, v57  }
0xda: {  	v2 =	vor.u32 v2, v57  }
0xdb: {  	[tilespmem:v19+s8+$0x0] =	vst.idx.msk $0xffff, v3  }
0xdc: {  	[tilespmem:v20+s8+$0x0] =	vst.idx.msk $0xffff, v4  }
0xdd: {  	v18 =	vld [tilespmem:$0x1F990];
	[tilespmem:v21+s8+$0x0] =	vst.idx.msk $0xffff, v5  }
0xde: {  	[tilespmem:v1+s8+$0x0] =	vst.idx.msk $0xffff, v6;
	v1 =	vld [tilespmem:$0x1F930]  }
0xdf: {  	[tilespmem:v2+s8+$0x0] =	vst.idx.msk $0xffff, v7;
	v2 =	vld [tilespmem:$0x1FDD0];
	_ =	sdelay $0x2  }
0xe0: {  	v3 =	vld [tilespmem:$0x1FF20]  }
0xe1: {  	v20 =	vld [tilespmem:$0x1F9A0];
	v1 =	vsel vm0, v18, v1  }
0xe2: {  	v5 =	vcombine.low v2, v1;
	v2 =	vld [tilespmem:$0x1F940]  }
0xe3: {  	v4 =	vld [tilespmem:$0x1FDF0];
	_ =	sdelay $0x1  }
0xe4: {  	v3 =	vor.u32 v3, v57;
	_ =	sdelay $0x1  }
0xe5: {  	v23 =	vld [tilespmem:$0x1F9B0];
	v2 =	vsel vm0, v20, v2  }
0xe6: {  	v7 =	vcombine.low v4, v2;
	v4 =	vld [tilespmem:$0x1F950]  }
0xe7: {  	v6 =	vld [tilespmem:$0x1FE20]  }
0xe8: {  	[tilespmem:v3+s8+$0x0] =	vst.idx.msk $0xffff, v8;
	v3 =	vld [tilespmem:$0x1F980];
	_ =	sdelay $0x1  }
0xe9: {  	v24 =	vld [tilespmem:$0x1F9C0]  }
0xea: {  	v26 =	vld [tilespmem:$0x1F9D0];
	v4 =	vsel vm0, v23, v4  }
0xeb: {  	v14 =	vcombine.low v6, v4;
	v6 =	vld [tilespmem:$0x1F960]  }
0xec: {  	v8 =	vld [tilespmem:$0x1FE60];
	v3 =	vor.u32 v3, v57  }
0xed: {  	[tilespmem:$0x1F4E0] =	vst v5;
	v5 =	vor.u32 v5, v57  }
0xee: {  	v25 =	vadd.s32 $0x1F, v0  }
0xef: {  	[tilespmem:$0x1F640] =	vst v25  }
0xf0: {  	v29 =	vld [tilespmem:$0x1F9E0];
	[tilespmem:$0x1F4F0] =	vst v7;
	v7 =	vor.u32 v7, v57;
	v6 =	vsel vm0, v24, v6  }
0xf1: {  	[tilespmem:v3+s8+$0x0] =	vst.idx.msk $0xffff, v9;
	v19 =	vcombine.low v8, v6;
	v8 =	vsel vm0, v26, v18;
	v18 =	vld [tilespmem:$0x1FE90]  }
0xf2: {  	[tilespmem:v5+s8+$0x0] =	vst.idx.msk $0xffff, v10  }
0xf3: {  	v10 =	vadd.s32 $0x11, v0;
	[tilespmem:$0x1F500] =	vst v14;
	v14 =	vor.u32 v14, v57  }
0xf4: {  	[tilespmem:$0x1F560] =	vst v10  }
0xf5: {  	v30 =	vld [tilespmem:$0x1F9F0];
	[tilespmem:v7+s8+$0x0] =	vst.idx.msk $0xffff, v11;
	v11 =	vadd.s32 $0x12, v0  }
0xf6: {  	[tilespmem:$0x1F570] =	vst v11;
	v21 =	vcombine.low v18, v8;
	v18 =	vsel vm0, v29, v20;
	v20 =	vld [tilespmem:$0x1FED0]  }
0xf7: {  	v9 =	vld [tilespmem:$0x1FF00];
	[tilespmem:$0x1F510] =	vst v19;
	v19 =	vor.u32 v19, v57  }
0xf8: {  	[tilespmem:v14+s8+$0x0] =	vst.idx.msk $0xffff, v12;
	v12 =	vadd.s32 $0x16, v0  }
0xf9: {  	v14 =	vadd.s32 $0x18, v0;
	[tilespmem:$0x1F5B0] =	vst v12  }
0xfa: {  	[tilespmem:$0x1F5D0] =	vst v14  }
0xfb: {  	v59 =	vld [tilespmem:$0x1FA10];
	[tilespmem:$0x1F520] =	vst v21;
	v22 =	vcombine.low v20, v18;
	v20 =	vsel vm0, v30, v23  }
0xfc: {  	v33 =	vld [tilespmem:$0x1FA20];
	v3 =	vor.u32 v21, v57;
	[tilespmem:v19+s8+$0x0] =	vst.idx.msk $0xffff, v13;
	v13 =	vadd.s32 $0x17, v0;
	v9 =	vcombine.low v9, v20  }
0xfd: {  	v34 =	vld [tilespmem:$0x1FA30];
	[tilespmem:$0x1F5C0] =	vst v13;
	v5 =	vor.u32 v22, v57  }
0xfe: {  	v31 =	vld [tilespmem:$0x1FA00];
	[tilespmem:$0x1F540] =	vst v9;
	v7 =	vor.u32 v9, v57;
	v9 =	vor.u32 $0x10, v0  }
0xff: {  	v35 =	vld [tilespmem:$0x1FA40];
	v19 =	vadd.s32 $0x1C, v0;
	[tilespmem:$0x1F550] =	vst v9;
	v9 =	vadd.s32 v9, v63  }
0x100: {  	v36 =	vld [tilespmem:$0x1FA50];
	v10 =	vadd.s32 v10, v63;
	[tilespmem:$0x1F610] =	vst v19  }
0x101: {  	v37 =	vld [tilespmem:$0x1FA60];
	[tilespmem:v3+s8+$0x0] =	vst.idx.msk $0xffff, v15;
	v3 =	vadd.s32 v11, v63  }
0x102: {  	v60 =	vld [tilespmem:$0x1FA70];
	v12 =	vadd.s32 v12, v63;
	[tilespmem:v5+s8+$0x0] =	vst.idx.msk $0xffff, v16  }
0x103: {  	v13 =	vadd.s32 v13, v63;
	v23 =	vsel vm0, v31, v24;
	v24 =	vld [tilespmem:$0x1F970];
	[tilespmem:v7+s8+$0x0] =	vst.idx.msk $0xffff, v17  }
0x104: {  	v14 =	vadd.s32 v14, v63;
	[tilespmem:$0x1F530] =	vst v22;
	v15 =	vadd.s32 $0x19, v0;
	v9 =	vld.idx.msk [tilespmem:v9+s3+$0x0], $0xffff  }
0x105: {  	v22 =	vadd.s32 $0x1E, v0;
	[tilespmem:$0x1F5E0] =	vst v15;
	v15 =	vadd.s32 v15, v63;
	v10 =	vld.idx.msk [tilespmem:v10+s3+$0x0], $0xffff  }
0x106: {  	v21 =	vadd.s32 $0x1D, v0;
	v11 =	vadd.s32 $0x13, v0;
	[tilespmem:$0x1F630] =	vst v22;
	v22 =	vadd.s32 v22, v63;
	v3 =	vld.idx.msk [tilespmem:v3+s3+$0x0], $0xffff  }
0x107: {  	v19 =	vadd.s32 v19, v63;
	[tilespmem:$0x1F580] =	vst v11;
	v5 =	vadd.s32 v11, v63;
	v11 =	vadd.s32 $0x14, v0;
	v12 =	vld.idx.msk [tilespmem:v12+s3+$0x0], $0xffff  }
0x108: {  	[tilespmem:$0x1F620] =	vst v21;
	v27 =	vcombine.low v24, v23;
	v7 =	vadd.s32 v11, v63;
	v17 =	vadd.s32 $0x1B, v0;
	v13 =	vld.idx.msk [tilespmem:v13+s3+$0x0], $0xffff  }
0x109: {  	v24 =	vsel vm0, v59, v26;
	[tilespmem:$0x1F600] =	vst v17;
	v17 =	vadd.s32 v17, v63;
	v14 =	vld.idx.msk [tilespmem:v14+s3+$0x0], $0xffff  }
0x10a: {  	v28 =	vcombine.low v1, v24;
	v1 =	vsel vm0, v33, v29;
	[tilespmem:$0x1F650] =	vst v27;
	v15 =	vld.idx.msk [tilespmem:v15+s3+$0x0], $0xffff  }
0x10b: {  	v21 =	vadd.s32 v21, v63;
	v16 =	vadd.s32 $0x1A, v0;
	v29 =	vcombine.low v2, v1;
	[tilespmem:$0x1F590] =	vst v11;
	v22 =	vld.idx.msk [tilespmem:v22+s3+$0x0], $0xffff  }
0x10c: {  	v2 =	vsel vm0, v34, v30;
	[tilespmem:$0x1F5F0] =	vst v16;
	v16 =	vadd.s32 v16, v63;
	v5 =	vld.idx.msk [tilespmem:v5+s3+$0x0], $0xffff  }
0x10d: {  	v25 =	vadd.s32 v25, v63;
	v11 =	vadd.s32 $0x15, v0;
	[tilespmem:$0x1F660] =	vst v28;
	v30 =	vcombine.low v4, v2;
	v7 =	vld.idx.msk [tilespmem:v7+s3+$0x0], $0xffff  }
0x10e: {  	[tilespmem:$0x1F5A0] =	vst v11;
	v11 =	vadd.s32 v11, v63;
	v26 =	vld.idx.msk [tilespmem:v17+s3+$0x0], $0xffff;
	v17 =	vor.u32 v27, v57  }
0x10f: {  	v4 =	vsel vm0, v35, v31;
	[tilespmem:$0x1F670] =	vst v29;
	v27 =	vld.idx.msk [tilespmem:v19+s3+$0x0], $0xffff;
	v19 =	vor.u32 v28, v57  }
0x110: {  	v31 =	vcombine.low v6, v4;
	v6 =	vsel vm0, v36, v59;
	v28 =	vld.idx.msk [tilespmem:v21+s3+$0x0], $0xffff;
	v21 =	vor.u32 v29, v57  }
0x111: {  	[tilespmem:$0x1F680] =	vst v30;
	v32 =	vcombine.low v8, v6;
	v8 =	vsel vm0, v37, v33;
	v16 =	vld.idx.msk [tilespmem:v16+s3+$0x0], $0xffff  }
0x112: {  	[tilespmem:$0x1F690] =	vst v31;
	v29 =	vor.u32 v30, v57;
	v30 =	vld.idx.msk [tilespmem:v25+s3+$0x0], $0xffff;
	v25 =	vor.u32 v31, v57  }
0x113: {  	v11 =	vld.idx.msk [tilespmem:v11+s3+$0x0], $0xffff;
	v31 =	vcombine.low v18, v8;
	v18 =	vsel vm0, v60, v34;
	[tilespmem:v17+s8+$0x0] =	vst.idx.msk $0xffff, v9  }
0x114: {  	v17 =	vcombine.low v20, v18;
	[tilespmem:v19+s8+$0x0] =	vst.idx.msk $0xffff, v10  }
0x115: {  	v9 =	vor.u32 v32, v57;
	v20 =	vld [tilespmem:$0x1FAA0];
	[tilespmem:v21+s8+$0x0] =	vst.idx.msk $0xffff, v3  }
0x116: {  	v10 =	vor.u32 v31, v57;
	[tilespmem:$0x1F6C0] =	vst v17;
	v3 =	vor.u32 v17, v57;
	v17 =	vld [tilespmem:$0x1FA80]  }
0x117: {  	v19 =	vld [tilespmem:$0x1FA90]  }
0x118: {  	[tilespmem:v29+s8+$0x0] =	vst.idx.msk $0xffff, v5  }
0x119: {  	[tilespmem:v25+s8+$0x0] =	vst.idx.msk $0xffff, v7  }
0x11a: {  	[tilespmem:v9+s8+$0x0] =	vst.idx.msk $0xffff, v11  }
0x11b: {  	v29 =	vld [tilespmem:$0x1FAD0];
	v9 =	vsel vm0, v20, v37;
	[tilespmem:v10+s8+$0x0] =	vst.idx.msk $0xffff, v12;
	v5 =	vsel vm0, v17, v35  }
0x11c: {  	v7 =	vsel vm0, v19, v36;
	v12 =	vcombine.low v1, v9;
	v10 =	vcombine.low v23, v5;
	v23 =	vld [tilespmem:$0x1FAB0]  }
0x11d: {  	[tilespmem:v3+s8+$0x0] =	vst.idx.msk $0xffff, v13;
	v11 =	vcombine.low v24, v7  }
0x11e: {  	v25 =	vld [tilespmem:$0x1FAC0];
	[tilespmem:$0x1F6F0] =	vst v12;
	v3 =	vor.u32 v10, v57  }
0x11f: {  	[tilespmem:$0x1F6E0] =	vst v11  }
0x120: {  	[tilespmem:$0x1F6D0] =	vst v10;
	v10 =	vor.u32 v11, v57;
	v11 =	vor.u32 v12, v57;
	v12 =	vsel vm0, v29, v19;
	v19 =	vld [tilespmem:$0x1FAE0]  }
0x121: {  	v1 =	vsel vm0, v23, v60  }
0x122: {  	[tilespmem:$0x1F6B0] =	vst v31;
	v13 =	vcombine.low v2, v1  }
0x123: {  	v2 =	vsel vm0, v25, v17;
	[tilespmem:v3+s8+$0x0] =	vst.idx.msk $0xffff, v14  }
0x124: {  	v17 =	vcombine.low v4, v2;
	[tilespmem:$0x1F700] =	vst v13;
	v4 =	vor.u32 v13, v57  }
0x125: {  	v13 =	vcombine.low v6, v12;
	v6 =	vsel vm0, v19, v20;
	v20 =	vld [tilespmem:$0x1FAF0];
	[tilespmem:v10+s8+$0x0] =	vst.idx.msk $0xffff, v15  }
0x126: {  	[tilespmem:$0x1F710] =	vst v17;
	v21 =	vor.u32 v17, v57  }
0x127: {  	v17 =	vcombine.low v8, v6;
	[tilespmem:v11+s8+$0x0] =	vst.idx.msk $0xffff, v16;
	v3 =	vor.u32 v13, v57  }
0x128: {  	[tilespmem:$0x1F720] =	vst v13  }
0x129: {  	[tilespmem:$0x1F730] =	vst v17;
	v10 =	vor.u32 v17, v57  }
0x12a: {  	v8 =	vsel vm0, v20, v23;
	[tilespmem:v4+s8+$0x0] =	vst.idx.msk $0xffff, v26  }
0x12b: {  	v13 =	vcombine.low v18, v8;
	[tilespmem:v21+s8+$0x0] =	vst.idx.msk $0xffff, v27  }
0x12c: {  	[tilespmem:v3+s8+$0x0] =	vst.idx.msk $0xffff, v28  }
0x12d: {  	[tilespmem:$0x1F740] =	vst v13  }
0x12e: {  	v11 =	vor.u32 v13, v57;
	v13 =	vor.u32 $0x20, v0;
	[tilespmem:v10+s8+$0x0] =	vst.idx.msk $0xffff, v22  }
0x12f: {  	[tilespmem:$0x1F750] =	vst v13;
	v4 =	vadd.s32 v13, v63;
	v13 =	vadd.s32 $0x21, v0  }
0x130: {  	[tilespmem:$0x1F760] =	vst v13;
	v14 =	vadd.s32 v13, v63;
	v13 =	vadd.s32 $0x22, v0  }
0x131: {  	v23 =	vld [tilespmem:$0x1FB80];
	[tilespmem:$0x1F770] =	vst v13;
	v3 =	vadd.s32 v13, v63;
	v13 =	vadd.s32 $0x23, v0  }
0x132: {  	v21 =	vld [tilespmem:$0x1FB60];
	[tilespmem:$0x1F780] =	vst v13  }
0x133: {  	v10 =	vadd.s32 v13, v63;
	v13 =	vadd.s32 $0x24, v0;
	[tilespmem:v11+s8+$0x0] =	vst.idx.msk $0xffff, v30  }
0x134: {  	v17 =	vld [tilespmem:$0x1FB00];
	[tilespmem:$0x1F790] =	vst v13;
	v11 =	vadd.s32 v13, v63;
	v13 =	vadd.s32 $0x25, v0  }
0x135: {  	v15 =	vld.idx.msk [tilespmem:v4+s3+$0x0], $0xffff;
	[tilespmem:$0x1F7A0] =	vst v13;
	v4 =	vadd.s32 v13, v63;
	v13 =	vadd.s32 $0x26, v0  }
0x136: {  	v41 =	vsel vm0, v23, v19;
	v19 =	vld [tilespmem:$0x1FB90];
	[tilespmem:$0x1F7B0] =	vst v13;
	v16 =	vadd.s32 v13, v63;
	v13 =	vadd.s32 $0x27, v0  }
0x137: {  	v40 =	vsel vm0, v21, v29;
	v18 =	vld.idx.msk [tilespmem:v3+s3+$0x0], $0xffff;
	[tilespmem:$0x1F7C0] =	vst v13;
	v22 =	vadd.s32 v13, v63;
	v3 =	vadd.s32 $0x28, v0  }
0x138: {  	v13 =	vcombine.low v7, v40;
	[tilespmem:$0x1F7D0] =	vst v3;
	v24 =	vadd.s32 v3, v63;
	v3 =	vadd.s32 $0x29, v0  }
0x139: {  	[tilespmem:$0x1F7E0] =	vst v3  }
0x13a: {  	v38 =	vsel vm0, v17, v25;
	v14 =	vld.idx.msk [tilespmem:v14+s3+$0x0], $0xffff;
	v30 =	vadd.s32 v3, v63;
	v3 =	vadd.s32 $0x2A, v0;
	[tilespmem:$0x1F860] =	vst v13  }
0x13b: {  	v42 =	vsel vm0, v19, v20;
	v20 =	vld [tilespmem:$0x1FBA0];
	[tilespmem:$0x1F7F0] =	vst v3;
	v31 =	vadd.s32 v3, v63;
	v3 =	vadd.s32 $0x2B, v0  }
0x13c: {  	v39 =	vld.idx.msk [tilespmem:v4+s3+$0x0], $0xffff;
	v4 =	vcombine.low v5, v38;
	[tilespmem:$0x1F800] =	vst v3;
	v61 =	vadd.s32 v3, v63;
	v3 =	vadd.s32 $0x2C, v0  }
0x13d: {  	v10 =	vld.idx.msk [tilespmem:v10+s3+$0x0], $0xffff;
	[tilespmem:$0x1F810] =	vst v3  }
0x13e: {  	v11 =	vld.idx.msk [tilespmem:v11+s3+$0x0], $0xffff;
	v62 =	vadd.s32 v3, v63;
	v3 =	vadd.s32 $0x2D, v0;
	[tilespmem:$0x1F850] =	vst v4  }
0x13f: {  	v16 =	vld.idx.msk [tilespmem:v16+s3+$0x0], $0xffff;
	[tilespmem:$0x1F820] =	vst v3;
	v5 =	vadd.s32 v3, v63;
	v3 =	vadd.s32 $0x2E, v0  }
0x140: {  	v43 =	vsel vm0, v20, v17;
	v22 =	vld.idx.msk [tilespmem:v22+s3+$0x0], $0xffff;
	[tilespmem:$0x1F830] =	vst v3;
	v37 =	vadd.s32 v3, v63;
	v3 =	vadd.s32 $0x2F, v0  }
0x141: {  	v17 =	vld [tilespmem:$0x1FBB0];
	[tilespmem:$0x1F840] =	vst v3;
	v7 =	vadd.s32 v3, v63;
	v3 =	vcombine.low v9, v41;
	v9 =	vor.u32 v4, v57  }
0x142: {  	v24 =	vld.idx.msk [tilespmem:v24+s3+$0x0], $0xffff;
	v4 =	vcombine.low v1, v42;
	v1 =	vor.u32 v13, v57;
	v13 =	vcombine.low v2, v43  }
0x143: {  	v45 =	vld.idx.msk [tilespmem:v30+s3+$0x0], $0xffff  }
0x144: {  	[tilespmem:$0x1F890] =	vst v13;
	v50 =	vor.u32 v13, v57;
	v13 =	vld [tilespmem:$0x1FBC0]  }
0x145: {  	v46 =	vld.idx.msk [tilespmem:v31+s3+$0x0], $0xffff  }
0x146: {  	v47 =	vld.idx.msk [tilespmem:v61+s3+$0x0], $0xffff  }
0x147: {  	v48 =	vld.idx.msk [tilespmem:v62+s3+$0x0], $0xffff  }
0x148: {  	v44 =	vsel vm0, v17, v21;
	[tilespmem:$0x1F870] =	vst v3;
	v2 =	vor.u32 v3, v57;
	v5 =	vld.idx.msk [tilespmem:v5+s3+$0x0], $0xffff  }
0x149: {  	v3 =	vcombine.low v12, v44;
	[tilespmem:$0x1F880] =	vst v4;
	v49 =	vld.idx.msk [tilespmem:v37+s3+$0x0], $0xffff;
	v51 =	vsel vm0, v13, v23  }
0x14a: {  	v12 =	vor.u32 v4, v57;
	v7 =	vld.idx.msk [tilespmem:v7+s3+$0x0], $0xffff;
	[tilespmem:v9+s8+$0x0] =	vst.idx.msk $0xffff, v15;
	v4 =	vcombine.low v6, v51  }
0x14b: {  	[tilespmem:v1+s8+$0x0] =	vst.idx.msk $0xffff, v14  }
0x14c: {  	[tilespmem:$0x1F8B0] =	vst v4;
	v1 =	vor.u32 v4, v57;
	v4 =	vld [tilespmem:$0x1FBD0];
	_ =	sdelay $0x1  }
0x14d: {  	v6 =	vor.u32 v3, v57  }
0x14e: {  	[tilespmem:$0x1F8A0] =	vst v3  }
0x14f: {  	[tilespmem:v2+s8+$0x0] =	vst.idx.msk $0xffff, v18  }
0x150: {  	[tilespmem:v12+s8+$0x0] =	vst.idx.msk $0xffff, v10;
	v2 =	vsel vm0, v4, v19  }
0x151: {  	[tilespmem:v50+s8+$0x0] =	vst.idx.msk $0xffff, v11;
	v3 =	vcombine.low v8, v2  }
0x152: {  	[tilespmem:v6+s8+$0x0] =	vst.idx.msk $0xffff, v39  }
0x153: {  	[tilespmem:$0x1F8C0] =	vst v3;
	v6 =	vor.u32 v3, v57;
	v3 =	vld [tilespmem:$0x1FBF0];
	_ =	sdelay $0x4  }
0x154: {  	v9 =	vsel vm0, v3, v17;
	v17 =	vld [tilespmem:$0x1FC00];
	_ =	sdelay $0x1  }
0x155: {  	v14 =	vld [tilespmem:$0x1FBE0];
	_ =	sdelay $0x2  }
0x156: {  	v11 =	vsel vm0, v17, v13;
	v13 =	vld [tilespmem:$0x1FC10];
	_ =	sdelay $0x1  }
0x157: {  	v28 =	vld [tilespmem:$0x1FC30];
	v8 =	vsel vm0, v14, v20  }
0x158: {  	v10 =	vcombine.low v38, v8  }
0x159: {  	v50 =	vcombine.low v40, v9  }
0x15a: {  	[tilespmem:$0x1F8D0] =	vst v10;
	v10 =	vor.u32 v10, v57;
	v60 =	vcombine.low v41, v11;
	v12 =	vsel vm0, v13, v4  }
0x15b: {  	[tilespmem:v1+s8+$0x0] =	vst.idx.msk $0xffff, v16;
	v1 =	vor.u32 v50, v57;
	v61 =	vcombine.low v42, v12  }
0x15c: {  	v16 =	vsel vm0, v28, v3;
	v3 =	vld [tilespmem:$0x1FCF0];
	v15 =	vor.u32 v60, v57  }
0x15d: {  	[tilespmem:v6+s8+$0x0] =	vst.idx.msk $0xffff, v22;
	v4 =	vld [tilespmem:$0x1FC80];
	v6 =	vor.u32 v61, v57  }
0x15e: {  	v27 =	vld [tilespmem:$0x1FC20]  }
0x15f: {  	[tilespmem:v10+s8+$0x0] =	vst.idx.msk $0xffff, v24  }
0x160: {  	[tilespmem:v1+s8+$0x0] =	vst.idx.msk $0xffff, v45  }
0x161: {  	v30 =	vld [tilespmem:$0x1FC50];
	[tilespmem:v15+s8+$0x0] =	vst.idx.msk $0xffff, v46  }
0x162: {  	[tilespmem:v6+s8+$0x0] =	vst.idx.msk $0xffff, v47;
	v6 =	vsel vm0, v3, v4;
	v3 =	vld [tilespmem:$0x1FC70]  }
0x163: {  	v14 =	vsel vm0, v27, v14  }
0x164: {  	v62 =	vcombine.low v43, v14  }
0x165: {  	v36 =	vcombine.low v44, v16  }
0x166: {  	v10 =	vor.u32 v62, v57;
	v24 =	vsel vm0, v30, v13;
	v13 =	vld [tilespmem:$0x1FCB0]  }
0x167: {  	v22 =	vor.u32 v36, v57;
	v35 =	vcombine.low v3, v6;
	v3 =	vld [tilespmem:$0x1FD10];
	_ =	sdelay $0x3  }
0x168: {  	v29 =	vld [tilespmem:$0x1FC40];
	[tilespmem:v10+s8+$0x0] =	vst.idx.msk $0xffff, v48  }
0x169: {  	[tilespmem:v22+s8+$0x0] =	vst.idx.msk $0xffff, v5;
	v5 =	vsel vm0, v3, v13;
	v3 =	vld [tilespmem:$0x1FCA0];
	_ =	sdelay $0x3  }
0x16a: {  	v18 =	vsel vm0, v29, v17;
	v17 =	vld [tilespmem:$0x1FCE0]  }
0x16b: {  	v47 =	vcombine.low v3, v5;
	v3 =	vld [tilespmem:$0x1FD30];
	_ =	sdelay $0x4  }
0x16c: {  	v15 =	vsel vm0, v3, v17;
	v3 =	vld [tilespmem:$0x1FCD0];
	_ =	sdelay $0x1  }
0x16d: {  	v33 =	vcombine.low v51, v18  }
0x16e: {  	v34 =	vcombine.low v2, v24  }
0x16f: {  	v1 =	vor.u32 v33, v57  }
0x170: {  	v2 =	vor.u32 v34, v57;
	v39 =	vcombine.low v3, v15;
	v3 =	vld [tilespmem:$0x1FC60];
	_ =	sdelay $0x3  }
0x171: {  	[tilespmem:v1+s8+$0x0] =	vst.idx.msk $0xffff, v49  }
0x172: {  	[tilespmem:v2+s8+$0x0] =	vst.idx.msk $0xffff, v7;
	v7 =	vsel vm0, v4, v3;
	v3 =	vld [tilespmem:$0x1FD00];
	_ =	sdelay $0x4  }
0x173: {  	v51 =	vcombine.low v7, v3;
	v3 =	vld [tilespmem:$0x1FC90];
	_ =	sdelay $0x4  }
0x174: {  	v22 =	vsel vm0, v13, v3;
	v3 =	vld [tilespmem:$0x1FD20];
	_ =	sdelay $0x4  }
0x175: {  	v40 =	vcombine.low v22, v3;
	v3 =	vld [tilespmem:$0x1FCC0];
	_ =	sdelay $0x4  }
0x176: {  	v58 =	vsel vm0, v17, v3;
	v3 =	vld [tilespmem:$0x1FD40]  }
0x177: {  	v2 =	vadd.s32 v47, v63;
	_ =	sdelay $0x1  }
0x178: {  	[tilespmem:$0x1F6A0] =	vst v32;
	v32 =	vld [tilespmem:$0x1FDA0];
	v1 =	vadd.s32 v35, v63  }
0x179: {  	v4 =	vld [tilespmem:$0x1FB10]  }
0x17a: {  	v41 =	vcombine.low v58, v3;
	v3 =	vld [tilespmem:$0x1FB20]  }
0x17b: {  	v19 =	vld.idx.msk [tilespmem:v2+s3+$0x0], $0xffff  }
0x17c: {  	v2 =	vld [tilespmem:$0x1FD60]  }
0x17d: {  	v37 =	vor.u32 $0x30, v0;
	v17 =	vld.idx.msk [tilespmem:v1+s3+$0x0], $0xffff  }
0x17e: {  	v10 =	vadd.s32 v37, v63;
	v1 =	vld [tilespmem:$0x1FD50]  }
0x17f: {  	v59 =	vsel vm0, v3, v4;
	v3 =	vld [tilespmem:$0x1FD70]  }
0x180: {  	v31 =	vld [tilespmem:$0x1FD90];
	v7 =	vadd.s32 v39, v63  }
0x181: {  	v38 =	vld [tilespmem:$0x1FDB0];
	v43 =	vcombine.low v6, v2;
	v2 =	vadd.s32 v41, v63  }
0x182: {  	v48 =	vld [tilespmem:$0x1FDC0]  }
0x183: {  	v10 =	vld.idx.msk [tilespmem:v10+s3+$0x0], $0xffff;
	v42 =	vcombine.low v59, v1;
	v1 =	vadd.s32 v40, v63  }
0x184: {  	v44 =	vcombine.low v5, v3;
	v3 =	vld [tilespmem:$0x1FD80]  }
0x185: {  	v13 =	vadd.s32 v51, v63;
	v20 =	vld.idx.msk [tilespmem:v7+s3+$0x0], $0xffff  }
0x186: {  	v22 =	vadd.s32 v56, v63;
	v23 =	vld.idx.msk [tilespmem:v2+s3+$0x0], $0xffff  }
0x187: {  	v6 =	vadd.s32 v43, v63;
	v2 =	vld [tilespmem:$0x1FB50]  }
0x188: {  	v21 =	vld.idx.msk [tilespmem:v1+s3+$0x0], $0xffff  }
0x189: {  	v1 =	vld [tilespmem:$0x1FB30];
	v45 =	vcombine.low v15, v3  }
0x18a: {  	v13 =	vld.idx.msk [tilespmem:v13+s3+$0x0], $0xffff  }
0x18b: {  	v22 =	vld.idx.msk [tilespmem:v22+s3+$0x0], $0xffff;
	v58 =	vmov v53;
	v53 =	vsel vm0, v31, v27;
	v15 =	vadd.s32 v45, v63  }
0x18c: {  	v46 =	vcombine.low v8, v53;
	v59 =	vmov v54;
	v54 =	vld.idx.msk [tilespmem:v6+s3+$0x0], $0xffff;
	v8 =	vadd.s32 v2, v63  }
0x18d: {  	v2 =	vld [tilespmem:$0x1FB70]  }
0x18e: {  	v5 =	vadd.s32 v42, v63;
	v25 =	vadd.s32 v1, v63;
	v1 =	vld [tilespmem:$0x1FB40]  }
0x18f: {  	v6 =	vld [tilespmem:$0x1F8E0];
	v7 =	vadd.s32 v44, v63  }
0x190: {  	v27 =	vld.idx.msk [tilespmem:v15+s3+$0x0], $0xffff  }
0x191: {  	v15 =	vsel vm0, v48, v30;
	v30 =	vld.idx.msk [tilespmem:v8+s3+$0x0], $0xffff  }
0x192: {  	v3 =	vadd.s32 v2, v63;
	v8 =	vld [tilespmem:$0x1F910]  }
0x193: {  	v26 =	vld.idx.msk [tilespmem:v5+s3+$0x0], $0xffff;
	v52 =	vadd.s32 v1, v63;
	v1 =	vmov v55;
	v55 =	vsel vm0, v32, v28  }
0x194: {  	v49 =	vmov v56;
	v4 =	vsel vm0, v38, v29;
	v56 =	vld.idx.msk [tilespmem:v7+s3+$0x0], $0xffff;
	v63 =	vcombine.low v9, v55  }
0x195: {  	v2 =	vcombine.low v11, v4;
	v7 =	vld [tilespmem:$0x1F900];
	v9 =	vor.u32 v46, v57  }
0x196: {  	v25 =	vld.idx.msk [tilespmem:v25+s3+$0x0], $0xffff;
	v28 =	vsel vm0, v6, v31;
	v11 =	vor.u32 v63, v57  }
0x197: {  	v3 =	vld.idx.msk [tilespmem:v3+s3+$0x0], $0xffff;
	v5 =	vcombine.low v12, v15;
	v12 =	vor.u32 v2, v57;
	v31 =	vsel vm0, v8, v38  }
0x198: {  	v8 =	vcombine.low v18, v31;
	v18 =	vld [tilespmem:$0x1F920]  }
0x199: {  	v52 =	vld.idx.msk [tilespmem:v52+s3+$0x0], $0xffff  }
0x19a: {  	[tilespmem:v9+s8+$0x0] =	vst.idx.msk $0xffff, v10;
	v10 =	vld [tilespmem:$0x1F8F0]  }
0x19b: {  	v6 =	vcombine.low v14, v28;
	v29 =	vsel vm0, v7, v32;
	[tilespmem:v11+s8+$0x0] =	vst.idx.msk $0xffff, v17  }
0x19c: {  	v7 =	vcombine.low v16, v29;
	v14 =	vor.u32 v5, v57;
	[tilespmem:v12+s8+$0x0] =	vst.idx.msk $0xffff, v19;
	v12 =	vld [tilespmem:$0x1FE00]  }
0x19d: {  	v16 =	vor.u32 v6, v57;
	v48 =	vsel vm0, v18, v48  }
0x19e: {  	v18 =	vor.u32 v7, v57;
	v9 =	vcombine.low v24, v48  }
0x19f: {  	v17 =	vor.u32 v8, v57;
	v10 =	vcombine.low v53, v10  }
0x1a0: {  	v11 =	vld [tilespmem:$0x1FDE0];
	v19 =	vor.u32 v9, v57  }
0x1a1: {  	[tilespmem:v14+s8+$0x0] =	vst.idx.msk $0xffff, v20;
	v14 =	vld [tilespmem:$0x1FE30];
	v12 =	vcombine.low v4, v12;
	v4 =	vor.u32 v10, v57  }
0x1a2: {  	[tilespmem:v16+s8+$0x0] =	vst.idx.msk $0xffff, v22;
	v16 =	vld [tilespmem:$0x1FEA0]  }
0x1a3: {  	[tilespmem:v18+s8+$0x0] =	vst.idx.msk $0xffff, v13;
	v13 =	vld [tilespmem:$0x1FE70]  }
0x1a4: {  	[tilespmem:v17+s8+$0x0] =	vst.idx.msk $0xffff, v21  }
0x1a5: {  	v11 =	vcombine.low v55, v11;
	v18 =	vld [tilespmem:$0x1FEE0];
	[tilespmem:v19+s8+$0x0] =	vst.idx.msk $0xffff, v23  }
0x1a6: {  	[tilespmem:v4+s8+$0x0] =	vst.idx.msk $0xffff, v26;
	v4 =	vld [tilespmem:$0x1FF10]  }
0x1a7: {  	v32 =	vld [tilespmem:$0x1FFD0];
	v14 =	vcombine.low v15, v14;
	v20 =	vor.u32 v11, v57  }
0x1a8: {  	v16 =	vcombine.low v29, v16;
	v29 =	vld [tilespmem:$0x1FFA0];
	v15 =	vcombine.low v28, v13;
	v13 =	vor.u32 v12, v57  }
0x1a9: {  	v17 =	vor.u32 v14, v57;
	v23 =	vld [tilespmem:$0x1FF50]  }
0x1aa: {  	v26 =	vld [tilespmem:$0x1FF70];
	v19 =	vor.u32 v15, v57  }
0x1ab: {  	v28 =	vld [tilespmem:$0x1FF90];
	v18 =	vcombine.low v31, v18;
	v22 =	vcombine.low v48, v4;
	v4 =	vor.u32 v16, v57  }
0x1ac: {  	v31 =	vld [tilespmem:$0x1FFC0];
	[tilespmem:v20+s8+$0x0] =	vst.idx.msk $0xffff, v54  }
0x1ad: {  	v20 =	vor.u32 v18, v57;
	[tilespmem:v13+s8+$0x0] =	vst.idx.msk $0xffff, v56;
	v13 =	vor.u32 v22, v57;
	v57 =	vld [tilespmem:$0x1FFE0]  }
0x1ae: {  	p0 =	sne.s32 s15, $0xF8;
	[tilespmem:v17+s8+$0x0] =	vst.idx.msk $0xffff, v27;
	v27 =	vld [tilespmem:$0x1FF80]  }
.Ltmp0:
0x1af: {  	[tilespmem:v19+s8+$0x0] =	vst.idx.msk $0xffff, v25;
	v25 =	vld [tilespmem:$0x1FF60];
	(pc) =	sbr.rel @p0 .LBB2_3-.Ltmp0, $4  }
0x1b0: {  	[tilespmem:v4+s8+$0x0] =	vst.idx.msk $0xffff, v52;
	v52 =	vld [tilespmem:$0x1FFF0]  }
0x1b1: {  	v4 =	vld [tilespmem:$0x1FF30]  }
0x1b2: {  	[tilespmem:v20+s8+$0x0] =	vst.idx.msk $0xffff, v30;
	v30 =	vld [tilespmem:$0x1FFB0]  }
0x1b3: {  	s16 =	sadd.s32 $0x10, s16;
	s15 =	sadd.s32 $0x8, s15;
	v53 =	vmovc v58;
	v55 =	vmov v1;
	v54 =	vmov v59;
	v56 =	vmov v49;
	[tilespmem:v13+s8+$0x0] =	vst.idx.msk $0xffff, v3;
	v3 =	vld [tilespmem:$0x1FF40]  }
0x1b4: {  	p0 =	seq.s32 s14, $0x0  }
0x1b5: {  	s15 =	simm.s32 @!p0 $0x1  }
0x1b6: {  	s16 =	sshll.u32 s14, $0xD;
	s31 =	sshll.u32 s14, $0x1;
	_ =	swait.ge @!p0 [sflag:s15], $0x8000  }
0x1b7: {  	s17 =	smov.u32 s13;
	s30 =	sadd.s32 s16, s5;
	[sflag:s15] =	ssyncset.done @!p0 $0x0  }
0x1b8: {  	s16 =	simm.s32 $0x0;
	[sflag:s15] =	ssyncadd.s32 @!p0 $0xFFFF8000;
	s15 =	sor.u32 $0x1, s31  }
0x1b9: {  	v0 =	vlaneseq.u32;
	v38 =	vld [tilespmem:$0x1F8D0];
	[hbm4b:s30+s16] =	stream.linear.scatter [tilespmem:s8], [sflag:$0x1], $0x8000, $0x38  }
.LBB2_5:
0x1ba: {  	v3 =	vld [tilespmem:s17+$0x0];
	_ =	sdelay $0x2  }
0x1bb: {  	v4 =	vld [tilespmem:$0x1FF30]  }
0x1bc: {  	v13 =	vld [tilespmem:$0x1FF40]  }
0x1bd: {  	v24 =	vmul.u32 $0x41, v3  }
0x1be: {  	v56 =	vld [tilespmem:$0x1FE50]  }
0x1bf: {  	v3 =	vadd.s32 v0, v24  }
0x1c0: {  	v4 =	vadd.s32 v4, v24  }
0x1c1: {  	v48 =	vld [tilespmem:$0x1FE10];
	v13 =	vadd.s32 v13, v24;
	v17 =	vadd.s32 v23, v24;
	v19 =	vadd.s32 v25, v24  }
0x1c2: {  	v21 =	vadd.s32 v27, v24;
	v27 =	vadd.s32 v31, v24;
	v31 =	vadd.s32 v57, v24;
	v57 =	vld [tilespmem:$0x1FEC0]  }
0x1c3: {  	v23 =	vadd.s32 v28, v24;
	v28 =	vadd.s32 v32, v24;
	v32 =	vadd.s32 v56, v24;
	v56 =	vld [tilespmem:$0x1FE80]  }
0x1c4: {  	v20 =	vadd.s32 v26, v24;
	v3 =	vld.idx.msk [tilespmem:v3+s3+$0x0], $0xffff  }
0x1c5: {  	v4 =	vld.idx.msk [tilespmem:v4+s3+$0x0], $0xffff  }
0x1c6: {  	v13 =	vld.idx.msk [tilespmem:v13+s3+$0x0], $0xffff  }
0x1c7: {  	v25 =	vadd.s32 v29, v24;
	v17 =	vld.idx.msk [tilespmem:v17+s3+$0x0], $0xffff  }
0x1c8: {  	v26 =	vadd.s32 v30, v24;
	v19 =	vld.idx.msk [tilespmem:v19+s3+$0x0], $0xffff  }
0x1c9: {  	v20 =	vld.idx.msk [tilespmem:v20+s3+$0x0], $0xffff  }
0x1ca: {  	v21 =	vld.idx.msk [tilespmem:v21+s3+$0x0], $0xffff  }
0x1cb: {  	v29 =	vadd.s32 v52, v24;
	v23 =	vld.idx.msk [tilespmem:v23+s3+$0x0], $0xffff  }
0x1cc: {  	v25 =	vld.idx.msk [tilespmem:v25+s3+$0x0], $0xffff  }
0x1cd: {  	v30 =	vmov s16;
	v26 =	vld.idx.msk [tilespmem:v26+s3+$0x0], $0xffff  }
0x1ce: {  	v30 =	vshll.u32 v30, $0x7;
	v27 =	vld.idx.msk [tilespmem:v27+s3+$0x0], $0xffff  }
0x1cf: {  	v52 =	vadd.s32 v57, v24;
	v57 =	vor.u32 v53, v30;
	v28 =	vld.idx.msk [tilespmem:v28+s3+$0x0], $0xffff  }
0x1d0: {  	v29 =	vld.idx.msk [tilespmem:v29+s3+$0x0], $0xffff;
	v30 =	vor.u32 v54, v57  }
0x1d1: {  	v54 =	vor.u32 v48, v57;
	v48 =	vld [tilespmem:$0x1FE40]  }
0x1d2: {  	v31 =	vld.idx.msk [tilespmem:v31+s3+$0x0], $0xffff;
	v53 =	vor.u32 v55, v57  }
0x1d3: {  	v32 =	vld.idx.msk [tilespmem:v32+s3+$0x0], $0xffff  }
0x1d4: {  	v52 =	vld.idx.msk [tilespmem:v52+s3+$0x0], $0xffff  }
0x1d5: {  	[tilespmem:v30+s9+$0x0] =	vst.idx.msk $0xffff, v3;
	v3 =	vld [tilespmem:$0x1FEB0]  }
0x1d6: {  	v55 =	vor.u32 v48, v57  }
0x1d7: {  	[tilespmem:v53+s9+$0x0] =	vst.idx.msk $0xffff, v4;
	v4 =	vld [tilespmem:$0x1FEF0]  }
0x1d8: {  	v56 =	vor.u32 v56, v57  }
0x1d9: {  	[tilespmem:v54+s9+$0x0] =	vst.idx.msk $0xffff, v13;
	v13 =	vld [tilespmem:$0x1FF20]  }
0x1da: {  	v30 =	vld [tilespmem:$0x1F620];
	v3 =	vor.u32 v3, v57  }
0x1db: {  	[tilespmem:v55+s9+$0x0] =	vst.idx.msk $0xffff, v17;
	v17 =	vld [tilespmem:$0x1F980]  }
0x1dc: {  	v48 =	vld [tilespmem:$0x1F650];
	v4 =	vor.u32 v4, v57  }
0x1dd: {  	[tilespmem:v56+s9+$0x0] =	vst.idx.msk $0xffff, v19;
	v19 =	vld [tilespmem:$0x1F4E0]  }
0x1de: {  	v56 =	vld [tilespmem:$0x1F640];
	v13 =	vor.u32 v13, v57  }
0x1df: {  	[tilespmem:v3+s9+$0x0] =	vst.idx.msk $0xffff, v20;
	v3 =	vld [tilespmem:$0x1F4F0]  }
0x1e0: {  	v17 =	vor.u32 v17, v57;
	v20 =	vld [tilespmem:$0x1F5A0]  }
0x1e1: {  	[tilespmem:v4+s9+$0x0] =	vst.idx.msk $0xffff, v21;
	v4 =	vld [tilespmem:$0x1F500]  }
0x1e2: {  	v19 =	vor.u32 v19, v57;
	v21 =	vld [tilespmem:$0x1F5B0]  }
0x1e3: {  	[tilespmem:v13+s9+$0x0] =	vst.idx.msk $0xffff, v23;
	v13 =	vld [tilespmem:$0x1F510]  }
0x1e4: {  	v23 =	vld [tilespmem:$0x1F5C0];
	v3 =	vor.u32 v3, v57  }
0x1e5: {  	[tilespmem:v17+s9+$0x0] =	vst.idx.msk $0xffff, v25;
	v17 =	vld [tilespmem:$0x1F520]  }
0x1e6: {  	v25 =	vld [tilespmem:$0x1F5D0];
	v4 =	vor.u32 v4, v57  }
0x1e7: {  	[tilespmem:v19+s9+$0x0] =	vst.idx.msk $0xffff, v26;
	v19 =	vld [tilespmem:$0x1F530]  }
0x1e8: {  	v26 =	vld [tilespmem:$0x1F5E0];
	v13 =	vor.u32 v13, v57  }
0x1e9: {  	[tilespmem:v3+s9+$0x0] =	vst.idx.msk $0xffff, v27;
	v3 =	vld [tilespmem:$0x1F540]  }
0x1ea: {  	v17 =	vor.u32 v17, v57;
	v27 =	vld [tilespmem:$0x1F5F0]  }
0x1eb: {  	[tilespmem:v4+s9+$0x0] =	vst.idx.msk $0xffff, v28;
	v4 =	vld [tilespmem:$0x1F550]  }
0x1ec: {  	v19 =	vor.u32 v19, v57;
	v28 =	vld [tilespmem:$0x1F600]  }
0x1ed: {  	[tilespmem:v13+s9+$0x0] =	vst.idx.msk $0xffff, v29;
	v13 =	vld [tilespmem:$0x1F560]  }
0x1ee: {  	v29 =	vld [tilespmem:$0x1F610];
	v3 =	vor.u32 v3, v57  }
0x1ef: {  	[tilespmem:v17+s9+$0x0] =	vst.idx.msk $0xffff, v31;
	v17 =	vld [tilespmem:$0x1F570]  }
0x1f0: {  	v31 =	vld [tilespmem:$0x1F630];
	v4 =	vadd.s32 v4, v24  }
0x1f1: {  	v20 =	vadd.s32 v20, v24;
	[tilespmem:v19+s9+$0x0] =	vst.idx.msk $0xffff, v32;
	v19 =	vld [tilespmem:$0x1F580]  }
0x1f2: {  	v21 =	vadd.s32 v21, v24;
	v32 =	vadd.s32 v56, v24;
	v56 =	vld [tilespmem:$0x1F660]  }
0x1f3: {  	v23 =	vadd.s32 v23, v24;
	[tilespmem:v3+s9+$0x0] =	vst.idx.msk $0xffff, v52;
	v3 =	vld [tilespmem:$0x1F590]  }
0x1f4: {  	v25 =	vadd.s32 v25, v24;
	v52 =	vor.u32 v48, v57;
	v48 =	vld [tilespmem:$0x1F670]  }
0x1f5: {  	v26 =	vadd.s32 v26, v24;
	v4 =	vld.idx.msk [tilespmem:v4+s3+$0x0], $0xffff  }
0x1f6: {  	v27 =	vadd.s32 v27, v24;
	v20 =	vld.idx.msk [tilespmem:v20+s3+$0x0], $0xffff  }
0x1f7: {  	v28 =	vadd.s32 v28, v24;
	v21 =	vld.idx.msk [tilespmem:v21+s3+$0x0], $0xffff  }
0x1f8: {  	v30 =	vadd.s32 v30, v24;
	v23 =	vld.idx.msk [tilespmem:v23+s3+$0x0], $0xffff  }
0x1f9: {  	v25 =	vld.idx.msk [tilespmem:v25+s3+$0x0], $0xffff  }
0x1fa: {  	v26 =	vld.idx.msk [tilespmem:v26+s3+$0x0], $0xffff  }
0x1fb: {  	v13 =	vadd.s32 v13, v24;
	v27 =	vld.idx.msk [tilespmem:v27+s3+$0x0], $0xffff  }
0x1fc: {  	v29 =	vadd.s32 v29, v24;
	v28 =	vld.idx.msk [tilespmem:v28+s3+$0x0], $0xffff  }
0x1fd: {  	v17 =	vadd.s32 v17, v24;
	v30 =	vld.idx.msk [tilespmem:v30+s3+$0x0], $0xffff  }
0x1fe: {  	v31 =	vadd.s32 v31, v24;
	v32 =	vld.idx.msk [tilespmem:v32+s3+$0x0], $0xffff  }
0x1ff: {  	v54 =	vor.u32 v48, v57;
	v48 =	vld [tilespmem:$0x1F680]  }
0x200: {  	v19 =	vadd.s32 v19, v24;
	v13 =	vld.idx.msk [tilespmem:v13+s3+$0x0], $0xffff  }
0x201: {  	v29 =	vld.idx.msk [tilespmem:v29+s3+$0x0], $0xffff;
	v3 =	vadd.s32 v3, v24  }
0x202: {  	v17 =	vld.idx.msk [tilespmem:v17+s3+$0x0], $0xffff  }
0x203: {  	v31 =	vld.idx.msk [tilespmem:v31+s3+$0x0], $0xffff  }
0x204: {  	v53 =	vor.u32 v56, v57;
	v55 =	vor.u32 v48, v57;
	v48 =	vld [tilespmem:$0x1F690]  }
0x205: {  	v19 =	vld.idx.msk [tilespmem:v19+s3+$0x0], $0xffff  }
0x206: {  	v3 =	vld.idx.msk [tilespmem:v3+s3+$0x0], $0xffff  }
0x207: {  	[tilespmem:v52+s9+$0x0] =	vst.idx.msk $0xffff, v4;
	v4 =	vld [tilespmem:$0x1F6A0];
	_ =	sdelay $0x1  }
0x208: {  	[tilespmem:v53+s9+$0x0] =	vst.idx.msk $0xffff, v13;
	v13 =	vld [tilespmem:$0x1F6B0];
	v56 =	vor.u32 v48, v57  }
0x209: {  	[tilespmem:v54+s9+$0x0] =	vst.idx.msk $0xffff, v17;
	v17 =	vld [tilespmem:$0x1F6C0]  }
0x20a: {  	v48 =	vld [tilespmem:$0x1F850]  }
0x20b: {  	v4 =	vor.u32 v4, v57  }
0x20c: {  	[tilespmem:v55+s9+$0x0] =	vst.idx.msk $0xffff, v19;
	v19 =	vld [tilespmem:$0x1F6D0]  }
0x20d: {  	v13 =	vor.u32 v13, v57;
	[tilespmem:v56+s9+$0x0] =	vst.idx.msk $0xffff, v3;
	v3 =	vld [tilespmem:$0x1F6E0]  }
0x20e: {  	v56 =	vld [tilespmem:$0x1F840]  }
0x20f: {  	v17 =	vor.u32 v17, v57;
	v52 =	vor.u32 v48, v57;
	v48 =	vld [tilespmem:$0x1F870]  }
0x210: {  	[tilespmem:v4+s9+$0x0] =	vst.idx.msk $0xffff, v20;
	v4 =	vld [tilespmem:$0x1F6F0]  }
0x211: {  	v20 =	vld [tilespmem:$0x1F7A0]  }
0x212: {  	v19 =	vor.u32 v19, v57;
	[tilespmem:v13+s9+$0x0] =	vst.idx.msk $0xffff, v21;
	v13 =	vld [tilespmem:$0x1F700]  }
0x213: {  	v21 =	vld [tilespmem:$0x1F7B0]  }
0x214: {  	[tilespmem:v17+s9+$0x0] =	vst.idx.msk $0xffff, v23;
	v17 =	vld [tilespmem:$0x1F710];
	v3 =	vor.u32 v3, v57  }
0x215: {  	v23 =	vld [tilespmem:$0x1F7C0]  }
0x216: {  	v54 =	vor.u32 v48, v57;
	v48 =	vld [tilespmem:$0x1F880]  }
0x217: {  	[tilespmem:v19+s9+$0x0] =	vst.idx.msk $0xffff, v25;
	v19 =	vld [tilespmem:$0x1F720];
	v4 =	vor.u32 v4, v57  }
0x218: {  	v25 =	vld [tilespmem:$0x1F7D0]  }
0x219: {  	v13 =	vor.u32 v13, v57;
	[tilespmem:v3+s9+$0x0] =	vst.idx.msk $0xffff, v26;
	v3 =	vld [tilespmem:$0x1F730]  }
0x21a: {  	v26 =	vld [tilespmem:$0x1F7E0]  }
0x21b: {  	v17 =	vor.u32 v17, v57;
	v55 =	vor.u32 v48, v57;
	v48 =	vld [tilespmem:$0x1F890]  }
0x21c: {  	[tilespmem:v4+s9+$0x0] =	vst.idx.msk $0xffff, v27;
	v4 =	vld [tilespmem:$0x1F740]  }
0x21d: {  	v19 =	vor.u32 v19, v57;
	v27 =	vld [tilespmem:$0x1F7F0]  }
0x21e: {  	[tilespmem:v13+s9+$0x0] =	vst.idx.msk $0xffff, v28;
	v13 =	vld [tilespmem:$0x1F750]  }
0x21f: {  	v28 =	vld [tilespmem:$0x1F800];
	v3 =	vor.u32 v3, v57  }
0x220: {  	[tilespmem:v17+s9+$0x0] =	vst.idx.msk $0xffff, v29;
	v17 =	vld [tilespmem:$0x1F760]  }
0x221: {  	v29 =	vld [tilespmem:$0x1F810];
	v4 =	vor.u32 v4, v57  }
0x222: {  	[tilespmem:v19+s9+$0x0] =	vst.idx.msk $0xffff, v30;
	v19 =	vld [tilespmem:$0x1F770]  }
0x223: {  	v30 =	vld [tilespmem:$0x1F820];
	v13 =	vadd.s32 v13, v24  }
0x224: {  	v20 =	vadd.s32 v20, v24;
	[tilespmem:v3+s9+$0x0] =	vst.idx.msk $0xffff, v31;
	v3 =	vld [tilespmem:$0x1F780]  }
0x225: {  	v21 =	vadd.s32 v21, v24;
	v31 =	vld [tilespmem:$0x1F830]  }
0x226: {  	v23 =	vadd.s32 v23, v24;
	[tilespmem:v4+s9+$0x0] =	vst.idx.msk $0xffff, v32;
	v4 =	vld [tilespmem:$0x1F790]  }
0x227: {  	v25 =	vadd.s32 v25, v24;
	v32 =	vadd.s32 v56, v24;
	v56 =	vld [tilespmem:$0x1F860]  }
0x228: {  	v26 =	vadd.s32 v26, v24;
	v13 =	vld.idx.msk [tilespmem:v13+s3+$0x0], $0xffff  }
0x229: {  	v27 =	vadd.s32 v27, v24;
	v20 =	vld.idx.msk [tilespmem:v20+s3+$0x0], $0xffff  }
0x22a: {  	v28 =	vadd.s32 v28, v24;
	v21 =	vld.idx.msk [tilespmem:v21+s3+$0x0], $0xffff  }
0x22b: {  	v17 =	vadd.s32 v17, v24;
	v23 =	vld.idx.msk [tilespmem:v23+s3+$0x0], $0xffff  }
0x22c: {  	v29 =	vadd.s32 v29, v24;
	v25 =	vld.idx.msk [tilespmem:v25+s3+$0x0], $0xffff  }
0x22d: {  	v19 =	vadd.s32 v19, v24;
	v26 =	vld.idx.msk [tilespmem:v26+s3+$0x0], $0xffff  }
0x22e: {  	v30 =	vadd.s32 v30, v24;
	v27 =	vld.idx.msk [tilespmem:v27+s3+$0x0], $0xffff  }
0x22f: {  	v28 =	vld.idx.msk [tilespmem:v28+s3+$0x0], $0xffff  }
0x230: {  	v17 =	vld.idx.msk [tilespmem:v17+s3+$0x0], $0xffff;
	v3 =	vadd.s32 v3, v24  }
0x231: {  	v29 =	vld.idx.msk [tilespmem:v29+s3+$0x0], $0xffff;
	v31 =	vadd.s32 v31, v24  }
0x232: {  	v19 =	vld.idx.msk [tilespmem:v19+s3+$0x0], $0xffff;
	v4 =	vadd.s32 v4, v24  }
0x233: {  	v30 =	vld.idx.msk [tilespmem:v30+s3+$0x0], $0xffff  }
0x234: {  	v53 =	vor.u32 v56, v57;
	v32 =	vld.idx.msk [tilespmem:v32+s3+$0x0], $0xffff  }
0x235: {  	v3 =	vld.idx.msk [tilespmem:v3+s3+$0x0], $0xffff  }
0x236: {  	v31 =	vld.idx.msk [tilespmem:v31+s3+$0x0], $0xffff  }
0x237: {  	v4 =	vld.idx.msk [tilespmem:v4+s3+$0x0], $0xffff  }
0x238: {  	[tilespmem:v52+s9+$0x0] =	vst.idx.msk $0xffff, v13;
	v13 =	vld [tilespmem:$0x1F8A0]  }
0x239: {  	[tilespmem:v53+s9+$0x0] =	vst.idx.msk $0xffff, v17;
	v17 =	vld [tilespmem:$0x1F8B0]  }
0x23a: {  	[tilespmem:v54+s9+$0x0] =	vst.idx.msk $0xffff, v19;
	v19 =	vld [tilespmem:$0x1F8C0];
	_ =	sdelay $0x1  }
0x23b: {  	v56 =	vor.u32 v48, v57  }
0x23c: {  	v13 =	vor.u32 v13, v57  }
0x23d: {  	v17 =	vor.u32 v17, v57  }
0x23e: {  	v19 =	vor.u32 v19, v57  }
0x23f: {  	[tilespmem:v55+s9+$0x0] =	vst.idx.msk $0xffff, v3;
	v3 =	vor.u32 v38, v57  }
0x240: {  	[tilespmem:v56+s9+$0x0] =	vst.idx.msk $0xffff, v4;
	v4 =	vor.u32 v50, v57  }
0x241: {  	[tilespmem:v13+s9+$0x0] =	vst.idx.msk $0xffff, v20;
	v13 =	vor.u32 v60, v57  }
0x242: {  	[tilespmem:v17+s9+$0x0] =	vst.idx.msk $0xffff, v21;
	v17 =	vor.u32 v61, v57  }
0x243: {  	[tilespmem:v19+s9+$0x0] =	vst.idx.msk $0xffff, v23;
	v19 =	vor.u32 v62, v57  }
0x244: {  	[tilespmem:v3+s9+$0x0] =	vst.idx.msk $0xffff, v25;
	v3 =	vor.u32 v36, v57  }
0x245: {  	[tilespmem:v4+s9+$0x0] =	vst.idx.msk $0xffff, v26;
	v4 =	vor.u32 v33, v57  }
0x246: {  	[tilespmem:v13+s9+$0x0] =	vst.idx.msk $0xffff, v27;
	v13 =	vor.u32 v34, v57  }
0x247: {  	[tilespmem:v17+s9+$0x0] =	vst.idx.msk $0xffff, v28;
	v17 =	vadd.s32 v37, v24  }
0x248: {  	v56 =	vld [tilespmem:$0x1FB70];
	v20 =	vadd.s32 v51, v24;
	[tilespmem:v19+s9+$0x0] =	vst.idx.msk $0xffff, v29  }
0x249: {  	v21 =	vadd.s32 v40, v24;
	v29 =	vld [tilespmem:$0x1FB30];
	[tilespmem:v3+s9+$0x0] =	vst.idx.msk $0xffff, v30  }
0x24a: {  	v23 =	vadd.s32 v41, v24;
	v30 =	vld [tilespmem:$0x1FB40];
	[tilespmem:v4+s9+$0x0] =	vst.idx.msk $0xffff, v31  }
0x24b: {  	v25 =	vadd.s32 v42, v24;
	v31 =	vld [tilespmem:$0x1FB50];
	[tilespmem:v13+s9+$0x0] =	vst.idx.msk $0xffff, v32  }
0x24c: {  	v26 =	vadd.s32 v43, v24;
	v17 =	vld.idx.msk [tilespmem:v17+s3+$0x0], $0xffff  }
0x24d: {  	v27 =	vadd.s32 v44, v24;
	v20 =	vld.idx.msk [tilespmem:v20+s3+$0x0], $0xffff  }
0x24e: {  	v28 =	vadd.s32 v45, v24;
	v21 =	vld.idx.msk [tilespmem:v21+s3+$0x0], $0xffff  }
0x24f: {  	v19 =	vadd.s32 v35, v24;
	v23 =	vld.idx.msk [tilespmem:v23+s3+$0x0], $0xffff  }
0x250: {  	v3 =	vadd.s32 v47, v24;
	v25 =	vld.idx.msk [tilespmem:v25+s3+$0x0], $0xffff  }
0x251: {  	v4 =	vadd.s32 v39, v24;
	v26 =	vld.idx.msk [tilespmem:v26+s3+$0x0], $0xffff  }
0x252: {  	v13 =	vadd.s32 v49, v24;
	v27 =	vld.idx.msk [tilespmem:v27+s3+$0x0], $0xffff  }
0x253: {  	v28 =	vld.idx.msk [tilespmem:v28+s3+$0x0], $0xffff;
	v29 =	vadd.s32 v29, v24  }
0x254: {  	v19 =	vld.idx.msk [tilespmem:v19+s3+$0x0], $0xffff;
	v30 =	vadd.s32 v30, v24  }
0x255: {  	v3 =	vld.idx.msk [tilespmem:v3+s3+$0x0], $0xffff;
	v31 =	vadd.s32 v31, v24  }
0x256: {  	v32 =	vor.u32 v46, v57;
	v4 =	vld.idx.msk [tilespmem:v4+s3+$0x0], $0xffff;
	v24 =	vadd.s32 v56, v24  }
0x257: {  	v52 =	vor.u32 v63, v57;
	v13 =	vld.idx.msk [tilespmem:v13+s3+$0x0], $0xffff  }
0x258: {  	v53 =	vor.u32 v2, v57;
	v29 =	vld.idx.msk [tilespmem:v29+s3+$0x0], $0xffff  }
0x259: {  	v54 =	vor.u32 v5, v57;
	v30 =	vld.idx.msk [tilespmem:v30+s3+$0x0], $0xffff  }
0x25a: {  	v48 =	vor.u32 v6, v57;
	v31 =	vld.idx.msk [tilespmem:v31+s3+$0x0], $0xffff  }
0x25b: {  	v24 =	vld.idx.msk [tilespmem:v24+s3+$0x0], $0xffff;
	[tilespmem:v32+s9+$0x0] =	vst.idx.msk $0xffff, v17;
	v17 =	vor.u32 v7, v57  }
0x25c: {  	[tilespmem:v52+s9+$0x0] =	vst.idx.msk $0xffff, v19;
	v19 =	vor.u32 v8, v57  }
0x25d: {  	[tilespmem:v53+s9+$0x0] =	vst.idx.msk $0xffff, v3;
	v3 =	vor.u32 v9, v57  }
0x25e: {  	[tilespmem:v54+s9+$0x0] =	vst.idx.msk $0xffff, v4;
	v4 =	vor.u32 v10, v57  }
0x25f: {  	[tilespmem:v48+s9+$0x0] =	vst.idx.msk $0xffff, v13;
	v13 =	vor.u32 v11, v57  }
0x260: {  	v32 =	vld [tilespmem:$0x1FFD0];
	[tilespmem:v17+s9+$0x0] =	vst.idx.msk $0xffff, v20;
	v17 =	vor.u32 v12, v57  }
0x261: {  	v52 =	vld [tilespmem:$0x1FFF0];
	[tilespmem:v19+s9+$0x0] =	vst.idx.msk $0xffff, v21  }
0x262: {  	v19 =	vor.u32 v14, v57;
	[tilespmem:v3+s9+$0x0] =	vst.idx.msk $0xffff, v23;
	v23 =	vld [tilespmem:$0x1FF50]  }
0x263: {  	v3 =	vor.u32 v15, v57;
	[tilespmem:v4+s9+$0x0] =	vst.idx.msk $0xffff, v25;
	v25 =	vld [tilespmem:$0x1FF60]  }
0x264: {  	[tilespmem:v13+s9+$0x0] =	vst.idx.msk $0xffff, v26;
	v26 =	vld [tilespmem:$0x1FF70]  }
0x265: {  	v4 =	vor.u32 v16, v57;
	[tilespmem:v17+s9+$0x0] =	vst.idx.msk $0xffff, v27;
	v27 =	vld [tilespmem:$0x1FF80]  }
0x266: {  	v13 =	vor.u32 v18, v57;
	v17 =	vor.u32 v22, v57;
	v57 =	vld [tilespmem:$0x1FFE0]  }
0x267: {  	p0 =	sne.s32 s16, $0xF8;
	[tilespmem:v19+s9+$0x0] =	vst.idx.msk $0xffff, v28;
	v28 =	vld [tilespmem:$0x1FF90]  }
.Ltmp1:
0x268: {  	[tilespmem:v3+s9+$0x0] =	vst.idx.msk $0xffff, v29;
	v29 =	vld [tilespmem:$0x1FFA0];
	(pc) =	sbr.rel @p0 .LBB2_5-.Ltmp1, $4  }
0x269: {  	v3 =	vld [tilespmem:$0x1FF40]  }
0x26a: {  	[tilespmem:v4+s9+$0x0] =	vst.idx.msk $0xffff, v30;
	v30 =	vld [tilespmem:$0x1FFB0]  }
0x26b: {  	v4 =	vld [tilespmem:$0x1FF30];
	[tilespmem:v13+s9+$0x0] =	vst.idx.msk $0xffff, v31  }
0x26c: {  	s17 =	sadd.s32 $0x10, s17;
	s16 =	sadd.s32 $0x8, s16;
	v55 =	vmov v1;
	v53 =	vmov v58;
	v54 =	vmov v59;
	v31 =	vld [tilespmem:$0x1FFC0];
	[tilespmem:v17+s9+$0x0] =	vst.idx.msk $0xffff, v24  }
0x26d: {  	s14 =	sadd.s32 $0x1, s14  }
0x26e: {  	p0 =	sne.s32 s14, $0x10  }
.Ltmp2:
0x26f: {  	_ = 	snop;
	(pc) =	sbr.rel @p0 .LBB2_2-.Ltmp2, $4  }
0x270: {  	_ =	swait.ge [sflag:s10], $0x8000  }
0x271: {  	s15 =	sshll.u32 s15, $0xC;
	s12 =	sadd.s32 $0x400, s12;
	[sflag:s10] =	ssyncset.done $0x0  }
0x272: {  	s13 =	sadd.s32 $0x400, s13;
	s15 =	sadd.s32 s15, s5;
	[sflag:s10] =	ssyncadd.s32 $0xFFFF8000  }
0x273: {  	v56 =	vmov v49;
	[hbm4b:s15+s3] =	stream.linear.scatter [tilespmem:s9], [sflag:$0x1], $0x8000, $0x38;
	[tilespmem:$0x18290] =	vst v63  }
0x274: {  	s11 =	sadd.s32 $0x1, s11  }
0x275: {  	p0 =	sne.s32 s11, s6  }
.Ltmp3:
0x276: {  	_ = 	snop;
	(pc) =	sbr.rel @p0 .LBB2_1-.Ltmp3, $4  }
0x277: {  	_ = 	snop  }
0x278: {  	_ =	swait.ge [sflag:s10], $0x8000  }
0x279: {  	[sflag:s10] =	ssyncset.done $0x0  }
0x27a: {  	[sflag:s10] =	ssyncadd.s32 $0xFFFF8000  }
0x27b: {  	_ =	sfence.sel $0x180000  }
0x27c: {  	[bflag:$0x0] =	sbarrier.arrive $0xFFFF  }
0x27d: {  	p0 =	sne.s32 s2, $0x0;
	_ =	strace $0x90000047  }
0x27e: {  	s0 =	sadd.s32 @!p0 $0x100000, s1;
	[bflag:$0x2] =	sbarrier.arrive $0xFFFF  }
0x27f: {  	[sflag:s0] =	ssyncadd.tile.s32 @!p0 $0x1;
	_ =	shalt  }
.Lfunc_end2:
_tile_overlayer_lowered:
.L_overlay_start_2:
0x280: {  	(tag) =	ssettag $0x2  }
0x281: {  	s0 =	rddreg [dreg:$0x0];
	s2 =	stileid.u32  }
0x282: {  	s1 =	rddreg [dreg:$0x1];
	p0 =	sne.s32 s2, $0x0  }
0x283: {  	s3 =	rddreg [dreg:$0x2];
	[bflag:$0x3] =	sbarrier.arrive $0xFFFF;
	s2 =	simm.s32 @!p0 $0x1C02  }
0x284: {  	[timem:s3], [sflag:s2] =	dma.local @!p0 [hbm:s0], s1  }
0x285: {  	s0 =	simm.s32 @!p0 $0x2  }
0x286: {  	_ =	swait.ge @!p0 [sflag:s0], s1  }
0x287: {  	s1 =	ssub.s32 @!p0 $0x0, s1;
	[sflag:s0] =	ssyncset.done @!p0 $0x0  }
0x288: {  	[sflag:s0] =	ssyncadd.s32 @!p0 s1  }
0x289: {  	[bflag:$0x3] =	sbarrier.arrive $0xFFFF  }
0x28a: {  	_ =	shalt  }

</sc_bundles>
